<compile_context>
chip_gen: v7x
topology: tpu7x:2x2x1
jax: 0.10.2.dev20260603
libtpu: 0.0.44.dev20260713+nightly
codegen_flags: <defaults>
</compile_context>

<pallas_src>
import functools

import jax
import jax.numpy as jnp
from jax import lax
from jax.experimental import pallas as pl
from jax.experimental.pallas import tpu as pltpu
from jax.experimental.pallas import tpu_sc as plsc

N = 10000
E = 320000
C = 128
HID = 64
EA = E + N

NC = 2
NS = 16
NW = NC * NS
CH = 128
EAP = ((EA + NW * CH - 1) // (NW * CH)) * (NW * CH)
CPW = EAP // (NW * CH)

BLK = 12288
BLK5 = 4096
BLKN = 2000
GRID_N = N // BLKN

_P = jax.lax.Precision.DEFAULT


def _dot(a, b):
    return jnp.dot(a, b, precision=_P, preferred_element_type=jnp.float32)


def _p0_body(x_ref, win_ref, bin_ref, wsrc_ref, wdst_ref, wv_ref, a1_ref,
             ps_ref, pd_ref, v_ref):
    h = jax.nn.relu(_dot(x_ref[...], win_ref[...]) + bin_ref[...])
    a1 = a1_ref[...]
    ps_ref[...] = _dot(h, _dot(wsrc_ref[...], a1))
    pd_ref[...] = _dot(h, _dot(wdst_ref[...], a1))
    v_ref[...] = _dot(h, wv_ref[...])


def _p0(x, win, bin2, wsrc, wdst, wv, a1):
    full = lambda shape: pl.BlockSpec(shape, lambda i: (0, 0))
    return pl.pallas_call(
        _p0_body,
        grid=(GRID_N,),
        in_specs=[
            pl.BlockSpec((BLKN, C), lambda i: (i, 0)),
            full((C, C)), full((1, C)), full((C, C)), full((C, C)),
            full((C, C)), full((C, HID)),
        ],
        out_specs=[
            pl.BlockSpec((BLKN, HID), lambda i: (i, 0)),
            pl.BlockSpec((BLKN, HID), lambda i: (i, 0)),
            pl.BlockSpec((BLKN, C), lambda i: (i, 0)),
        ],
        out_shape=[
            jax.ShapeDtypeStruct((N, HID), jnp.float32),
            jax.ShapeDtypeStruct((N, HID), jnp.float32),
            jax.ShapeDtypeStruct((N, C), jnp.float32),
        ],
    )(x, win, bin2, wsrc, wdst, wv, a1)


_SC_MESH = dict(core_axis_name="c", subcore_axis_name="s")


def _worker_base():
    wid = lax.axis_index("s") * NC + lax.axis_index("c")
    return wid * (CPW * CH)


def _s1a_body(src_hbm, dst_hbm, posi_hbm, oposx,
              idxs0, idxd0, bps0, bpd0, idxs1, idxd1, bps1, bpd1,
              sem0, sem1):
    base_w = _worker_base()

    def fire(ci, idxs_v, idxd_v, bps, bpd, sem):
        base = base_w + ci * CH
        pltpu.sync_copy(src_hbm.at[pl.ds(base, CH)], idxs_v)
        pltpu.sync_copy(dst_hbm.at[pl.ds(base, CH)], idxd_v)
        pltpu.async_copy(posi_hbm.at[idxs_v], bps, sem)
        pltpu.async_copy(posi_hbm.at[idxd_v], bpd, sem)

    def waitg(bps, bpd, sem):
        pltpu.make_async_copy(posi_hbm.at[pl.ds(0, CH)], bps, sem).wait()
        pltpu.make_async_copy(posi_hbm.at[pl.ds(0, CH)], bpd, sem).wait()

    def store(ci, bps, bpd):
        base = base_w + ci * CH
        pltpu.sync_copy(bps, oposx.at[pl.ds(base, CH), pl.ds(0, 16)])
        pltpu.sync_copy(bpd, oposx.at[pl.ds(base, CH), pl.ds(16, 16)])

    fire(0, idxs0, idxd0, bps0, bpd0, sem0)

    def body(j2, _):
        ja = 2 * j2
        fire(ja + 1, idxs1, idxd1, bps1, bpd1, sem1)
        waitg(bps0, bpd0, sem0)
        store(ja, bps0, bpd0)
        fire(ja + 2, idxs0, idxd0, bps0, bpd0, sem0)
        waitg(bps1, bpd1, sem1)
        store(ja + 1, bps1, bpd1)
        return 0

    lax.fori_loop(0, CPW // 2, body, 0)
    waitg(bps0, bpd0, sem0)
    store(CPW - 1, bps0, bpd0)


def _s1b_body(src_hbm, dst_hbm, ps_hbm, pd_hbm, og, idxs_v, idxd_v,
              bpss, bpdd, sem):
    base_w = _worker_base()

    def body(ci, _):
        base = base_w + ci * CH
        pltpu.sync_copy(src_hbm.at[pl.ds(base, CH)], idxs_v)
        pltpu.sync_copy(dst_hbm.at[pl.ds(base, CH)], idxd_v)
        cp1 = pltpu.async_copy(ps_hbm.at[idxs_v], bpss, sem)
        cp2 = pltpu.async_copy(pd_hbm.at[idxd_v], bpdd, sem)
        cp1.wait(); cp2.wait()
        pltpu.sync_copy(bpss, og.at[pl.ds(base, CH), pl.ds(0, HID)])
        pltpu.sync_copy(bpdd, og.at[pl.ds(base, CH), pl.ds(HID, HID)])
        return 0

    lax.fori_loop(0, CPW, body, 0)


def _s1c_body(src_hbm, v_hbm, ovs, idxs_v, bvs, sem):
    base_w = _worker_base()

    def body(ci, _):
        base = base_w + ci * CH
        pltpu.sync_copy(src_hbm.at[pl.ds(base, CH)], idxs_v)
        pltpu.async_copy(v_hbm.at[idxs_v], bvs, sem).wait()
        pltpu.sync_copy(bvs, ovs.at[pl.ds(base, CH)])
        return 0

    lax.fori_loop(0, CPW, body, 0)


def _sc_call(body, out_widths, scratch):
    return pl.kernel(
        body,
        out_type=[jax.ShapeDtypeStruct((EAP, w), jnp.float32)
                  for w in out_widths],
        mesh=plsc.VectorSubcoreMesh(**_SC_MESH),
        scratch_types=scratch + [pltpu.SemaphoreType.DMA],
        compiler_params=pltpu.CompilerParams(use_tc_tiling_on_sc=False),
    )


def _s1a(src_p, dst_p, posi):
    f = _sc_call(_s1a_body, [C], [
        pltpu.VMEM((CH,), jnp.int32), pltpu.VMEM((CH,), jnp.int32),
        pltpu.VMEM((CH, 16), jnp.float32), pltpu.VMEM((CH, 16), jnp.float32),
        pltpu.VMEM((CH,), jnp.int32), pltpu.VMEM((CH,), jnp.int32),
        pltpu.VMEM((CH, 16), jnp.float32), pltpu.VMEM((CH, 16), jnp.float32),
        pltpu.SemaphoreType.DMA])
    return f(src_p, dst_p, posi)[0]


def _s1b(src_p, dst_p, psT, pdT):
    f = _sc_call(_s1b_body, [C], [
        pltpu.VMEM((CH,), jnp.int32), pltpu.VMEM((CH,), jnp.int32),
        pltpu.VMEM((CH, HID), jnp.float32),
        pltpu.VMEM((CH, HID), jnp.float32)])
    return f(src_p, dst_p, psT, pdT)[0]


def _s1c(src_p, vT):
    f = _sc_call(_s1c_body, [C], [
        pltpu.VMEM((CH,), jnp.int32), pltpu.VMEM((CH, C), jnp.float32)])
    return f(src_p, vT)[0]


def _edge_mask(psrc, pdst, i):
    blk = psrc.shape[0]
    rows = (jnp.float32(i) * blk
            + lax.broadcasted_iota(jnp.int32, (blk, 1), 0).astype(jnp.float32))
    in_e = jnp.clip(jnp.float32(E) - rows, 0.0, 1.0)
    in_ea = jnp.clip(jnp.float32(EA) - rows, 0.0, 1.0)
    neq = jnp.minimum(jnp.abs(psrc[:, 3:4] - pdst[:, 3:4]), 1.0)
    vf = in_e * neq + (1.0 - in_e) * in_ea
    return vf


def _acc_rows(acc_ref, i, rows_new, k, minmax=None):
    nsum = len(rows_new)
    upd = jnp.concatenate([r[None, :] for r in rows_new], axis=0)
    prev = acc_ref[...]
    prev_sum = jnp.where(i == 0, jnp.zeros_like(prev[:nsum]), prev[:nsum])
    parts = [prev_sum + upd]
    if minmax is not None:
        mx, mn = minmax
        pmx = jnp.where(i == 0, jnp.full((1, k), -1e30), prev[nsum:nsum + 1])
        pmn = jnp.where(i == 0, jnp.full((1, k), 1e30), prev[nsum + 1:nsum + 2])
        parts.append(jnp.maximum(pmx, mx[None, :]))
        parts.append(jnp.minimum(pmn, mn[None, :]))
    nfill = 8 - sum(p.shape[0] for p in parts)
    parts.append(jnp.zeros((nfill, k), jnp.float32))
    acc_ref[...] = jnp.concatenate(parts, axis=0)


def _edge_pass(body, n_in_edge, widths_in_edge, params, out_spec_shapes,
               blk=BLK):
    in_specs = [pl.BlockSpec((blk, w), lambda i: (i, 0)) for w in widths_in_edge]
    for p in params:
        in_specs.append(pl.BlockSpec(p.shape, lambda i: (0, 0)))
    out_specs, out_shape = [], []
    for kind, w in out_spec_shapes:
        if kind == "acc":
            out_specs.append(pl.BlockSpec((8, w), lambda i: (0, 0)))
            out_shape.append(jax.ShapeDtypeStruct((8, w), jnp.float32))
        else:
            out_specs.append(pl.BlockSpec((blk, w), lambda i: (i, 0)))
            out_shape.append(jax.ShapeDtypeStruct((EAP, w), jnp.float32))
    return pl.pallas_call(
        body, grid=(EAP // blk,), in_specs=in_specs, out_specs=out_specs,
        out_shape=out_shape,
        compiler_params=pltpu.CompilerParams(
            vmem_limit_bytes=128 * 1024 * 1024))


def _p1_body(posx_ref, w1x_ref, b1_ref, acc_ref):
    i = pl.program_id(0)
    posx = posx_ref[...]
    vf = _edge_mask(posx[:, 0:16], posx[:, 16:32], i)
    t1 = _dot(posx, w1x_ref[...]) + b1_ref[...]
    s0 = jnp.sum(t1 * vf, axis=0)
    s1 = jnp.sum(t1 * t1 * vf, axis=0)
    cnt = jnp.sum(vf) * jnp.ones((HID,), jnp.float32)
    _acc_rows(acc_ref, i, [s0, s1, cnt], HID)


def _p2_body(posx_ref, w1e_ref, b1e_ref, w2_ref, b2_ref, acc_ref):
    i = pl.program_id(0)
    posx = posx_ref[...]
    vf = _edge_mask(posx[:, 0:16], posx[:, 16:32], i)
    d1 = jax.nn.relu(_dot(posx, w1e_ref[...]) + b1e_ref[...])
    t2 = _dot(d1, w2_ref[...]) + b2_ref[...]
    s0 = jnp.sum(t2 * vf, axis=0)
    s1 = jnp.sum(t2 * t2 * vf, axis=0)
    _acc_rows(acc_ref, i, [s0, s1], C)


def _p3_body(posx_ref, g_ref, w1e_ref, b1e_ref, w2e_ref, b2e_ref,
             a1_ref, c1_ref, gd_ref, acc_ref, u1_ref):
    i = pl.program_id(0)
    posx = posx_ref[...]; g = g_ref[...]
    vf = _edge_mask(posx[:, 0:16], posx[:, 16:32], i)
    d1 = jax.nn.relu(_dot(posx, w1e_ref[...]) + b1e_ref[...])
    delta = jax.nn.relu(_dot(d1, w2e_ref[...]) + b2e_ref[...])
    u1 = _dot(g, gd_ref[...]) + _dot(delta, a1_ref[...]) + c1_ref[...]
    u1_ref[...] = jnp.concatenate(
        [u1, vf, jnp.zeros((u1.shape[0], 63), jnp.float32)], axis=1)
    s0 = jnp.sum(u1 * vf, axis=0)
    s1 = jnp.sum(u1 * u1 * vf, axis=0)
    _acc_rows(acc_ref, i, [s0, s1], HID)


def _p4_body(u1x_ref, s3x_ref, h3x_ref, a2x_ref, c2_ref, acc_ref):
    i = pl.program_id(0)
    u1x = u1x_ref[...]
    vf = u1x[:, HID:HID + 1]
    a1act = jax.nn.relu(u1x * s3x_ref[...] + h3x_ref[...])
    u2 = _dot(a1act, a2x_ref[...]) + c2_ref[...]
    s0 = jnp.sum(u2 * vf, axis=0)
    s1 = jnp.sum(u2 * u2 * vf, axis=0)
    mx = jnp.max(u2 * vf - (1.0 - vf) * 1e30, axis=0)
    mn = jnp.min(u2 * vf + (1.0 - vf) * 1e30, axis=0)
    _acc_rows(acc_ref, i, [s0, s1], C, minmax=(mx, mn))


def _p5_body(posx_ref, u1x_ref, vsg_ref,
             w1e_ref, b1e_ref, w2e_ref, b2e_ref, s3x_ref, h3x_ref,
             a2x_ref, c2_ref, s4_ref, h4_ref, off_ref,
             e_ref, em_ref):
    i = pl.program_id(0)
    posx = posx_ref[...]; u1x = u1x_ref[...]
    vf = u1x[:, HID:HID + 1]
    d1 = jax.nn.relu(_dot(posx, w1e_ref[...]) + b1e_ref[...])
    delta = jax.nn.relu(_dot(d1, w2e_ref[...]) + b2e_ref[...])
    a1act = jax.nn.relu(u1x * s3x_ref[...] + h3x_ref[...])
    u2 = _dot(a1act, a2x_ref[...]) + c2_ref[...]
    alpha = jax.nn.relu(u2 * s4_ref[...] + h4_ref[...])
    earg = jnp.minimum(alpha - off_ref[...], 0.0)
    e = vf * jnp.exp(earg)
    e_ref[...] = e
    em_ref[...] = e * (vsg_ref[...] + delta)


CHW = C // NC
NPT = N // NS
CPS = EAP // (NS * CH)


def _s2_body(e_hbm, em_hbm, dst_hbm, zeros_hbm, s_out, acc_out,
             idx0, be0, bm0, idx1, be1, bm1, spacc_s, spacc_a, sem0, sem1):
    c = lax.axis_index("c")
    sid = lax.axis_index("s")
    cw = c * CHW
    pltpu.sync_copy(zeros_hbm.at[pl.ds(sid * NPT, NPT)],
                    spacc_s.at[pl.ds(sid * NPT, NPT)])
    pltpu.sync_copy(zeros_hbm.at[pl.ds(sid * NPT, NPT)],
                    spacc_a.at[pl.ds(sid * NPT, NPT)])
    plsc.subcore_barrier()

    def fire(ci, idx_v, buf_e, buf_m, sem):
        base = (sid * CPS + ci) * CH
        pltpu.async_copy(dst_hbm.at[pl.ds(base, CH)], idx_v, sem)
        pltpu.async_copy(e_hbm.at[pl.ds(base, CH), pl.ds(cw, CHW)],
                         buf_e, sem)
        pltpu.async_copy(em_hbm.at[pl.ds(base, CH), pl.ds(cw, CHW)],
                         buf_m, sem)

    def wait(idx_v, buf_e, buf_m, sem):
        pltpu.make_async_copy(dst_hbm.at[pl.ds(0, CH)], idx_v, sem).wait()
        pltpu.make_async_copy(e_hbm.at[pl.ds(0, CH), pl.ds(0, CHW)],
                              buf_e, sem).wait()
        pltpu.make_async_copy(em_hbm.at[pl.ds(0, CH), pl.ds(0, CHW)],
                              buf_m, sem).wait()

    def scat(idx_v, buf_e, buf_m):
        pltpu.sync_copy(buf_e, spacc_s.at[idx_v], add=True)
        pltpu.sync_copy(buf_m, spacc_a.at[idx_v], add=True)

    fire(0, idx0, be0, bm0, sem0)

    def body(j2, _):
        ja = 2 * j2
        fire(ja + 1, idx1, be1, bm1, sem1)
        wait(idx0, be0, bm0, sem0)
        scat(idx0, be0, bm0)
        fire(jnp.minimum(ja + 2, CPS - 1), idx0, be0, bm0, sem0)
        wait(idx1, be1, bm1, sem1)
        scat(idx1, be1, bm1)
        return 0

    lax.fori_loop(0, CPS // 2, body, 0)
    wait(idx0, be0, bm0, sem0)
    plsc.subcore_barrier()
    pltpu.sync_copy(spacc_s.at[pl.ds(sid * NPT, NPT)],
                    s_out.at[pl.ds(sid * NPT, NPT), pl.ds(cw, CHW)])
    pltpu.sync_copy(spacc_a.at[pl.ds(sid * NPT, NPT)],
                    acc_out.at[pl.ds(sid * NPT, NPT), pl.ds(cw, CHW)])


def _s2(e, em, dst_p, zeros_nc):
    mesh = plsc.VectorSubcoreMesh(core_axis_name="c", subcore_axis_name="s")
    f = pl.kernel(
        _s2_body,
        out_type=[
            jax.ShapeDtypeStruct((N, C), jnp.float32),
            jax.ShapeDtypeStruct((N, C), jnp.float32),
        ],
        mesh=mesh,
        scratch_types=[
            pltpu.VMEM((CH,), jnp.int32),
            pltpu.VMEM((CH, CHW), jnp.float32),
            pltpu.VMEM((CH, CHW), jnp.float32),
            pltpu.VMEM((CH,), jnp.int32),
            pltpu.VMEM((CH, CHW), jnp.float32),
            pltpu.VMEM((CH, CHW), jnp.float32),
            pltpu.VMEM_SHARED((N, CHW), jnp.float32),
            pltpu.VMEM_SHARED((N, CHW), jnp.float32),
            pltpu.SemaphoreType.DMA,
            pltpu.SemaphoreType.DMA,
        ],
        compiler_params=pltpu.CompilerParams(use_tc_tiling_on_sc=False),
    )
    return f(e, em, dst_p, zeros_nc)


def _p6_body(s_ref, acc_ref, wout_ref, bout_ref, o_ref):
    msg = acc_ref[...] / (s_ref[...] + 1e-16)
    o_ref[...] = jax.nn.relu(_dot(msg, wout_ref[...]) + bout_ref[...])


def _p6(s, acc, wout, bout):
    return pl.pallas_call(
        _p6_body,
        grid=(GRID_N,),
        in_specs=[
            pl.BlockSpec((BLKN, C), lambda i: (i, 0)),
            pl.BlockSpec((BLKN, C), lambda i: (i, 0)),
            pl.BlockSpec((C, C), lambda i: (0, 0)),
            pl.BlockSpec((1, C), lambda i: (0, 0)),
        ],
        out_specs=pl.BlockSpec((BLKN, C), lambda i: (i, 0)),
        out_shape=jax.ShapeDtypeStruct((N, C), jnp.float32),
    )(s, acc, wout, bout)


def _fold(W, b, s0, s1, cnt, g, be):
    mu = s0 / cnt
    var = s1 / cnt - mu * mu
    inv = lax.rsqrt(var + 1e-5)
    sc = g * inv
    sh = be - mu * sc
    return W * sc[None, :], (b * sc + sh)[None, :], sc[None, :], sh[None, :]


def kernel(x, pos, edge_index, lin_in_W, lin_in_b, lin_out_W, lin_out_b,
           lin_W, lin_src_W, lin_dst_W,
           pos_W1, pos_b1, pos_g1, pos_be1, pos_W2, pos_b2, pos_g2, pos_be2,
           attn_W1, attn_b1, attn_g1, attn_be1,
           attn_W2, attn_b2, attn_g2, attn_be2):
    pad = EAP - EA
    loop = jnp.arange(N, dtype=jnp.int32)
    zpad = jnp.zeros((pad,), jnp.int32)
    src_p = jnp.concatenate([edge_index[0], loop, zpad])
    dst_p = jnp.concatenate([edge_index[1], loop, zpad])
    posi = jnp.concatenate(
        [pos, jnp.arange(N, dtype=jnp.float32)[:, None],
         jnp.zeros((N, 12), jnp.float32)], axis=1)
    w1p = jnp.zeros((16, HID), jnp.float32).at[0:3].set(pos_W1)
    w1x = jnp.concatenate([-w1p, w1p, jnp.zeros((96, HID), jnp.float32)], 0)
    eye = jnp.eye(HID, dtype=jnp.float32)
    gd = jnp.concatenate([-eye, eye], axis=0)

    posx = _s1a(src_p, dst_p, posi)
    psT, pdT, vT = _p0(x, lin_in_W, lin_in_b[None, :], lin_src_W, lin_dst_W,
                       lin_W, attn_W1)
    g = _s1b(src_p, dst_p, psT, pdT)
    vsg = _s1c(src_p, vT)

    acc1 = _p1(posx, w1x, pos_b1[None, :])
    cnt = acc1[2, 0]
    w1e, b1e, _, _ = _fold(w1x, pos_b1, acc1[0], acc1[1], cnt, pos_g1, pos_be1)

    acc2 = _p2(posx, w1e, b1e, pos_W2, pos_b2[None, :])
    w2e, b2e, _, _ = _fold(pos_W2, pos_b2, acc2[0], acc2[1], cnt,
                           pos_g2, pos_be2)

    acc3, u1x = _p3(posx, g, w1e, b1e, w2e, b2e, attn_W1,
                    attn_b1[None, :], gd)
    _, _, s3, h3 = _fold(attn_W1, attn_b1, acc3[0], acc3[1], cnt,
                         attn_g1, attn_be1)
    zs = jnp.zeros((1, HID), jnp.float32)
    s3x = jnp.concatenate([s3, zs], axis=1)
    h3x = jnp.concatenate([h3, zs], axis=1)
    a2x = jnp.concatenate([attn_W2, jnp.zeros((HID, C), jnp.float32)], axis=0)

    acc4 = _p4(u1x, s3x, h3x, a2x, attn_b2[None, :])
    _, _, s4, h4 = _fold(attn_W2, attn_b2, acc4[0], acc4[1], cnt,
                         attn_g2, attn_be2)
    off = jnp.maximum(jax.nn.relu(acc4[2] * s4 + h4),
                      jax.nn.relu(acc4[3] * s4 + h4))

    e, em = _p5(posx, u1x, vsg, w1e, b1e, w2e, b2e, s3x, h3x, a2x,
                attn_b2[None, :], s4, h4, off)

    s_seg, acc = _s2(e, em, dst_p, jnp.zeros((N, CHW), jnp.float32))
    return _p6(s_seg, acc, lin_out_W, lin_out_b[None, :])


def _p1(posx, w1p, b1):
    return _edge_pass(_p1_body, 1, [C], [w1p, b1], [("acc", HID)])(
        posx, w1p, b1)[0]


def _p2(posx, w1e, b1e, w2, b2):
    return _edge_pass(_p2_body, 1, [C], [w1e, b1e, w2, b2],
                      [("acc", C)])(posx, w1e, b1e, w2, b2)[0]


def _p3(posx, g, w1e, b1e, w2e, b2e, a1, c1, gd):
    return _edge_pass(_p3_body, 2, [C, C],
                      [w1e, b1e, w2e, b2e, a1, c1, gd],
                      [("acc", HID), ("edge", C)])(
        posx, g, w1e, b1e, w2e, b2e, a1, c1, gd)


def _p4(u1x, s3x, h3x, a2x, c2):
    return _edge_pass(_p4_body, 1, [C],
                      [s3x, h3x, a2x, c2],
                      [("acc", C)])(u1x, s3x, h3x, a2x, c2)[0]


def _p5(posx, u1x, vsg, w1e, b1e, w2e, b2e, s3x, h3x, a2x, c2, s4, h4,
        off):
    return _edge_pass(_p5_body, 3, [C, C, C],
                      [w1e, b1e, w2e, b2e, s3x, h3x, a2x, c2, s4, h4, off],
                      [("edge", C), ("edge", C)], blk=BLK5)(
        posx, u1x, vsg, w1e, b1e, w2e, b2e, s3x, h3x, a2x, c2, s4, h4,
        off)

# --- scband reference (transcript-rebuilt; emitter-appended) ---
"""Pipeline reference for scband-transformer-block-24120536334932 (READ-ONLY COPY).

The authoritative reference and input builder live on the scoring server;
editing this copy changes nothing except your own understanding.
"""

import jax, jax.numpy as jnp
import numpy as np

N = 10000
E = 320000
IN_C = 128
OUT_C = 128
HID = 64

def _lin(k, fi, fo, bias=True):
    kw, kb = jax.random.split(k)
    bound = 1.0 / np.sqrt(fi)
    W = jax.random.uniform(kw, (fi, fo), minval=-bound, maxval=bound, dtype=jnp.float32)
    if bias:
        b = jax.random.uniform(kb, (fo,), minval=-bound, maxval=bound, dtype=jnp.float32)
        return W, b
    return W

def setup_inputs(seed: int = 0):
    key = jax.random.key(seed)
    ks = jax.random.split(key, 16)
    inp = {}
    inp['x'] = jax.random.normal(ks[0], (N, IN_C), dtype=jnp.float32)
    inp['pos'] = jax.random.normal(ks[1], (N, 3), dtype=jnp.float32)
    inp['edge_index'] = jax.random.randint(ks[2], (2, E), 0, N, dtype=jnp.int32)
    inp['lin_in_W'], inp['lin_in_b'] = _lin(ks[3], IN_C, IN_C)
    inp['lin_out_W'], inp['lin_out_b'] = _lin(ks[4], OUT_C, OUT_C)
    inp['lin_W'] = _lin(ks[5], IN_C, OUT_C, bias=False)
    inp['lin_src_W'] = _lin(ks[6], IN_C, OUT_C, bias=False)
    inp['lin_dst_W'] = _lin(ks[7], IN_C, OUT_C, bias=False)
    inp['pos_W1'], inp['pos_b1'] = _lin(ks[8], 3, HID)
    inp['pos_g1'] = jnp.ones((HID,), jnp.float32); inp['pos_be1'] = jnp.zeros((HID,), jnp.float32)
    inp['pos_W2'], inp['pos_b2'] = _lin(ks[9], HID, OUT_C)
    inp['pos_g2'] = jnp.ones((OUT_C,), jnp.float32); inp['pos_be2'] = jnp.zeros((OUT_C,), jnp.float32)
    inp['attn_W1'], inp['attn_b1'] = _lin(ks[10], OUT_C, HID)
    inp['attn_g1'] = jnp.ones((HID,), jnp.float32); inp['attn_be1'] = jnp.zeros((HID,), jnp.float32)
    inp['attn_W2'], inp['attn_b2'] = _lin(ks[11], HID, OUT_C)
    inp['attn_g2'] = jnp.ones((OUT_C,), jnp.float32); inp['attn_be2'] = jnp.zeros((OUT_C,), jnp.float32)
    return inp

def _bn(h, g, b, eps=1e-5):
    mu = jnp.mean(h, axis=0, keepdims=True)
    var = jnp.var(h, axis=0, keepdims=True)
    return g * (h - mu) / jnp.sqrt(var + eps) + b

def _mlp(h, W1, b1, g1, be1, W2, b2, g2, be2):
    h = jax.nn.relu(_bn(h @ W1 + b1, g1, be1))
    h = jax.nn.relu(_bn(h @ W2 + b2, g2, be2))
    return h

def _bn_masked(h, g, b, mf, cnt, eps=1e-5):
    mu = jnp.sum(h * mf, axis=0, keepdims=True) / cnt
    var = jnp.sum(((h - mu) ** 2) * mf, axis=0, keepdims=True) / cnt
    return g * (h - mu) / jnp.sqrt(var + eps) + b

def _mlp_masked(h, valid, W1, b1, g1, be1, W2, b2, g2, be2):
    mf = valid.astype(h.dtype)[:, None]
    cnt = jnp.sum(mf)
    h = jax.nn.relu(_bn_masked(h @ W1 + b1, g1, be1, mf, cnt))
    h = jax.nn.relu(_bn_masked(h @ W2 + b2, g2, be2, mf, cnt))
    return h

def _segment_softmax(a, seg, num):
    amax = jax.ops.segment_max(jax.lax.stop_gradient(a), seg, num)
    e = jnp.exp(a - amax[seg])
    s = jax.ops.segment_sum(e, seg, num)
    return e / (s[seg] + 1e-16)

def _segment_softmax_masked(a, seg, seg_safe, valid, num):
    amax = jax.ops.segment_max(jax.lax.stop_gradient(a), seg, num)
    e = jnp.where(valid[:, None], jnp.exp(a - amax[seg_safe]), 0.0)
    s = jax.ops.segment_sum(e, seg, num)
    return e / (s[seg_safe] + 1e-16)

def reference(x, pos, edge_index, lin_in_W, lin_in_b, lin_out_W, lin_out_b,
              lin_W, lin_src_W, lin_dst_W,
              pos_W1, pos_b1, pos_g1, pos_be1, pos_W2, pos_b2, pos_g2, pos_be2,
              attn_W1, attn_b1, attn_g1, attn_be1, attn_W2, attn_b2, attn_g2, attn_be2):
    # add_self_loops=True behavior of PointTransformerConv: remove then add self loops
    src0, dst0 = edge_index[0], edge_index[1]
    keep = src0 != dst0
    loop = jnp.arange(N, dtype=src0.dtype)
    src = jnp.concatenate([src0, loop])
    dst = jnp.concatenate([dst0, loop])
    valid = jnp.concatenate([keep, jnp.ones((N,), dtype=bool)])
    seg = jnp.where(valid, dst, N)
    seg_safe = jnp.where(valid, dst, 0)
    # lin_in + relu
    h = jax.nn.relu(x @ lin_in_W + lin_in_b)
    # PointTransformerConv
    alpha_src = h @ lin_src_W
    alpha_dst = h @ lin_dst_W
    v = h @ lin_W
    delta = _mlp_masked(pos[dst] - pos[src], valid,
                        pos_W1, pos_b1, pos_g1, pos_be1, pos_W2, pos_b2, pos_g2, pos_be2)
    alpha = alpha_dst[dst] - alpha_src[src] + delta
    alpha = _mlp_masked(alpha, valid,
                        attn_W1, attn_b1, attn_g1, attn_be1, attn_W2, attn_b2, attn_g2, attn_be2)
    alpha = _segment_softmax_masked(alpha, seg, seg_safe, valid, N)
    msg = alpha * (v[src] + delta)
    out = jax.ops.segment_sum(msg, seg, N)
    # lin_out + relu
    return jax.nn.relu(out @ lin_out_W + lin_out_b)

if __name__ == "__main__":
    import jax
    _d = setup_inputs()
    print(jax.jit(kernel)(*tuple(_d.values())))

</pallas_src>

<mosaic_0001>
#map = affine_map<(d0, d1) -> (0)>
#map1 = affine_map<(d0, d1) -> (0, 0)>
module attributes {stable_mosaic.version = 14 : i64} {
  func.func @_s1b_body(%arg0: i32, %arg1: i32, %arg2: memref<331776xi32, #tpu.memory_space<hbm>>, %arg3: memref<331776xi32, #tpu.memory_space<hbm>>, %arg4: memref<10000x64xf32, #tpu.memory_space<hbm>>, %arg5: memref<10000x64xf32, #tpu.memory_space<hbm>>, %arg6: memref<331776x128xf32, #tpu.memory_space<hbm>>, %arg7: memref<128xi32, #tpu.memory_space<vmem>>, %arg8: memref<128xi32, #tpu.memory_space<vmem>>, %arg9: memref<128x64xf32, #tpu.memory_space<vmem>>, %arg10: memref<128x64xf32, #tpu.memory_space<vmem>>, %arg11: memref<!tpu.dma_semaphore, #tpu.memory_space<semaphore_mem>>) attributes {dimension_semantics = [#tpu.dimension_semantics<core_parallel>, #tpu.dimension_semantics<subcore_parallel>], iteration_bounds = array<i64: 2, 16>, scalar_prefetch = 0 : i64, scratch_operands = 5 : i64, tpu.core_type = #tpu.core_type<sc_vector_subcore>, window_params = [{transform_indices = #map}, {transform_indices = #map}, {transform_indices = #map1}, {transform_indices = #map1}, {transform_indices = #map1}]} {
    %mul3A = arith.constant 2 : i32
    %mul3A_0 = arith.muli %arg1, %mul3A : i32
    %add3A = arith.addi %mul3A_0, %arg0 : i32
    %mul3A_1 = arith.constant 10368 : i32
    %mul3A_2 = arith.muli %add3A, %mul3A_1 : i32
    %scan3A = arith.constant 0 : i32
    %scan3A_3 = arith.constant 0 : i32
    %scan3A_4 = arith.constant 81 : i32
    %scan3A_5 = arith.addi %scan3A_3, %scan3A_4 : i32
    %scan3A_6 = arith.constant 1 : i32
    %scan3A_7 = scf.for %scan3A_9 = %scan3A_3 to %scan3A_5 step %scan3A_6 iter_args(%scan3A_10 = %scan3A) -> (i32)  : i32 {
      %mul3A_11 = arith.constant 128 : i32
      %mul3A_12 = arith.muli %scan3A_9, %mul3A_11 : i32
      %add3A_13 = arith.addi %mul3A_2, %mul3A_12 : i32
      "tpu.region"() ({
        %run_scoped3A = tpu.sem_alloc : memref<!tpu.dma_semaphore, #tpu.memory_space<semaphore_mem>>
        %dma_start3A_25 = tpu.memref_slice %arg2[%add3A_13] : memref<331776xi32, #tpu.memory_space<hbm>> -> memref<128xi32, #tpu.memory_space<hbm>>
        %dma_start3A_26 = tpu.memref_slice %arg2[%add3A_13] : memref<331776xi32, #tpu.memory_space<hbm>> -> memref<128xi32, #tpu.memory_space<hbm>>
        tpu.enqueue_dma source(%dma_start3A_26 : memref<128xi32, #tpu.memory_space<hbm>>) target(%arg7 : memref<128xi32, #tpu.memory_space<vmem>>) target_semaphore(%run_scoped3A : memref<!tpu.dma_semaphore, #tpu.memory_space<semaphore_mem>>)
        %dma_wait3A_27 = tpu.memref_slice %arg2[%add3A_13] : memref<331776xi32, #tpu.memory_space<hbm>> -> memref<128xi32, #tpu.memory_space<hbm>>
        %dma_wait3A_28 = tpu.memref_slice %arg2[%add3A_13] : memref<331776xi32, #tpu.memory_space<hbm>> -> memref<128xi32, #tpu.memory_space<hbm>>
        tpu.wait_dma2 semaphore(%run_scoped3A : memref<!tpu.dma_semaphore, #tpu.memory_space<semaphore_mem>>) src(%dma_wait3A_28 : memref<128xi32, #tpu.memory_space<hbm>>) dst(%arg7 : memref<128xi32, #tpu.memory_space<vmem>>)
        tpu.yield
      }) : () -> ()
      "tpu.region"() ({
        %run_scoped3A = tpu.sem_alloc : memref<!tpu.dma_semaphore, #tpu.memory_space<semaphore_mem>>
        %dma_start3A_25 = tpu.memref_slice %arg3[%add3A_13] : memref<331776xi32, #tpu.memory_space<hbm>> -> memref<128xi32, #tpu.memory_space<hbm>>
        %dma_start3A_26 = tpu.memref_slice %arg3[%add3A_13] : memref<331776xi32, #tpu.memory_space<hbm>> -> memref<128xi32, #tpu.memory_space<hbm>>
        tpu.enqueue_dma source(%dma_start3A_26 : memref<128xi32, #tpu.memory_space<hbm>>) target(%arg8 : memref<128xi32, #tpu.memory_space<vmem>>) target_semaphore(%run_scoped3A : memref<!tpu.dma_semaphore, #tpu.memory_space<semaphore_mem>>)
        %dma_wait3A_27 = tpu.memref_slice %arg3[%add3A_13] : memref<331776xi32, #tpu.memory_space<hbm>> -> memref<128xi32, #tpu.memory_space<hbm>>
        %dma_wait3A_28 = tpu.memref_slice %arg3[%add3A_13] : memref<331776xi32, #tpu.memory_space<hbm>> -> memref<128xi32, #tpu.memory_space<hbm>>
        tpu.wait_dma2 semaphore(%run_scoped3A : memref<!tpu.dma_semaphore, #tpu.memory_space<semaphore_mem>>) src(%dma_wait3A_28 : memref<128xi32, #tpu.memory_space<hbm>>) dst(%arg8 : memref<128xi32, #tpu.memory_space<vmem>>)
        tpu.yield
      }) : () -> ()
      %dma_start3A = arith.constant 0 : i32
      %dma_start3A_14 = arith.constant 0 : i32
      %dma_start3A_15 = tpu.memref_slice %arg4[%dma_start3A, %dma_start3A_14] : memref<10000x64xf32, #tpu.memory_space<hbm>> -> memref<10000x64xf32, #tpu.memory_space<hbm>>
      tpu.enqueue_indirect_dma source(%dma_start3A_15 : memref<10000x64xf32, #tpu.memory_space<hbm>>) target(%arg9 : memref<128x64xf32, #tpu.memory_space<vmem>>) offsets(%arg7 : memref<128xi32, #tpu.memory_space<vmem>>) semaphore(%arg11 : memref<!tpu.dma_semaphore, #tpu.memory_space<semaphore_mem>>)
      %dma_start3A_16 = arith.constant 0 : i32
      %dma_start3A_17 = arith.constant 0 : i32
      %dma_start3A_18 = tpu.memref_slice %arg5[%dma_start3A_16, %dma_start3A_17] : memref<10000x64xf32, #tpu.memory_space<hbm>> -> memref<10000x64xf32, #tpu.memory_space<hbm>>
      tpu.enqueue_indirect_dma source(%dma_start3A_18 : memref<10000x64xf32, #tpu.memory_space<hbm>>) target(%arg10 : memref<128x64xf32, #tpu.memory_space<vmem>>) offsets(%arg8 : memref<128xi32, #tpu.memory_space<vmem>>) semaphore(%arg11 : memref<!tpu.dma_semaphore, #tpu.memory_space<semaphore_mem>>)
      %dma_wait3A = arith.constant 0 : i32
      %dma_wait3A_19 = arith.constant 0 : i32
      %dma_wait3A_20 = tpu.memref_slice %arg4[%dma_wait3A, %dma_wait3A_19] : memref<10000x64xf32, #tpu.memory_space<hbm>> -> memref<10000x64xf32, #tpu.memory_space<hbm>>
      tpu.wait_indirect_dma semaphore(%arg11 : memref<!tpu.dma_semaphore, #tpu.memory_space<semaphore_mem>>) src(%dma_wait3A_20 : memref<10000x64xf32, #tpu.memory_space<hbm>>) dst(%arg9 : memref<128x64xf32, #tpu.memory_space<vmem>>)
      %dma_wait3A_21 = arith.constant 0 : i32
      %dma_wait3A_22 = arith.constant 0 : i32
      %dma_wait3A_23 = tpu.memref_slice %arg5[%dma_wait3A_21, %dma_wait3A_22] : memref<10000x64xf32, #tpu.memory_space<hbm>> -> memref<10000x64xf32, #tpu.memory_space<hbm>>
      tpu.wait_indirect_dma semaphore(%arg11 : memref<!tpu.dma_semaphore, #tpu.memory_space<semaphore_mem>>) src(%dma_wait3A_23 : memref<10000x64xf32, #tpu.memory_space<hbm>>) dst(%arg10 : memref<128x64xf32, #tpu.memory_space<vmem>>)
      "tpu.region"() ({
        %run_scoped3A = tpu.sem_alloc : memref<!tpu.dma_semaphore, #tpu.memory_space<semaphore_mem>>
        %dma_start3A_25 = arith.constant 0 : i32
        %dma_start3A_26 = tpu.memref_slice %arg6[%add3A_13, %dma_start3A_25] : memref<331776x128xf32, #tpu.memory_space<hbm>> -> memref<128x64xf32, #tpu.memory_space<hbm>>
        %dma_start3A_27 = arith.constant 0 : i32
        %dma_start3A_28 = tpu.memref_slice %arg6[%add3A_13, %dma_start3A_27] : memref<331776x128xf32, #tpu.memory_space<hbm>> -> memref<128x64xf32, #tpu.memory_space<hbm>>
        tpu.enqueue_dma source(%arg9 : memref<128x64xf32, #tpu.memory_space<vmem>>) target(%dma_start3A_28 : memref<128x64xf32, #tpu.memory_space<hbm>>) target_semaphore(%run_scoped3A : memref<!tpu.dma_semaphore, #tpu.memory_space<semaphore_mem>>)
        %dma_wait3A_29 = arith.constant 0 : i32
        %dma_wait3A_30 = tpu.memref_slice %arg6[%add3A_13, %dma_wait3A_29] : memref<331776x128xf32, #tpu.memory_space<hbm>> -> memref<128x64xf32, #tpu.memory_space<hbm>>
        %dma_wait3A_31 = arith.constant 0 : i32
        %dma_wait3A_32 = tpu.memref_slice %arg6[%add3A_13, %dma_wait3A_31] : memref<331776x128xf32, #tpu.memory_space<hbm>> -> memref<128x64xf32, #tpu.memory_space<hbm>>
        tpu.wait_dma2 semaphore(%run_scoped3A : memref<!tpu.dma_semaphore, #tpu.memory_space<semaphore_mem>>) src(%arg9 : memref<128x64xf32, #tpu.memory_space<vmem>>) dst(%dma_wait3A_32 : memref<128x64xf32, #tpu.memory_space<hbm>>)
        tpu.yield
      }) : () -> ()
      "tpu.region"() ({
        %run_scoped3A = tpu.sem_alloc : memref<!tpu.dma_semaphore, #tpu.memory_space<semaphore_mem>>
        %dma_start3A_25 = arith.constant 64 : i32
        %dma_start3A_26 = tpu.memref_slice %arg6[%add3A_13, %dma_start3A_25] : memref<331776x128xf32, #tpu.memory_space<hbm>> -> memref<128x64xf32, #tpu.memory_space<hbm>>
        %dma_start3A_27 = arith.constant 64 : i32
        %dma_start3A_28 = tpu.memref_slice %arg6[%add3A_13, %dma_start3A_27] : memref<331776x128xf32, #tpu.memory_space<hbm>> -> memref<128x64xf32, #tpu.memory_space<hbm>>
        tpu.enqueue_dma source(%arg10 : memref<128x64xf32, #tpu.memory_space<vmem>>) target(%dma_start3A_28 : memref<128x64xf32, #tpu.memory_space<hbm>>) target_semaphore(%run_scoped3A : memref<!tpu.dma_semaphore, #tpu.memory_space<semaphore_mem>>)
        %dma_wait3A_29 = arith.constant 64 : i32
        %dma_wait3A_30 = tpu.memref_slice %arg6[%add3A_13, %dma_wait3A_29] : memref<331776x128xf32, #tpu.memory_space<hbm>> -> memref<128x64xf32, #tpu.memory_space<hbm>>
        %dma_wait3A_31 = arith.constant 64 : i32
        %dma_wait3A_32 = tpu.memref_slice %arg6[%add3A_13, %dma_wait3A_31] : memref<331776x128xf32, #tpu.memory_space<hbm>> -> memref<128x64xf32, #tpu.memory_space<hbm>>
        tpu.wait_dma2 semaphore(%run_scoped3A : memref<!tpu.dma_semaphore, #tpu.memory_space<semaphore_mem>>) src(%arg10 : memref<128x64xf32, #tpu.memory_space<vmem>>) dst(%dma_wait3A_32 : memref<128x64xf32, #tpu.memory_space<hbm>>)
        tpu.yield
      }) : () -> ()
      %scan3A_24 = arith.constant 0 : i32
      scf.yield %scan3A_24 : i32
    }
    %scan3A_8 = arith.constant 81 : i32
    return
  }
}

#map = affine_map<(d0, d1) -> (0)>
#map1 = affine_map<(d0, d1) -> (0, 0)>
module attributes {stable_mosaic.version = 14 : i64} {
  func.func @_s1a_body(%arg0: i32, %arg1: i32, %arg2: memref<331776xi32, #tpu.memory_space<hbm>>, %arg3: memref<331776xi32, #tpu.memory_space<hbm>>, %arg4: memref<10000x16xf32, #tpu.memory_space<hbm>>, %arg5: memref<331776x128xf32, #tpu.memory_space<hbm>>, %arg6: memref<128xi32, #tpu.memory_space<vmem>>, %arg7: memref<128xi32, #tpu.memory_space<vmem>>, %arg8: memref<128x16xf32, #tpu.memory_space<vmem>>, %arg9: memref<128x16xf32, #tpu.memory_space<vmem>>, %arg10: memref<128xi32, #tpu.memory_space<vmem>>, %arg11: memref<128xi32, #tpu.memory_space<vmem>>, %arg12: memref<128x16xf32, #tpu.memory_space<vmem>>, %arg13: memref<128x16xf32, #tpu.memory_space<vmem>>, %arg14: memref<!tpu.dma_semaphore, #tpu.memory_space<semaphore_mem>>, %arg15: memref<!tpu.dma_semaphore, #tpu.memory_space<semaphore_mem>>) attributes {dimension_semantics = [#tpu.dimension_semantics<core_parallel>, #tpu.dimension_semantics<subcore_parallel>], iteration_bounds = array<i64: 2, 16>, scalar_prefetch = 0 : i64, scratch_operands = 10 : i64, tpu.core_type = #tpu.core_type<sc_vector_subcore>, window_params = [{transform_indices = #map}, {transform_indices = #map}, {transform_indices = #map1}, {transform_indices = #map1}]} {
    %mul3A = arith.constant 2 : i32
    %mul3A_0 = arith.muli %arg1, %mul3A : i32
    %add3A = arith.addi %mul3A_0, %arg0 : i32
    %mul3A_1 = arith.constant 10368 : i32
    %mul3A_2 = arith.muli %add3A, %mul3A_1 : i32
    %add3A_3 = arith.constant 0 : i32
    %add3A_4 = arith.addi %mul3A_2, %add3A_3 : i32
    "tpu.region"() ({
      %run_scoped3A = tpu.sem_alloc : memref<!tpu.dma_semaphore, #tpu.memory_space<semaphore_mem>>
      %dma_start3A_29 = tpu.memref_slice %arg2[%add3A_4] : memref<331776xi32, #tpu.memory_space<hbm>> -> memref<128xi32, #tpu.memory_space<hbm>>
      %dma_start3A_30 = tpu.memref_slice %arg2[%add3A_4] : memref<331776xi32, #tpu.memory_space<hbm>> -> memref<128xi32, #tpu.memory_space<hbm>>
      tpu.enqueue_dma source(%dma_start3A_30 : memref<128xi32, #tpu.memory_space<hbm>>) target(%arg6 : memref<128xi32, #tpu.memory_space<vmem>>) target_semaphore(%run_scoped3A : memref<!tpu.dma_semaphore, #tpu.memory_space<semaphore_mem>>)
      %dma_wait3A_31 = tpu.memref_slice %arg2[%add3A_4] : memref<331776xi32, #tpu.memory_space<hbm>> -> memref<128xi32, #tpu.memory_space<hbm>>
      %dma_wait3A_32 = tpu.memref_slice %arg2[%add3A_4] : memref<331776xi32, #tpu.memory_space<hbm>> -> memref<128xi32, #tpu.memory_space<hbm>>
      tpu.wait_dma2 semaphore(%run_scoped3A : memref<!tpu.dma_semaphore, #tpu.memory_space<semaphore_mem>>) src(%dma_wait3A_32 : memref<128xi32, #tpu.memory_space<hbm>>) dst(%arg6 : memref<128xi32, #tpu.memory_space<vmem>>)
      tpu.yield
    }) : () -> ()
    "tpu.region"() ({
      %run_scoped3A = tpu.sem_alloc : memref<!tpu.dma_semaphore, #tpu.memory_space<semaphore_mem>>
      %dma_start3A_29 = tpu.memref_slice %arg3[%add3A_4] : memref<331776xi32, #tpu.memory_space<hbm>> -> memref<128xi32, #tpu.memory_space<hbm>>
      %dma_start3A_30 = tpu.memref_slice %arg3[%add3A_4] : memref<331776xi32, #tpu.memory_space<hbm>> -> memref<128xi32, #tpu.memory_space<hbm>>
      tpu.enqueue_dma source(%dma_start3A_30 : memref<128xi32, #tpu.memory_space<hbm>>) target(%arg7 : memref<128xi32, #tpu.memory_space<vmem>>) target_semaphore(%run_scoped3A : memref<!tpu.dma_semaphore, #tpu.memory_space<semaphore_mem>>)
      %dma_wait3A_31 = tpu.memref_slice %arg3[%add3A_4] : memref<331776xi32, #tpu.memory_space<hbm>> -> memref<128xi32, #tpu.memory_space<hbm>>
      %dma_wait3A_32 = tpu.memref_slice %arg3[%add3A_4] : memref<331776xi32, #tpu.memory_space<hbm>> -> memref<128xi32, #tpu.memory_space<hbm>>
      tpu.wait_dma2 semaphore(%run_scoped3A : memref<!tpu.dma_semaphore, #tpu.memory_space<semaphore_mem>>) src(%dma_wait3A_32 : memref<128xi32, #tpu.memory_space<hbm>>) dst(%arg7 : memref<128xi32, #tpu.memory_space<vmem>>)
      tpu.yield
    }) : () -> ()
    %dma_start3A = arith.constant 0 : i32
    %dma_start3A_5 = arith.constant 0 : i32
    %dma_start3A_6 = tpu.memref_slice %arg4[%dma_start3A, %dma_start3A_5] : memref<10000x16xf32, #tpu.memory_space<hbm>> -> memref<10000x16xf32, #tpu.memory_space<hbm>>
    tpu.enqueue_indirect_dma source(%dma_start3A_6 : memref<10000x16xf32, #tpu.memory_space<hbm>>) target(%arg8 : memref<128x16xf32, #tpu.memory_space<vmem>>) offsets(%arg6 : memref<128xi32, #tpu.memory_space<vmem>>) semaphore(%arg14 : memref<!tpu.dma_semaphore, #tpu.memory_space<semaphore_mem>>)
    %dma_start3A_7 = arith.constant 0 : i32
    %dma_start3A_8 = arith.constant 0 : i32
    %dma_start3A_9 = tpu.memref_slice %arg4[%dma_start3A_7, %dma_start3A_8] : memref<10000x16xf32, #tpu.memory_space<hbm>> -> memref<10000x16xf32, #tpu.memory_space<hbm>>
    tpu.enqueue_indirect_dma source(%dma_start3A_9 : memref<10000x16xf32, #tpu.memory_space<hbm>>) target(%arg9 : memref<128x16xf32, #tpu.memory_space<vmem>>) offsets(%arg7 : memref<128xi32, #tpu.memory_space<vmem>>) semaphore(%arg14 : memref<!tpu.dma_semaphore, #tpu.memory_space<semaphore_mem>>)
    %scan3A = arith.constant 0 : i32
    %scan3A_10 = arith.constant 0 : i32
    %scan3A_11 = arith.constant 40 : i32
    %scan3A_12 = arith.addi %scan3A_10, %scan3A_11 : i32
    %scan3A_13 = arith.constant 1 : i32
    %scan3A_14 = scf.for %scan3A_29 = %scan3A_10 to %scan3A_12 step %scan3A_13 iter_args(%scan3A_30 = %scan3A) -> (i32)  : i32 {
      %mul3A_31 = arith.constant 2 : i32
      %mul3A_32 = arith.muli %mul3A_31, %scan3A_29 : i32
      %add3A_33 = arith.constant 1 : i32
      %add3A_34 = arith.addi %mul3A_32, %add3A_33 : i32
      %mul3A_35 = arith.constant 128 : i32
      %mul3A_36 = arith.muli %add3A_34, %mul3A_35 : i32
      %add3A_37 = arith.addi %mul3A_2, %mul3A_36 : i32
      "tpu.region"() ({
        %run_scoped3A = tpu.sem_alloc : memref<!tpu.dma_semaphore, #tpu.memory_space<semaphore_mem>>
        %dma_start3A_88 = tpu.memref_slice %arg2[%add3A_37] : memref<331776xi32, #tpu.memory_space<hbm>> -> memref<128xi32, #tpu.memory_space<hbm>>
        %dma_start3A_89 = tpu.memref_slice %arg2[%add3A_37] : memref<331776xi32, #tpu.memory_space<hbm>> -> memref<128xi32, #tpu.memory_space<hbm>>
        tpu.enqueue_dma source(%dma_start3A_89 : memref<128xi32, #tpu.memory_space<hbm>>) target(%arg10 : memref<128xi32, #tpu.memory_space<vmem>>) target_semaphore(%run_scoped3A : memref<!tpu.dma_semaphore, #tpu.memory_space<semaphore_mem>>)
        %dma_wait3A_90 = tpu.memref_slice %arg2[%add3A_37] : memref<331776xi32, #tpu.memory_space<hbm>> -> memref<128xi32, #tpu.memory_space<hbm>>
        %dma_wait3A_91 = tpu.memref_slice %arg2[%add3A_37] : memref<331776xi32, #tpu.memory_space<hbm>> -> memref<128xi32, #tpu.memory_space<hbm>>
        tpu.wait_dma2 semaphore(%run_scoped3A : memref<!tpu.dma_semaphore, #tpu.memory_space<semaphore_mem>>) src(%dma_wait3A_91 : memref<128xi32, #tpu.memory_space<hbm>>) dst(%arg10 : memref<128xi32, #tpu.memory_space<vmem>>)
        tpu.yield
      }) : () -> ()
      "tpu.region"() ({
        %run_scoped3A = tpu.sem_alloc : memref<!tpu.dma_semaphore, #tpu.memory_space<semaphore_mem>>
        %dma_start3A_88 = tpu.memref_slice %arg3[%add3A_37] : memref<331776xi32, #tpu.memory_space<hbm>> -> memref<128xi32, #tpu.memory_space<hbm>>
        %dma_start3A_89 = tpu.memref_slice %arg3[%add3A_37] : memref<331776xi32, #tpu.memory_space<hbm>> -> memref<128xi32, #tpu.memory_space<hbm>>
        tpu.enqueue_dma source(%dma_start3A_89 : memref<128xi32, #tpu.memory_space<hbm>>) target(%arg11 : memref<128xi32, #tpu.memory_space<vmem>>) target_semaphore(%run_scoped3A : memref<!tpu.dma_semaphore, #tpu.memory_space<semaphore_mem>>)
        %dma_wait3A_90 = tpu.memref_slice %arg3[%add3A_37] : memref<331776xi32, #tpu.memory_space<hbm>> -> memref<128xi32, #tpu.memory_space<hbm>>
        %dma_wait3A_91 = tpu.memref_slice %arg3[%add3A_37] : memref<331776xi32, #tpu.memory_space<hbm>> -> memref<128xi32, #tpu.memory_space<hbm>>
        tpu.wait_dma2 semaphore(%run_scoped3A : memref<!tpu.dma_semaphore, #tpu.memory_space<semaphore_mem>>) src(%dma_wait3A_91 : memref<128xi32, #tpu.memory_space<hbm>>) dst(%arg11 : memref<128xi32, #tpu.memory_space<vmem>>)
        tpu.yield
      }) : () -> ()
      %dma_start3A_38 = arith.constant 0 : i32
      %dma_start3A_39 = arith.constant 0 : i32
      %dma_start3A_40 = tpu.memref_slice %arg4[%dma_start3A_38, %dma_start3A_39] : memref<10000x16xf32, #tpu.memory_space<hbm>> -> memref<10000x16xf32, #tpu.memory_space<hbm>>
      tpu.enqueue_indirect_dma source(%dma_start3A_40 : memref<10000x16xf32, #tpu.memory_space<hbm>>) target(%arg12 : memref<128x16xf32, #tpu.memory_space<vmem>>) offsets(%arg10 : memref<128xi32, #tpu.memory_space<vmem>>) semaphore(%arg15 : memref<!tpu.dma_semaphore, #tpu.memory_space<semaphore_mem>>)
      %dma_start3A_41 = arith.constant 0 : i32
      %dma_start3A_42 = arith.constant 0 : i32
      %dma_start3A_43 = tpu.memref_slice %arg4[%dma_start3A_41, %dma_start3A_42] : memref<10000x16xf32, #tpu.memory_space<hbm>> -> memref<10000x16xf32, #tpu.memory_space<hbm>>
      tpu.enqueue_indirect_dma source(%dma_start3A_43 : memref<10000x16xf32, #tpu.memory_space<hbm>>) target(%arg13 : memref<128x16xf32, #tpu.memory_space<vmem>>) offsets(%arg11 : memref<128xi32, #tpu.memory_space<vmem>>) semaphore(%arg15 : memref<!tpu.dma_semaphore, #tpu.memory_space<semaphore_mem>>)
      %dma_wait3A_44 = arith.constant 0 : i32
      %dma_wait3A_45 = arith.constant 0 : i32
      %dma_wait3A_46 = tpu.memref_slice %arg4[%dma_wait3A_44, %dma_wait3A_45] : memref<10000x16xf32, #tpu.memory_space<hbm>> -> memref<128x16xf32, #tpu.memory_space<hbm>>
      %dma_wait3A_47 = arith.constant 0 : i32
      %dma_wait3A_48 = arith.constant 0 : i32
      %dma_wait3A_49 = tpu.memref_slice %arg4[%dma_wait3A_47, %dma_wait3A_48] : memref<10000x16xf32, #tpu.memory_space<hbm>> -> memref<128x16xf32, #tpu.memory_space<hbm>>
      tpu.wait_dma2 semaphore(%arg14 : memref<!tpu.dma_semaphore, #tpu.memory_space<semaphore_mem>>) src(%dma_wait3A_49 : memref<128x16xf32, #tpu.memory_space<hbm>>) dst(%arg8 : memref<128x16xf32, #tpu.memory_space<vmem>>)
      %dma_wait3A_50 = arith.constant 0 : i32
      %dma_wait3A_51 = arith.constant 0 : i32
      %dma_wait3A_52 = tpu.memref_slice %arg4[%dma_wait3A_50, %dma_wait3A_51] : memref<10000x16xf32, #tpu.memory_space<hbm>> -> memref<128x16xf32, #tpu.memory_space<hbm>>
      %dma_wait3A_53 = arith.constant 0 : i32
      %dma_wait3A_54 = arith.constant 0 : i32
      %dma_wait3A_55 = tpu.memref_slice %arg4[%dma_wait3A_53, %dma_wait3A_54] : memref<10000x16xf32, #tpu.memory_space<hbm>> -> memref<128x16xf32, #tpu.memory_space<hbm>>
      tpu.wait_dma2 semaphore(%arg14 : memref<!tpu.dma_semaphore, #tpu.memory_space<semaphore_mem>>) src(%dma_wait3A_55 : memref<128x16xf32, #tpu.memory_space<hbm>>) dst(%arg9 : memref<128x16xf32, #tpu.memory_space<vmem>>)
      %mul3A_56 = arith.constant 128 : i32
      %mul3A_57 = arith.muli %mul3A_32, %mul3A_56 : i32
      %add3A_58 = arith.addi %mul3A_2, %mul3A_57 : i32
      "tpu.region"() ({
        %run_scoped3A = tpu.sem_alloc : memref<!tpu.dma_semaphore, #tpu.memory_space<semaphore_mem>>
        %dma_start3A_88 = arith.constant 0 : i32
        %dma_start3A_89 = tpu.memref_slice %arg5[%add3A_58, %dma_start3A_88] : memref<331776x128xf32, #tpu.memory_space<hbm>> -> memref<128x16xf32, #tpu.memory_space<hbm>>
        %dma_start3A_90 = arith.constant 0 : i32
        %dma_start3A_91 = tpu.memref_slice %arg5[%add3A_58, %dma_start3A_90] : memref<331776x128xf32, #tpu.memory_space<hbm>> -> memref<128x16xf32, #tpu.memory_space<hbm>>
        tpu.enqueue_dma source(%arg8 : memref<128x16xf32, #tpu.memory_space<vmem>>) target(%dma_start3A_91 : memref<128x16xf32, #tpu.memory_space<hbm>>) target_semaphore(%run_scoped3A : memref<!tpu.dma_semaphore, #tpu.memory_space<semaphore_mem>>)
        %dma_wait3A_92 = arith.constant 0 : i32
        %dma_wait3A_93 = tpu.memref_slice %arg5[%add3A_58, %dma_wait3A_92] : memref<331776x128xf32, #tpu.memory_space<hbm>> -> memref<128x16xf32, #tpu.memory_space<hbm>>
        %dma_wait3A_94 = arith.constant 0 : i32
        %dma_wait3A_95 = tpu.memref_slice %arg5[%add3A_58, %dma_wait3A_94] : memref<331776x128xf32, #tpu.memory_space<hbm>> -> memref<128x16xf32, #tpu.memory_space<hbm>>
        tpu.wait_dma2 semaphore(%run_scoped3A : memref<!tpu.dma_semaphore, #tpu.memory_space<semaphore_mem>>) src(%arg8 : memref<128x16xf32, #tpu.memory_space<vmem>>) dst(%dma_wait3A_95 : memref<128x16xf32, #tpu.memory_space<hbm>>)
        tpu.yield
      }) : () -> ()
      "tpu.region"() ({
        %run_scoped3A = tpu.sem_alloc : memref<!tpu.dma_semaphore, #tpu.memory_space<semaphore_mem>>
        %dma_start3A_88 = arith.constant 16 : i32
        %dma_start3A_89 = tpu.memref_slice %arg5[%add3A_58, %dma_start3A_88] : memref<331776x128xf32, #tpu.memory_space<hbm>> -> memref<128x16xf32, #tpu.memory_space<hbm>>
        %dma_start3A_90 = arith.constant 16 : i32
        %dma_start3A_91 = tpu.memref_slice %arg5[%add3A_58, %dma_start3A_90] : memref<331776x128xf32, #tpu.memory_space<hbm>> -> memref<128x16xf32, #tpu.memory_space<hbm>>
        tpu.enqueue_dma source(%arg9 : memref<128x16xf32, #tpu.memory_space<vmem>>) target(%dma_start3A_91 : memref<128x16xf32, #tpu.memory_space<hbm>>) target_semaphore(%run_scoped3A : memref<!tpu.dma_semaphore, #tpu.memory_space<semaphore_mem>>)
        %dma_wait3A_92 = arith.constant 16 : i32
        %dma_wait3A_93 = tpu.memref_slice %arg5[%add3A_58, %dma_wait3A_92] : memref<331776x128xf32, #tpu.memory_space<hbm>> -> memref<128x16xf32, #tpu.memory_space<hbm>>
        %dma_wait3A_94 = arith.constant 16 : i32
        %dma_wait3A_95 = tpu.memref_slice %arg5[%add3A_58, %dma_wait3A_94] : memref<331776x128xf32, #tpu.memory_space<hbm>> -> memref<128x16xf32, #tpu.memory_space<hbm>>
        tpu.wait_dma2 semaphore(%run_scoped3A : memref<!tpu.dma_semaphore, #tpu.memory_space<semaphore_mem>>) src(%arg9 : memref<128x16xf32, #tpu.memory_space<vmem>>) dst(%dma_wait3A_95 : memref<128x16xf32, #tpu.memory_space<hbm>>)
        tpu.yield
      }) : () -> ()
      %add3A_59 = arith.constant 2 : i32
      %add3A_60 = arith.addi %mul3A_32, %add3A_59 : i32
      %mul3A_61 = arith.constant 128 : i32
      %mul3A_62 = arith.muli %add3A_60, %mul3A_61 : i32
      %add3A_63 = arith.addi %mul3A_2, %mul3A_62 : i32
      "tpu.region"() ({
        %run_scoped3A = tpu.sem_alloc : memref<!tpu.dma_semaphore, #tpu.memory_space<semaphore_mem>>
        %dma_start3A_88 = tpu.memref_slice %arg2[%add3A_63] : memref<331776xi32, #tpu.memory_space<hbm>> -> memref<128xi32, #tpu.memory_space<hbm>>
        %dma_start3A_89 = tpu.memref_slice %arg2[%add3A_63] : memref<331776xi32, #tpu.memory_space<hbm>> -> memref<128xi32, #tpu.memory_space<hbm>>
        tpu.enqueue_dma source(%dma_start3A_89 : memref<128xi32, #tpu.memory_space<hbm>>) target(%arg6 : memref<128xi32, #tpu.memory_space<vmem>>) target_semaphore(%run_scoped3A : memref<!tpu.dma_semaphore, #tpu.memory_space<semaphore_mem>>)
        %dma_wait3A_90 = tpu.memref_slice %arg2[%add3A_63] : memref<331776xi32, #tpu.memory_space<hbm>> -> memref<128xi32, #tpu.memory_space<hbm>>
        %dma_wait3A_91 = tpu.memref_slice %arg2[%add3A_63] : memref<331776xi32, #tpu.memory_space<hbm>> -> memref<128xi32, #tpu.memory_space<hbm>>
        tpu.wait_dma2 semaphore(%run_scoped3A : memref<!tpu.dma_semaphore, #tpu.memory_space<semaphore_mem>>) src(%dma_wait3A_91 : memref<128xi32, #tpu.memory_space<hbm>>) dst(%arg6 : memref<128xi32, #tpu.memory_space<vmem>>)
        tpu.yield
      }) : () -> ()
      "tpu.region"() ({
        %run_scoped3A = tpu.sem_alloc : memref<!tpu.dma_semaphore, #tpu.memory_space<semaphore_mem>>
        %dma_start3A_88 = tpu.memref_slice %arg3[%add3A_63] : memref<331776xi32, #tpu.memory_space<hbm>> -> memref<128xi32, #tpu.memory_space<hbm>>
        %dma_start3A_89 = tpu.memref_slice %arg3[%add3A_63] : memref<331776xi32, #tpu.memory_space<hbm>> -> memref<128xi32, #tpu.memory_space<hbm>>
        tpu.enqueue_dma source(%dma_start3A_89 : memref<128xi32, #tpu.memory_space<hbm>>) target(%arg7 : memref<128xi32, #tpu.memory_space<vmem>>) target_semaphore(%run_scoped3A : memref<!tpu.dma_semaphore, #tpu.memory_space<semaphore_mem>>)
        %dma_wait3A_90 = tpu.memref_slice %arg3[%add3A_63] : memref<331776xi32, #tpu.memory_space<hbm>> -> memref<128xi32, #tpu.memory_space<hbm>>
        %dma_wait3A_91 = tpu.memref_slice %arg3[%add3A_63] : memref<331776xi32, #tpu.memory_space<hbm>> -> memref<128xi32, #tpu.memory_space<hbm>>
        tpu.wait_dma2 semaphore(%run_scoped3A : memref<!tpu.dma_semaphore, #tpu.memory_space<semaphore_mem>>) src(%dma_wait3A_91 : memref<128xi32, #tpu.memory_space<hbm>>) dst(%arg7 : memref<128xi32, #tpu.memory_space<vmem>>)
        tpu.yield
      }) : () -> ()
      %dma_start3A_64 = arith.constant 0 : i32
      %dma_start3A_65 = arith.constant 0 : i32
      %dma_start3A_66 = tpu.memref_slice %arg4[%dma_start3A_64, %dma_start3A_65] : memref<10000x16xf32, #tpu.memory_space<hbm>> -> memref<10000x16xf32, #tpu.memory_space<hbm>>
      tpu.enqueue_indirect_dma source(%dma_start3A_66 : memref<10000x16xf32, #tpu.memory_space<hbm>>) target(%arg8 : memref<128x16xf32, #tpu.memory_space<vmem>>) offsets(%arg6 : memref<128xi32, #tpu.memory_space<vmem>>) semaphore(%arg14 : memref<!tpu.dma_semaphore, #tpu.memory_space<semaphore_mem>>)
      %dma_start3A_67 = arith.constant 0 : i32
      %dma_start3A_68 = arith.constant 0 : i32
      %dma_start3A_69 = tpu.memref_slice %arg4[%dma_start3A_67, %dma_start3A_68] : memref<10000x16xf32, #tpu.memory_space<hbm>> -> memref<10000x16xf32, #tpu.memory_space<hbm>>
      tpu.enqueue_indirect_dma source(%dma_start3A_69 : memref<10000x16xf32, #tpu.memory_space<hbm>>) target(%arg9 : memref<128x16xf32, #tpu.memory_space<vmem>>) offsets(%arg7 : memref<128xi32, #tpu.memory_space<vmem>>) semaphore(%arg14 : memref<!tpu.dma_semaphore, #tpu.memory_space<semaphore_mem>>)
      %dma_wait3A_70 = arith.constant 0 : i32
      %dma_wait3A_71 = arith.constant 0 : i32
      %dma_wait3A_72 = tpu.memref_slice %arg4[%dma_wait3A_70, %dma_wait3A_71] : memref<10000x16xf32, #tpu.memory_space<hbm>> -> memref<128x16xf32, #tpu.memory_space<hbm>>
      %dma_wait3A_73 = arith.constant 0 : i32
      %dma_wait3A_74 = arith.constant 0 : i32
      %dma_wait3A_75 = tpu.memref_slice %arg4[%dma_wait3A_73, %dma_wait3A_74] : memref<10000x16xf32, #tpu.memory_space<hbm>> -> memref<128x16xf32, #tpu.memory_space<hbm>>
      tpu.wait_dma2 semaphore(%arg15 : memref<!tpu.dma_semaphore, #tpu.memory_space<semaphore_mem>>) src(%dma_wait3A_75 : memref<128x16xf32, #tpu.memory_space<hbm>>) dst(%arg12 : memref<128x16xf32, #tpu.memory_space<vmem>>)
      %dma_wait3A_76 = arith.constant 0 : i32
      %dma_wait3A_77 = arith.constant 0 : i32
      %dma_wait3A_78 = tpu.memref_slice %arg4[%dma_wait3A_76, %dma_wait3A_77] : memref<10000x16xf32, #tpu.memory_space<hbm>> -> memref<128x16xf32, #tpu.memory_space<hbm>>
      %dma_wait3A_79 = arith.constant 0 : i32
      %dma_wait3A_80 = arith.constant 0 : i32
      %dma_wait3A_81 = tpu.memref_slice %arg4[%dma_wait3A_79, %dma_wait3A_80] : memref<10000x16xf32, #tpu.memory_space<hbm>> -> memref<128x16xf32, #tpu.memory_space<hbm>>
      tpu.wait_dma2 semaphore(%arg15 : memref<!tpu.dma_semaphore, #tpu.memory_space<semaphore_mem>>) src(%dma_wait3A_81 : memref<128x16xf32, #tpu.memory_space<hbm>>) dst(%arg13 : memref<128x16xf32, #tpu.memory_space<vmem>>)
      %add3A_82 = arith.constant 1 : i32
      %add3A_83 = arith.addi %mul3A_32, %add3A_82 : i32
      %mul3A_84 = arith.constant 128 : i32
      %mul3A_85 = arith.muli %add3A_83, %mul3A_84 : i32
      %add3A_86 = arith.addi %mul3A_2, %mul3A_85 : i32
      "tpu.region"() ({
        %run_scoped3A = tpu.sem_alloc : memref<!tpu.dma_semaphore, #tpu.memory_space<semaphore_mem>>
        %dma_start3A_88 = arith.constant 0 : i32
        %dma_start3A_89 = tpu.memref_slice %arg5[%add3A_86, %dma_start3A_88] : memref<331776x128xf32, #tpu.memory_space<hbm>> -> memref<128x16xf32, #tpu.memory_space<hbm>>
        %dma_start3A_90 = arith.constant 0 : i32
        %dma_start3A_91 = tpu.memref_slice %arg5[%add3A_86, %dma_start3A_90] : memref<331776x128xf32, #tpu.memory_space<hbm>> -> memref<128x16xf32, #tpu.memory_space<hbm>>
        tpu.enqueue_dma source(%arg12 : memref<128x16xf32, #tpu.memory_space<vmem>>) target(%dma_start3A_91 : memref<128x16xf32, #tpu.memory_space<hbm>>) target_semaphore(%run_scoped3A : memref<!tpu.dma_semaphore, #tpu.memory_space<semaphore_mem>>)
        %dma_wait3A_92 = arith.constant 0 : i32
        %dma_wait3A_93 = tpu.memref_slice %arg5[%add3A_86, %dma_wait3A_92] : memref<331776x128xf32, #tpu.memory_space<hbm>> -> memref<128x16xf32, #tpu.memory_space<hbm>>
        %dma_wait3A_94 = arith.constant 0 : i32
        %dma_wait3A_95 = tpu.memref_slice %arg5[%add3A_86, %dma_wait3A_94] : memref<331776x128xf32, #tpu.memory_space<hbm>> -> memref<128x16xf32, #tpu.memory_space<hbm>>
        tpu.wait_dma2 semaphore(%run_scoped3A : memref<!tpu.dma_semaphore, #tpu.memory_space<semaphore_mem>>) src(%arg12 : memref<128x16xf32, #tpu.memory_space<vmem>>) dst(%dma_wait3A_95 : memref<128x16xf32, #tpu.memory_space<hbm>>)
        tpu.yield
      }) : () -> ()
      "tpu.region"() ({
        %run_scoped3A = tpu.sem_alloc : memref<!tpu.dma_semaphore, #tpu.memory_space<semaphore_mem>>
        %dma_start3A_88 = arith.constant 16 : i32
        %dma_start3A_89 = tpu.memref_slice %arg5[%add3A_86, %dma_start3A_88] : memref<331776x128xf32, #tpu.memory_space<hbm>> -> memref<128x16xf32, #tpu.memory_space<hbm>>
        %dma_start3A_90 = arith.constant 16 : i32
        %dma_start3A_91 = tpu.memref_slice %arg5[%add3A_86, %dma_start3A_90] : memref<331776x128xf32, #tpu.memory_space<hbm>> -> memref<128x16xf32, #tpu.memory_space<hbm>>
        tpu.enqueue_dma source(%arg13 : memref<128x16xf32, #tpu.memory_space<vmem>>) target(%dma_start3A_91 : memref<128x16xf32, #tpu.memory_space<hbm>>) target_semaphore(%run_scoped3A : memref<!tpu.dma_semaphore, #tpu.memory_space<semaphore_mem>>)
        %dma_wait3A_92 = arith.constant 16 : i32
        %dma_wait3A_93 = tpu.memref_slice %arg5[%add3A_86, %dma_wait3A_92] : memref<331776x128xf32, #tpu.memory_space<hbm>> -> memref<128x16xf32, #tpu.memory_space<hbm>>
        %dma_wait3A_94 = arith.constant 16 : i32
        %dma_wait3A_95 = tpu.memref_slice %arg5[%add3A_86, %dma_wait3A_94] : memref<331776x128xf32, #tpu.memory_space<hbm>> -> memref<128x16xf32, #tpu.memory_space<hbm>>
        tpu.wait_dma2 semaphore(%run_scoped3A : memref<!tpu.dma_semaphore, #tpu.memory_space<semaphore_mem>>) src(%arg13 : memref<128x16xf32, #tpu.memory_space<vmem>>) dst(%dma_wait3A_95 : memref<128x16xf32, #tpu.memory_space<hbm>>)
        tpu.yield
      }) : () -> ()
      %scan3A_87 = arith.constant 0 : i32
      scf.yield %scan3A_87 : i32
    }
    %scan3A_15 = arith.constant 40 : i32
    %dma_wait3A = arith.constant 0 : i32
    %dma_wait3A_16 = arith.constant 0 : i32
    %dma_wait3A_17 = tpu.memref_slice %arg4[%dma_wait3A, %dma_wait3A_16] : memref<10000x16xf32, #tpu.memory_space<hbm>> -> memref<128x16xf32, #tpu.memory_space<hbm>>
    %dma_wait3A_18 = arith.constant 0 : i32
    %dma_wait3A_19 = arith.constant 0 : i32
    %dma_wait3A_20 = tpu.memref_slice %arg4[%dma_wait3A_18, %dma_wait3A_19] : memref<10000x16xf32, #tpu.memory_space<hbm>> -> memref<128x16xf32, #tpu.memory_space<hbm>>
    tpu.wait_dma2 semaphore(%arg14 : memref<!tpu.dma_semaphore, #tpu.memory_space<semaphore_mem>>) src(%dma_wait3A_20 : memref<128x16xf32, #tpu.memory_space<hbm>>) dst(%arg8 : memref<128x16xf32, #tpu.memory_space<vmem>>)
    %dma_wait3A_21 = arith.constant 0 : i32
    %dma_wait3A_22 = arith.constant 0 : i32
    %dma_wait3A_23 = tpu.memref_slice %arg4[%dma_wait3A_21, %dma_wait3A_22] : memref<10000x16xf32, #tpu.memory_space<hbm>> -> memref<128x16xf32, #tpu.memory_space<hbm>>
    %dma_wait3A_24 = arith.constant 0 : i32
    %dma_wait3A_25 = arith.constant 0 : i32
    %dma_wait3A_26 = tpu.memref_slice %arg4[%dma_wait3A_24, %dma_wait3A_25] : memref<10000x16xf32, #tpu.memory_space<hbm>> -> memref<128x16xf32, #tpu.memory_space<hbm>>
    tpu.wait_dma2 semaphore(%arg14 : memref<!tpu.dma_semaphore, #tpu.memory_space<semaphore_mem>>) src(%dma_wait3A_26 : memref<128x16xf32, #tpu.memory_space<hbm>>) dst(%arg9 : memref<128x16xf32, #tpu.memory_space<vmem>>)
    %add3A_27 = arith.constant 10240 : i32
    %add3A_28 = arith.addi %mul3A_2, %add3A_27 : i32
    "tpu.region"() ({
      %run_scoped3A = tpu.sem_alloc : memref<!tpu.dma_semaphore, #tpu.memory_space<semaphore_mem>>
      %dma_start3A_29 = arith.constant 0 : i32
      %dma_start3A_30 = tpu.memref_slice %arg5[%add3A_28, %dma_start3A_29] : memref<331776x128xf32, #tpu.memory_space<hbm>> -> memref<128x16xf32, #tpu.memory_space<hbm>>
      %dma_start3A_31 = arith.constant 0 : i32
      %dma_start3A_32 = tpu.memref_slice %arg5[%add3A_28, %dma_start3A_31] : memref<331776x128xf32, #tpu.memory_space<hbm>> -> memref<128x16xf32, #tpu.memory_space<hbm>>
      tpu.enqueue_dma source(%arg8 : memref<128x16xf32, #tpu.memory_space<vmem>>) target(%dma_start3A_32 : memref<128x16xf32, #tpu.memory_space<hbm>>) target_semaphore(%run_scoped3A : memref<!tpu.dma_semaphore, #tpu.memory_space<semaphore_mem>>)
      %dma_wait3A_33 = arith.constant 0 : i32
      %dma_wait3A_34 = tpu.memref_slice %arg5[%add3A_28, %dma_wait3A_33] : memref<331776x128xf32, #tpu.memory_space<hbm>> -> memref<128x16xf32, #tpu.memory_space<hbm>>
      %dma_wait3A_35 = arith.constant 0 : i32
      %dma_wait3A_36 = tpu.memref_slice %arg5[%add3A_28, %dma_wait3A_35] : memref<331776x128xf32, #tpu.memory_space<hbm>> -> memref<128x16xf32, #tpu.memory_space<hbm>>
      tpu.wait_dma2 semaphore(%run_scoped3A : memref<!tpu.dma_semaphore, #tpu.memory_space<semaphore_mem>>) src(%arg8 : memref<128x16xf32, #tpu.memory_space<vmem>>) dst(%dma_wait3A_36 : memref<128x16xf32, #tpu.memory_space<hbm>>)
      tpu.yield
    }) : () -> ()
    "tpu.region"() ({
      %run_scoped3A = tpu.sem_alloc : memref<!tpu.dma_semaphore, #tpu.memory_space<semaphore_mem>>
      %dma_start3A_29 = arith.constant 16 : i32
      %dma_start3A_30 = tpu.memref_slice %arg5[%add3A_28, %dma_start3A_29] : memref<331776x128xf32, #tpu.memory_space<hbm>> -> memref<128x16xf32, #tpu.memory_space<hbm>>
      %dma_start3A_31 = arith.constant 16 : i32
      %dma_start3A_32 = tpu.memref_slice %arg5[%add3A_28, %dma_start3A_31] : memref<331776x128xf32, #tpu.memory_space<hbm>> -> memref<128x16xf32, #tpu.memory_space<hbm>>
      tpu.enqueue_dma source(%arg9 : memref<128x16xf32, #tpu.memory_space<vmem>>) target(%dma_start3A_32 : memref<128x16xf32, #tpu.memory_space<hbm>>) target_semaphore(%run_scoped3A : memref<!tpu.dma_semaphore, #tpu.memory_space<semaphore_mem>>)
      %dma_wait3A_33 = arith.constant 16 : i32
      %dma_wait3A_34 = tpu.memref_slice %arg5[%add3A_28, %dma_wait3A_33] : memref<331776x128xf32, #tpu.memory_space<hbm>> -> memref<128x16xf32, #tpu.memory_space<hbm>>
      %dma_wait3A_35 = arith.constant 16 : i32
      %dma_wait3A_36 = tpu.memref_slice %arg5[%add3A_28, %dma_wait3A_35] : memref<331776x128xf32, #tpu.memory_space<hbm>> -> memref<128x16xf32, #tpu.memory_space<hbm>>
      tpu.wait_dma2 semaphore(%run_scoped3A : memref<!tpu.dma_semaphore, #tpu.memory_space<semaphore_mem>>) src(%arg9 : memref<128x16xf32, #tpu.memory_space<vmem>>) dst(%dma_wait3A_36 : memref<128x16xf32, #tpu.memory_space<hbm>>)
      tpu.yield
    }) : () -> ()
    return
  }
}

#map = affine_map<(d0, d1) -> (0, 0)>
#map1 = affine_map<(d0, d1) -> (0)>
module attributes {stable_mosaic.version = 14 : i64} {
  func.func @_s2_body(%arg0: i32, %arg1: i32, %arg2: memref<331776x128xf32, #tpu.memory_space<hbm>>, %arg3: memref<331776x128xf32, #tpu.memory_space<hbm>>, %arg4: memref<331776xi32, #tpu.memory_space<hbm>>, %arg5: memref<10000x64xf32, #tpu.memory_space<hbm>>, %arg6: memref<10000x128xf32, #tpu.memory_space<hbm>>, %arg7: memref<10000x128xf32, #tpu.memory_space<hbm>>, %arg8: memref<128xi32, #tpu.memory_space<vmem>>, %arg9: memref<128x64xf32, #tpu.memory_space<vmem>>, %arg10: memref<128x64xf32, #tpu.memory_space<vmem>>, %arg11: memref<128xi32, #tpu.memory_space<vmem>>, %arg12: memref<128x64xf32, #tpu.memory_space<vmem>>, %arg13: memref<128x64xf32, #tpu.memory_space<vmem>>, %arg14: memref<10000x64xf32, #tpu.memory_space<vmem_shared>>, %arg15: memref<10000x64xf32, #tpu.memory_space<vmem_shared>>, %arg16: memref<!tpu.dma_semaphore, #tpu.memory_space<semaphore_mem>>, %arg17: memref<!tpu.dma_semaphore, #tpu.memory_space<semaphore_mem>>) attributes {dimension_semantics = [#tpu.dimension_semantics<core_parallel>, #tpu.dimension_semantics<subcore_parallel>], iteration_bounds = array<i64: 2, 16>, scalar_prefetch = 0 : i64, scratch_operands = 10 : i64, tpu.core_type = #tpu.core_type<sc_vector_subcore>, window_params = [{transform_indices = #map}, {transform_indices = #map}, {transform_indices = #map1}, {transform_indices = #map}, {transform_indices = #map}, {transform_indices = #map}]} {
    %mul3A = arith.constant 64 : i32
    %mul3A_0 = arith.muli %arg0, %mul3A : i32
    %mul3A_1 = arith.constant 625 : i32
    %mul3A_2 = arith.muli %arg1, %mul3A_1 : i32
    %mul3A_3 = arith.constant 625 : i32
    %mul3A_4 = arith.muli %arg1, %mul3A_3 : i32
    "tpu.region"() ({
      %run_scoped3A = tpu.sem_alloc : memref<!tpu.dma_semaphore, #tpu.memory_space<semaphore_mem>>
      %dma_start3A_49 = arith.constant 0 : i32
      %dma_start3A_50 = tpu.memref_slice %arg14[%mul3A_4, %dma_start3A_49] : memref<10000x64xf32, #tpu.memory_space<vmem_shared>> -> memref<625x64xf32, #tpu.memory_space<vmem_shared>>
      %dma_start3A_51 = arith.constant 0 : i32
      %dma_start3A_52 = tpu.memref_slice %arg5[%mul3A_2, %dma_start3A_51] : memref<10000x64xf32, #tpu.memory_space<hbm>> -> memref<625x64xf32, #tpu.memory_space<hbm>>
      tpu.enqueue_dma source(%dma_start3A_52 : memref<625x64xf32, #tpu.memory_space<hbm>>) target(%dma_start3A_50 : memref<625x64xf32, #tpu.memory_space<vmem_shared>>) target_semaphore(%run_scoped3A : memref<!tpu.dma_semaphore, #tpu.memory_space<semaphore_mem>>)
      %dma_wait3A_53 = arith.constant 0 : i32
      %dma_wait3A_54 = tpu.memref_slice %arg14[%mul3A_4, %dma_wait3A_53] : memref<10000x64xf32, #tpu.memory_space<vmem_shared>> -> memref<625x64xf32, #tpu.memory_space<vmem_shared>>
      %dma_wait3A_55 = arith.constant 0 : i32
      %dma_wait3A_56 = tpu.memref_slice %arg5[%mul3A_2, %dma_wait3A_55] : memref<10000x64xf32, #tpu.memory_space<hbm>> -> memref<625x64xf32, #tpu.memory_space<hbm>>
      tpu.wait_dma2 semaphore(%run_scoped3A : memref<!tpu.dma_semaphore, #tpu.memory_space<semaphore_mem>>) src(%dma_wait3A_56 : memref<625x64xf32, #tpu.memory_space<hbm>>) dst(%dma_wait3A_54 : memref<625x64xf32, #tpu.memory_space<vmem_shared>>)
      tpu.yield
    }) : () -> ()
    %mul3A_5 = arith.constant 625 : i32
    %mul3A_6 = arith.muli %arg1, %mul3A_5 : i32
    %mul3A_7 = arith.constant 625 : i32
    %mul3A_8 = arith.muli %arg1, %mul3A_7 : i32
    "tpu.region"() ({
      %run_scoped3A = tpu.sem_alloc : memref<!tpu.dma_semaphore, #tpu.memory_space<semaphore_mem>>
      %dma_start3A_49 = arith.constant 0 : i32
      %dma_start3A_50 = tpu.memref_slice %arg15[%mul3A_8, %dma_start3A_49] : memref<10000x64xf32, #tpu.memory_space<vmem_shared>> -> memref<625x64xf32, #tpu.memory_space<vmem_shared>>
      %dma_start3A_51 = arith.constant 0 : i32
      %dma_start3A_52 = tpu.memref_slice %arg5[%mul3A_6, %dma_start3A_51] : memref<10000x64xf32, #tpu.memory_space<hbm>> -> memref<625x64xf32, #tpu.memory_space<hbm>>
      tpu.enqueue_dma source(%dma_start3A_52 : memref<625x64xf32, #tpu.memory_space<hbm>>) target(%dma_start3A_50 : memref<625x64xf32, #tpu.memory_space<vmem_shared>>) target_semaphore(%run_scoped3A : memref<!tpu.dma_semaphore, #tpu.memory_space<semaphore_mem>>)
      %dma_wait3A_53 = arith.constant 0 : i32
      %dma_wait3A_54 = tpu.memref_slice %arg15[%mul3A_8, %dma_wait3A_53] : memref<10000x64xf32, #tpu.memory_space<vmem_shared>> -> memref<625x64xf32, #tpu.memory_space<vmem_shared>>
      %dma_wait3A_55 = arith.constant 0 : i32
      %dma_wait3A_56 = tpu.memref_slice %arg5[%mul3A_6, %dma_wait3A_55] : memref<10000x64xf32, #tpu.memory_space<hbm>> -> memref<625x64xf32, #tpu.memory_space<hbm>>
      tpu.wait_dma2 semaphore(%run_scoped3A : memref<!tpu.dma_semaphore, #tpu.memory_space<semaphore_mem>>) src(%dma_wait3A_56 : memref<625x64xf32, #tpu.memory_space<hbm>>) dst(%dma_wait3A_54 : memref<625x64xf32, #tpu.memory_space<vmem_shared>>)
      tpu.yield
    }) : () -> ()
    %barrier3A = arith.constant 0 : index
    tpu.barrier barrier_id(%barrier3A)
    %mul3A_9 = arith.constant 162 : i32
    %mul3A_10 = arith.muli %arg1, %mul3A_9 : i32
    %add3A = arith.constant 0 : i32
    %add3A_11 = arith.addi %mul3A_10, %add3A : i32
    %mul3A_12 = arith.constant 128 : i32
    %mul3A_13 = arith.muli %add3A_11, %mul3A_12 : i32
    %dma_start3A = tpu.memref_slice %arg4[%mul3A_13] : memref<331776xi32, #tpu.memory_space<hbm>> -> memref<128xi32, #tpu.memory_space<hbm>>
    %dma_start3A_14 = tpu.memref_slice %arg4[%mul3A_13] : memref<331776xi32, #tpu.memory_space<hbm>> -> memref<128xi32, #tpu.memory_space<hbm>>
    tpu.enqueue_dma source(%dma_start3A_14 : memref<128xi32, #tpu.memory_space<hbm>>) target(%arg8 : memref<128xi32, #tpu.memory_space<vmem>>) target_semaphore(%arg16 : memref<!tpu.dma_semaphore, #tpu.memory_space<semaphore_mem>>)
    %dma_start3A_15 = tpu.memref_slice %arg2[%mul3A_13, %mul3A_0] : memref<331776x128xf32, #tpu.memory_space<hbm>> -> memref<128x64xf32, #tpu.memory_space<hbm>>
    %dma_start3A_16 = tpu.memref_slice %arg2[%mul3A_13, %mul3A_0] : memref<331776x128xf32, #tpu.memory_space<hbm>> -> memref<128x64xf32, #tpu.memory_space<hbm>>
    tpu.enqueue_dma source(%dma_start3A_16 : memref<128x64xf32, #tpu.memory_space<hbm>>) target(%arg9 : memref<128x64xf32, #tpu.memory_space<vmem>>) target_semaphore(%arg16 : memref<!tpu.dma_semaphore, #tpu.memory_space<semaphore_mem>>)
    %dma_start3A_17 = tpu.memref_slice %arg3[%mul3A_13, %mul3A_0] : memref<331776x128xf32, #tpu.memory_space<hbm>> -> memref<128x64xf32, #tpu.memory_space<hbm>>
    %dma_start3A_18 = tpu.memref_slice %arg3[%mul3A_13, %mul3A_0] : memref<331776x128xf32, #tpu.memory_space<hbm>> -> memref<128x64xf32, #tpu.memory_space<hbm>>
    tpu.enqueue_dma source(%dma_start3A_18 : memref<128x64xf32, #tpu.memory_space<hbm>>) target(%arg10 : memref<128x64xf32, #tpu.memory_space<vmem>>) target_semaphore(%arg16 : memref<!tpu.dma_semaphore, #tpu.memory_space<semaphore_mem>>)
    %scan3A = arith.constant 0 : i32
    %scan3A_19 = arith.constant 0 : i32
    %scan3A_20 = arith.constant 81 : i32
    %scan3A_21 = arith.addi %scan3A_19, %scan3A_20 : i32
    %scan3A_22 = arith.constant 1 : i32
    %scan3A_23 = scf.for %scan3A_49 = %scan3A_19 to %scan3A_21 step %scan3A_22 iter_args(%scan3A_50 = %scan3A) -> (i32)  : i32 {
      %mul3A_51 = arith.constant 2 : i32
      %mul3A_52 = arith.muli %mul3A_51, %scan3A_49 : i32
      %add3A_53 = arith.constant 1 : i32
      %add3A_54 = arith.addi %mul3A_52, %add3A_53 : i32
      %mul3A_55 = arith.constant 162 : i32
      %mul3A_56 = arith.muli %arg1, %mul3A_55 : i32
      %add3A_57 = arith.addi %mul3A_56, %add3A_54 : i32
      %mul3A_58 = arith.constant 128 : i32
      %mul3A_59 = arith.muli %add3A_57, %mul3A_58 : i32
      %dma_start3A_60 = tpu.memref_slice %arg4[%mul3A_59] : memref<331776xi32, #tpu.memory_space<hbm>> -> memref<128xi32, #tpu.memory_space<hbm>>
      %dma_start3A_61 = tpu.memref_slice %arg4[%mul3A_59] : memref<331776xi32, #tpu.memory_space<hbm>> -> memref<128xi32, #tpu.memory_space<hbm>>
      tpu.enqueue_dma source(%dma_start3A_61 : memref<128xi32, #tpu.memory_space<hbm>>) target(%arg11 : memref<128xi32, #tpu.memory_space<vmem>>) target_semaphore(%arg17 : memref<!tpu.dma_semaphore, #tpu.memory_space<semaphore_mem>>)
      %dma_start3A_62 = tpu.memref_slice %arg2[%mul3A_59, %mul3A_0] : memref<331776x128xf32, #tpu.memory_space<hbm>> -> memref<128x64xf32, #tpu.memory_space<hbm>>
      %dma_start3A_63 = tpu.memref_slice %arg2[%mul3A_59, %mul3A_0] : memref<331776x128xf32, #tpu.memory_space<hbm>> -> memref<128x64xf32, #tpu.memory_space<hbm>>
      tpu.enqueue_dma source(%dma_start3A_63 : memref<128x64xf32, #tpu.memory_space<hbm>>) target(%arg12 : memref<128x64xf32, #tpu.memory_space<vmem>>) target_semaphore(%arg17 : memref<!tpu.dma_semaphore, #tpu.memory_space<semaphore_mem>>)
      %dma_start3A_64 = tpu.memref_slice %arg3[%mul3A_59, %mul3A_0] : memref<331776x128xf32, #tpu.memory_space<hbm>> -> memref<128x64xf32, #tpu.memory_space<hbm>>
      %dma_start3A_65 = tpu.memref_slice %arg3[%mul3A_59, %mul3A_0] : memref<331776x128xf32, #tpu.memory_space<hbm>> -> memref<128x64xf32, #tpu.memory_space<hbm>>
      tpu.enqueue_dma source(%dma_start3A_65 : memref<128x64xf32, #tpu.memory_space<hbm>>) target(%arg13 : memref<128x64xf32, #tpu.memory_space<vmem>>) target_semaphore(%arg17 : memref<!tpu.dma_semaphore, #tpu.memory_space<semaphore_mem>>)
      %dma_wait3A_66 = arith.constant 0 : i32
      %dma_wait3A_67 = tpu.memref_slice %arg4[%dma_wait3A_66] : memref<331776xi32, #tpu.memory_space<hbm>> -> memref<128xi32, #tpu.memory_space<hbm>>
      %dma_wait3A_68 = arith.constant 0 : i32
      %dma_wait3A_69 = tpu.memref_slice %arg4[%dma_wait3A_68] : memref<331776xi32, #tpu.memory_space<hbm>> -> memref<128xi32, #tpu.memory_space<hbm>>
      tpu.wait_dma2 semaphore(%arg16 : memref<!tpu.dma_semaphore, #tpu.memory_space<semaphore_mem>>) src(%dma_wait3A_69 : memref<128xi32, #tpu.memory_space<hbm>>) dst(%arg8 : memref<128xi32, #tpu.memory_space<vmem>>)
      %dma_wait3A_70 = arith.constant 0 : i32
      %dma_wait3A_71 = arith.constant 0 : i32
      %dma_wait3A_72 = tpu.memref_slice %arg2[%dma_wait3A_70, %dma_wait3A_71] : memref<331776x128xf32, #tpu.memory_space<hbm>> -> memref<128x64xf32, #tpu.memory_space<hbm>>
      %dma_wait3A_73 = arith.constant 0 : i32
      %dma_wait3A_74 = arith.constant 0 : i32
      %dma_wait3A_75 = tpu.memref_slice %arg2[%dma_wait3A_73, %dma_wait3A_74] : memref<331776x128xf32, #tpu.memory_space<hbm>> -> memref<128x64xf32, #tpu.memory_space<hbm>>
      tpu.wait_dma2 semaphore(%arg16 : memref<!tpu.dma_semaphore, #tpu.memory_space<semaphore_mem>>) src(%dma_wait3A_75 : memref<128x64xf32, #tpu.memory_space<hbm>>) dst(%arg9 : memref<128x64xf32, #tpu.memory_space<vmem>>)
      %dma_wait3A_76 = arith.constant 0 : i32
      %dma_wait3A_77 = arith.constant 0 : i32
      %dma_wait3A_78 = tpu.memref_slice %arg3[%dma_wait3A_76, %dma_wait3A_77] : memref<331776x128xf32, #tpu.memory_space<hbm>> -> memref<128x64xf32, #tpu.memory_space<hbm>>
      %dma_wait3A_79 = arith.constant 0 : i32
      %dma_wait3A_80 = arith.constant 0 : i32
      %dma_wait3A_81 = tpu.memref_slice %arg3[%dma_wait3A_79, %dma_wait3A_80] : memref<331776x128xf32, #tpu.memory_space<hbm>> -> memref<128x64xf32, #tpu.memory_space<hbm>>
      tpu.wait_dma2 semaphore(%arg16 : memref<!tpu.dma_semaphore, #tpu.memory_space<semaphore_mem>>) src(%dma_wait3A_81 : memref<128x64xf32, #tpu.memory_space<hbm>>) dst(%arg10 : memref<128x64xf32, #tpu.memory_space<vmem>>)
      "tpu.region"() ({
        %run_scoped3A = tpu.sem_alloc : memref<!tpu.dma_semaphore, #tpu.memory_space<semaphore_mem>>
        %dma_start3A_113 = arith.constant 0 : i32
        %dma_start3A_114 = arith.constant 0 : i32
        %dma_start3A_115 = tpu.memref_slice %arg14[%dma_start3A_113, %dma_start3A_114] : memref<10000x64xf32, #tpu.memory_space<vmem_shared>> -> memref<10000x64xf32, #tpu.memory_space<vmem_shared>>
        tpu.enqueue_indirect_dma source(%arg9 : memref<128x64xf32, #tpu.memory_space<vmem>>) target(%dma_start3A_115 : memref<10000x64xf32, #tpu.memory_space<vmem_shared>>) offsets(%arg8 : memref<128xi32, #tpu.memory_space<vmem>>) semaphore(%run_scoped3A : memref<!tpu.dma_semaphore, #tpu.memory_space<semaphore_mem>>) {add = true}
        %dma_wait3A_116 = arith.constant 0 : i32
        %dma_wait3A_117 = arith.constant 0 : i32
        %dma_wait3A_118 = tpu.memref_slice %arg14[%dma_wait3A_116, %dma_wait3A_117] : memref<10000x64xf32, #tpu.memory_space<vmem_shared>> -> memref<10000x64xf32, #tpu.memory_space<vmem_shared>>
        tpu.wait_indirect_dma semaphore(%run_scoped3A : memref<!tpu.dma_semaphore, #tpu.memory_space<semaphore_mem>>) src(%arg9 : memref<128x64xf32, #tpu.memory_space<vmem>>) dst(%dma_wait3A_118 : memref<10000x64xf32, #tpu.memory_space<vmem_shared>>)
        tpu.yield
      }) : () -> ()
      "tpu.region"() ({
        %run_scoped3A = tpu.sem_alloc : memref<!tpu.dma_semaphore, #tpu.memory_space<semaphore_mem>>
        %dma_start3A_113 = arith.constant 0 : i32
        %dma_start3A_114 = arith.constant 0 : i32
        %dma_start3A_115 = tpu.memref_slice %arg15[%dma_start3A_113, %dma_start3A_114] : memref<10000x64xf32, #tpu.memory_space<vmem_shared>> -> memref<10000x64xf32, #tpu.memory_space<vmem_shared>>
        tpu.enqueue_indirect_dma source(%arg10 : memref<128x64xf32, #tpu.memory_space<vmem>>) target(%dma_start3A_115 : memref<10000x64xf32, #tpu.memory_space<vmem_shared>>) offsets(%arg8 : memref<128xi32, #tpu.memory_space<vmem>>) semaphore(%run_scoped3A : memref<!tpu.dma_semaphore, #tpu.memory_space<semaphore_mem>>) {add = true}
        %dma_wait3A_116 = arith.constant 0 : i32
        %dma_wait3A_117 = arith.constant 0 : i32
        %dma_wait3A_118 = tpu.memref_slice %arg15[%dma_wait3A_116, %dma_wait3A_117] : memref<10000x64xf32, #tpu.memory_space<vmem_shared>> -> memref<10000x64xf32, #tpu.memory_space<vmem_shared>>
        tpu.wait_indirect_dma semaphore(%run_scoped3A : memref<!tpu.dma_semaphore, #tpu.memory_space<semaphore_mem>>) src(%arg10 : memref<128x64xf32, #tpu.memory_space<vmem>>) dst(%dma_wait3A_118 : memref<10000x64xf32, #tpu.memory_space<vmem_shared>>)
        tpu.yield
      }) : () -> ()
      %add3A_82 = arith.constant 2 : i32
      %add3A_83 = arith.addi %mul3A_52, %add3A_82 : i32
      %min3A = arith.constant 161 : i32
      %min3A_84 = arith.minsi %add3A_83, %min3A : i32
      %mul3A_85 = arith.constant 162 : i32
      %mul3A_86 = arith.muli %arg1, %mul3A_85 : i32
      %add3A_87 = arith.addi %mul3A_86, %min3A_84 : i32
      %mul3A_88 = arith.constant 128 : i32
      %mul3A_89 = arith.muli %add3A_87, %mul3A_88 : i32
      %dma_start3A_90 = tpu.memref_slice %arg4[%mul3A_89] : memref<331776xi32, #tpu.memory_space<hbm>> -> memref<128xi32, #tpu.memory_space<hbm>>
      %dma_start3A_91 = tpu.memref_slice %arg4[%mul3A_89] : memref<331776xi32, #tpu.memory_space<hbm>> -> memref<128xi32, #tpu.memory_space<hbm>>
      tpu.enqueue_dma source(%dma_start3A_91 : memref<128xi32, #tpu.memory_space<hbm>>) target(%arg8 : memref<128xi32, #tpu.memory_space<vmem>>) target_semaphore(%arg16 : memref<!tpu.dma_semaphore, #tpu.memory_space<semaphore_mem>>)
      %dma_start3A_92 = tpu.memref_slice %arg2[%mul3A_89, %mul3A_0] : memref<331776x128xf32, #tpu.memory_space<hbm>> -> memref<128x64xf32, #tpu.memory_space<hbm>>
      %dma_start3A_93 = tpu.memref_slice %arg2[%mul3A_89, %mul3A_0] : memref<331776x128xf32, #tpu.memory_space<hbm>> -> memref<128x64xf32, #tpu.memory_space<hbm>>
      tpu.enqueue_dma source(%dma_start3A_93 : memref<128x64xf32, #tpu.memory_space<hbm>>) target(%arg9 : memref<128x64xf32, #tpu.memory_space<vmem>>) target_semaphore(%arg16 : memref<!tpu.dma_semaphore, #tpu.memory_space<semaphore_mem>>)
      %dma_start3A_94 = tpu.memref_slice %arg3[%mul3A_89, %mul3A_0] : memref<331776x128xf32, #tpu.memory_space<hbm>> -> memref<128x64xf32, #tpu.memory_space<hbm>>
      %dma_start3A_95 = tpu.memref_slice %arg3[%mul3A_89, %mul3A_0] : memref<331776x128xf32, #tpu.memory_space<hbm>> -> memref<128x64xf32, #tpu.memory_space<hbm>>
      tpu.enqueue_dma source(%dma_start3A_95 : memref<128x64xf32, #tpu.memory_space<hbm>>) target(%arg10 : memref<128x64xf32, #tpu.memory_space<vmem>>) target_semaphore(%arg16 : memref<!tpu.dma_semaphore, #tpu.memory_space<semaphore_mem>>)
      %dma_wait3A_96 = arith.constant 0 : i32
      %dma_wait3A_97 = tpu.memref_slice %arg4[%dma_wait3A_96] : memref<331776xi32, #tpu.memory_space<hbm>> -> memref<128xi32, #tpu.memory_space<hbm>>
      %dma_wait3A_98 = arith.constant 0 : i32
      %dma_wait3A_99 = tpu.memref_slice %arg4[%dma_wait3A_98] : memref<331776xi32, #tpu.memory_space<hbm>> -> memref<128xi32, #tpu.memory_space<hbm>>
      tpu.wait_dma2 semaphore(%arg17 : memref<!tpu.dma_semaphore, #tpu.memory_space<semaphore_mem>>) src(%dma_wait3A_99 : memref<128xi32, #tpu.memory_space<hbm>>) dst(%arg11 : memref<128xi32, #tpu.memory_space<vmem>>)
      %dma_wait3A_100 = arith.constant 0 : i32
      %dma_wait3A_101 = arith.constant 0 : i32
      %dma_wait3A_102 = tpu.memref_slice %arg2[%dma_wait3A_100, %dma_wait3A_101] : memref<331776x128xf32, #tpu.memory_space<hbm>> -> memref<128x64xf32, #tpu.memory_space<hbm>>
      %dma_wait3A_103 = arith.constant 0 : i32
      %dma_wait3A_104 = arith.constant 0 : i32
      %dma_wait3A_105 = tpu.memref_slice %arg2[%dma_wait3A_103, %dma_wait3A_104] : memref<331776x128xf32, #tpu.memory_space<hbm>> -> memref<128x64xf32, #tpu.memory_space<hbm>>
      tpu.wait_dma2 semaphore(%arg17 : memref<!tpu.dma_semaphore, #tpu.memory_space<semaphore_mem>>) src(%dma_wait3A_105 : memref<128x64xf32, #tpu.memory_space<hbm>>) dst(%arg12 : memref<128x64xf32, #tpu.memory_space<vmem>>)
      %dma_wait3A_106 = arith.constant 0 : i32
      %dma_wait3A_107 = arith.constant 0 : i32
      %dma_wait3A_108 = tpu.memref_slice %arg3[%dma_wait3A_106, %dma_wait3A_107] : memref<331776x128xf32, #tpu.memory_space<hbm>> -> memref<128x64xf32, #tpu.memory_space<hbm>>
      %dma_wait3A_109 = arith.constant 0 : i32
      %dma_wait3A_110 = arith.constant 0 : i32
      %dma_wait3A_111 = tpu.memref_slice %arg3[%dma_wait3A_109, %dma_wait3A_110] : memref<331776x128xf32, #tpu.memory_space<hbm>> -> memref<128x64xf32, #tpu.memory_space<hbm>>
      tpu.wait_dma2 semaphore(%arg17 : memref<!tpu.dma_semaphore, #tpu.memory_space<semaphore_mem>>) src(%dma_wait3A_111 : memref<128x64xf32, #tpu.memory_space<hbm>>) dst(%arg13 : memref<128x64xf32, #tpu.memory_space<vmem>>)
      "tpu.region"() ({
        %run_scoped3A = tpu.sem_alloc : memref<!tpu.dma_semaphore, #tpu.memory_space<semaphore_mem>>
        %dma_start3A_113 = arith.constant 0 : i32
        %dma_start3A_114 = arith.constant 0 : i32
        %dma_start3A_115 = tpu.memref_slice %arg14[%dma_start3A_113, %dma_start3A_114] : memref<10000x64xf32, #tpu.memory_space<vmem_shared>> -> memref<10000x64xf32, #tpu.memory_space<vmem_shared>>
        tpu.enqueue_indirect_dma source(%arg12 : memref<128x64xf32, #tpu.memory_space<vmem>>) target(%dma_start3A_115 : memref<10000x64xf32, #tpu.memory_space<vmem_shared>>) offsets(%arg11 : memref<128xi32, #tpu.memory_space<vmem>>) semaphore(%run_scoped3A : memref<!tpu.dma_semaphore, #tpu.memory_space<semaphore_mem>>) {add = true}
        %dma_wait3A_116 = arith.constant 0 : i32
        %dma_wait3A_117 = arith.constant 0 : i32
        %dma_wait3A_118 = tpu.memref_slice %arg14[%dma_wait3A_116, %dma_wait3A_117] : memref<10000x64xf32, #tpu.memory_space<vmem_shared>> -> memref<10000x64xf32, #tpu.memory_space<vmem_shared>>
        tpu.wait_indirect_dma semaphore(%run_scoped3A : memref<!tpu.dma_semaphore, #tpu.memory_space<semaphore_mem>>) src(%arg12 : memref<128x64xf32, #tpu.memory_space<vmem>>) dst(%dma_wait3A_118 : memref<10000x64xf32, #tpu.memory_space<vmem_shared>>)
        tpu.yield
      }) : () -> ()
      "tpu.region"() ({
        %run_scoped3A = tpu.sem_alloc : memref<!tpu.dma_semaphore, #tpu.memory_space<semaphore_mem>>
        %dma_start3A_113 = arith.constant 0 : i32
        %dma_start3A_114 = arith.constant 0 : i32
        %dma_start3A_115 = tpu.memref_slice %arg15[%dma_start3A_113, %dma_start3A_114] : memref<10000x64xf32, #tpu.memory_space<vmem_shared>> -> memref<10000x64xf32, #tpu.memory_space<vmem_shared>>
        tpu.enqueue_indirect_dma source(%arg13 : memref<128x64xf32, #tpu.memory_space<vmem>>) target(%dma_start3A_115 : memref<10000x64xf32, #tpu.memory_space<vmem_shared>>) offsets(%arg11 : memref<128xi32, #tpu.memory_space<vmem>>) semaphore(%run_scoped3A : memref<!tpu.dma_semaphore, #tpu.memory_space<semaphore_mem>>) {add = true}
        %dma_wait3A_116 = arith.constant 0 : i32
        %dma_wait3A_117 = arith.constant 0 : i32
        %dma_wait3A_118 = tpu.memref_slice %arg15[%dma_wait3A_116, %dma_wait3A_117] : memref<10000x64xf32, #tpu.memory_space<vmem_shared>> -> memref<10000x64xf32, #tpu.memory_space<vmem_shared>>
        tpu.wait_indirect_dma semaphore(%run_scoped3A : memref<!tpu.dma_semaphore, #tpu.memory_space<semaphore_mem>>) src(%arg13 : memref<128x64xf32, #tpu.memory_space<vmem>>) dst(%dma_wait3A_118 : memref<10000x64xf32, #tpu.memory_space<vmem_shared>>)
        tpu.yield
      }) : () -> ()
      %scan3A_112 = arith.constant 0 : i32
      scf.yield %scan3A_112 : i32
    }
    %scan3A_24 = arith.constant 81 : i32
    %dma_wait3A = arith.constant 0 : i32
    %dma_wait3A_25 = tpu.memref_slice %arg4[%dma_wait3A] : memref<331776xi32, #tpu.memory_space<hbm>> -> memref<128xi32, #tpu.memory_space<hbm>>
    %dma_wait3A_26 = arith.constant 0 : i32
    %dma_wait3A_27 = tpu.memref_slice %arg4[%dma_wait3A_26] : memref<331776xi32, #tpu.memory_space<hbm>> -> memref<128xi32, #tpu.memory_space<hbm>>
    tpu.wait_dma2 semaphore(%arg16 : memref<!tpu.dma_semaphore, #tpu.memory_space<semaphore_mem>>) src(%dma_wait3A_27 : memref<128xi32, #tpu.memory_space<hbm>>) dst(%arg8 : memref<128xi32, #tpu.memory_space<vmem>>)
    %dma_wait3A_28 = arith.constant 0 : i32
    %dma_wait3A_29 = arith.constant 0 : i32
    %dma_wait3A_30 = tpu.memref_slice %arg2[%dma_wait3A_28, %dma_wait3A_29] : memref<331776x128xf32, #tpu.memory_space<hbm>> -> memref<128x64xf32, #tpu.memory_space<hbm>>
    %dma_wait3A_31 = arith.constant 0 : i32
    %dma_wait3A_32 = arith.constant 0 : i32
    %dma_wait3A_33 = tpu.memref_slice %arg2[%dma_wait3A_31, %dma_wait3A_32] : memref<331776x128xf32, #tpu.memory_space<hbm>> -> memref<128x64xf32, #tpu.memory_space<hbm>>
    tpu.wait_dma2 semaphore(%arg16 : memref<!tpu.dma_semaphore, #tpu.memory_space<semaphore_mem>>) src(%dma_wait3A_33 : memref<128x64xf32, #tpu.memory_space<hbm>>) dst(%arg9 : memref<128x64xf32, #tpu.memory_space<vmem>>)
    %dma_wait3A_34 = arith.constant 0 : i32
    %dma_wait3A_35 = arith.constant 0 : i32
    %dma_wait3A_36 = tpu.memref_slice %arg3[%dma_wait3A_34, %dma_wait3A_35] : memref<331776x128xf32, #tpu.memory_space<hbm>> -> memref<128x64xf32, #tpu.memory_space<hbm>>
    %dma_wait3A_37 = arith.constant 0 : i32
    %dma_wait3A_38 = arith.constant 0 : i32
    %dma_wait3A_39 = tpu.memref_slice %arg3[%dma_wait3A_37, %dma_wait3A_38] : memref<331776x128xf32, #tpu.memory_space<hbm>> -> memref<128x64xf32, #tpu.memory_space<hbm>>
    tpu.wait_dma2 semaphore(%arg16 : memref<!tpu.dma_semaphore, #tpu.memory_space<semaphore_mem>>) src(%dma_wait3A_39 : memref<128x64xf32, #tpu.memory_space<hbm>>) dst(%arg10 : memref<128x64xf32, #tpu.memory_space<vmem>>)
    %barrier3A_40 = arith.constant 0 : index
    tpu.barrier barrier_id(%barrier3A_40)
    %mul3A_41 = arith.constant 625 : i32
    %mul3A_42 = arith.muli %arg1, %mul3A_41 : i32
    %mul3A_43 = arith.constant 625 : i32
    %mul3A_44 = arith.muli %arg1, %mul3A_43 : i32
    "tpu.region"() ({
      %run_scoped3A = tpu.sem_alloc : memref<!tpu.dma_semaphore, #tpu.memory_space<semaphore_mem>>
      %dma_start3A_49 = tpu.memref_slice %arg6[%mul3A_44, %mul3A_0] : memref<10000x128xf32, #tpu.memory_space<hbm>> -> memref<625x64xf32, #tpu.memory_space<hbm>>
      %dma_start3A_50 = arith.constant 0 : i32
      %dma_start3A_51 = tpu.memref_slice %arg14[%mul3A_42, %dma_start3A_50] : memref<10000x64xf32, #tpu.memory_space<vmem_shared>> -> memref<625x64xf32, #tpu.memory_space<vmem_shared>>
      tpu.enqueue_dma source(%dma_start3A_51 : memref<625x64xf32, #tpu.memory_space<vmem_shared>>) target(%dma_start3A_49 : memref<625x64xf32, #tpu.memory_space<hbm>>) target_semaphore(%run_scoped3A : memref<!tpu.dma_semaphore, #tpu.memory_space<semaphore_mem>>)
      %dma_wait3A_52 = tpu.memref_slice %arg6[%mul3A_44, %mul3A_0] : memref<10000x128xf32, #tpu.memory_space<hbm>> -> memref<625x64xf32, #tpu.memory_space<hbm>>
      %dma_wait3A_53 = arith.constant 0 : i32
      %dma_wait3A_54 = tpu.memref_slice %arg14[%mul3A_42, %dma_wait3A_53] : memref<10000x64xf32, #tpu.memory_space<vmem_shared>> -> memref<625x64xf32, #tpu.memory_space<vmem_shared>>
      tpu.wait_dma2 semaphore(%run_scoped3A : memref<!tpu.dma_semaphore, #tpu.memory_space<semaphore_mem>>) src(%dma_wait3A_54 : memref<625x64xf32, #tpu.memory_space<vmem_shared>>) dst(%dma_wait3A_52 : memref<625x64xf32, #tpu.memory_space<hbm>>)
      tpu.yield
    }) : () -> ()
    %mul3A_45 = arith.constant 625 : i32
    %mul3A_46 = arith.muli %arg1, %mul3A_45 : i32
    %mul3A_47 = arith.constant 625 : i32
    %mul3A_48 = arith.muli %arg1, %mul3A_47 : i32
    "tpu.region"() ({
      %run_scoped3A = tpu.sem_alloc : memref<!tpu.dma_semaphore, #tpu.memory_space<semaphore_mem>>
      %dma_start3A_49 = tpu.memref_slice %arg7[%mul3A_48, %mul3A_0] : memref<10000x128xf32, #tpu.memory_space<hbm>> -> memref<625x64xf32, #tpu.memory_space<hbm>>
      %dma_start3A_50 = arith.constant 0 : i32
      %dma_start3A_51 = tpu.memref_slice %arg15[%mul3A_46, %dma_start3A_50] : memref<10000x64xf32, #tpu.memory_space<vmem_shared>> -> memref<625x64xf32, #tpu.memory_space<vmem_shared>>
      tpu.enqueue_dma source(%dma_start3A_51 : memref<625x64xf32, #tpu.memory_space<vmem_shared>>) target(%dma_start3A_49 : memref<625x64xf32, #tpu.memory_space<hbm>>) target_semaphore(%run_scoped3A : memref<!tpu.dma_semaphore, #tpu.memory_space<semaphore_mem>>)
      %dma_wait3A_52 = tpu.memref_slice %arg7[%mul3A_48, %mul3A_0] : memref<10000x128xf32, #tpu.memory_space<hbm>> -> memref<625x64xf32, #tpu.memory_space<hbm>>
      %dma_wait3A_53 = arith.constant 0 : i32
      %dma_wait3A_54 = tpu.memref_slice %arg15[%mul3A_46, %dma_wait3A_53] : memref<10000x64xf32, #tpu.memory_space<vmem_shared>> -> memref<625x64xf32, #tpu.memory_space<vmem_shared>>
      tpu.wait_dma2 semaphore(%run_scoped3A : memref<!tpu.dma_semaphore, #tpu.memory_space<semaphore_mem>>) src(%dma_wait3A_54 : memref<625x64xf32, #tpu.memory_space<vmem_shared>>) dst(%dma_wait3A_52 : memref<625x64xf32, #tpu.memory_space<hbm>>)
      tpu.yield
    }) : () -> ()
    return
  }
}

#map = affine_map<(d0, d1) -> (0)>
#map1 = affine_map<(d0, d1) -> (0, 0)>
module attributes {stable_mosaic.version = 14 : i64} {
  func.func @_s1c_body(%arg0: i32, %arg1: i32, %arg2: memref<331776xi32, #tpu.memory_space<hbm>>, %arg3: memref<10000x128xf32, #tpu.memory_space<hbm>>, %arg4: memref<331776x128xf32, #tpu.memory_space<hbm>>, %arg5: memref<128xi32, #tpu.memory_space<vmem>>, %arg6: memref<128x128xf32, #tpu.memory_space<vmem>>, %arg7: memref<!tpu.dma_semaphore, #tpu.memory_space<semaphore_mem>>) attributes {dimension_semantics = [#tpu.dimension_semantics<core_parallel>, #tpu.dimension_semantics<subcore_parallel>], iteration_bounds = array<i64: 2, 16>, scalar_prefetch = 0 : i64, scratch_operands = 3 : i64, tpu.core_type = #tpu.core_type<sc_vector_subcore>, window_params = [{transform_indices = #map}, {transform_indices = #map1}, {transform_indices = #map1}]} {
    %mul3A = arith.constant 2 : i32
    %mul3A_0 = arith.muli %arg1, %mul3A : i32
    %add3A = arith.addi %mul3A_0, %arg0 : i32
    %mul3A_1 = arith.constant 10368 : i32
    %mul3A_2 = arith.muli %add3A, %mul3A_1 : i32
    %scan3A = arith.constant 0 : i32
    %scan3A_3 = arith.constant 0 : i32
    %scan3A_4 = arith.constant 81 : i32
    %scan3A_5 = arith.addi %scan3A_3, %scan3A_4 : i32
    %scan3A_6 = arith.constant 1 : i32
    %scan3A_7 = scf.for %scan3A_9 = %scan3A_3 to %scan3A_5 step %scan3A_6 iter_args(%scan3A_10 = %scan3A) -> (i32)  : i32 {
      %mul3A_11 = arith.constant 128 : i32
      %mul3A_12 = arith.muli %scan3A_9, %mul3A_11 : i32
      %add3A_13 = arith.addi %mul3A_2, %mul3A_12 : i32
      "tpu.region"() ({
        %run_scoped3A = tpu.sem_alloc : memref<!tpu.dma_semaphore, #tpu.memory_space<semaphore_mem>>
        %dma_start3A_19 = tpu.memref_slice %arg2[%add3A_13] : memref<331776xi32, #tpu.memory_space<hbm>> -> memref<128xi32, #tpu.memory_space<hbm>>
        %dma_start3A_20 = tpu.memref_slice %arg2[%add3A_13] : memref<331776xi32, #tpu.memory_space<hbm>> -> memref<128xi32, #tpu.memory_space<hbm>>
        tpu.enqueue_dma source(%dma_start3A_20 : memref<128xi32, #tpu.memory_space<hbm>>) target(%arg5 : memref<128xi32, #tpu.memory_space<vmem>>) target_semaphore(%run_scoped3A : memref<!tpu.dma_semaphore, #tpu.memory_space<semaphore_mem>>)
        %dma_wait3A_21 = tpu.memref_slice %arg2[%add3A_13] : memref<331776xi32, #tpu.memory_space<hbm>> -> memref<128xi32, #tpu.memory_space<hbm>>
        %dma_wait3A_22 = tpu.memref_slice %arg2[%add3A_13] : memref<331776xi32, #tpu.memory_space<hbm>> -> memref<128xi32, #tpu.memory_space<hbm>>
        tpu.wait_dma2 semaphore(%run_scoped3A : memref<!tpu.dma_semaphore, #tpu.memory_space<semaphore_mem>>) src(%dma_wait3A_22 : memref<128xi32, #tpu.memory_space<hbm>>) dst(%arg5 : memref<128xi32, #tpu.memory_space<vmem>>)
        tpu.yield
      }) : () -> ()
      %dma_start3A = arith.constant 0 : i32
      %dma_start3A_14 = arith.constant 0 : i32
      %dma_start3A_15 = tpu.memref_slice %arg3[%dma_start3A, %dma_start3A_14] : memref<10000x128xf32, #tpu.memory_space<hbm>> -> memref<10000x128xf32, #tpu.memory_space<hbm>>
      tpu.enqueue_indirect_dma source(%dma_start3A_15 : memref<10000x128xf32, #tpu.memory_space<hbm>>) target(%arg6 : memref<128x128xf32, #tpu.memory_space<vmem>>) offsets(%arg5 : memref<128xi32, #tpu.memory_space<vmem>>) semaphore(%arg7 : memref<!tpu.dma_semaphore, #tpu.memory_space<semaphore_mem>>)
      %dma_wait3A = arith.constant 0 : i32
      %dma_wait3A_16 = arith.constant 0 : i32
      %dma_wait3A_17 = tpu.memref_slice %arg3[%dma_wait3A, %dma_wait3A_16] : memref<10000x128xf32, #tpu.memory_space<hbm>> -> memref<10000x128xf32, #tpu.memory_space<hbm>>
      tpu.wait_indirect_dma semaphore(%arg7 : memref<!tpu.dma_semaphore, #tpu.memory_space<semaphore_mem>>) src(%dma_wait3A_17 : memref<10000x128xf32, #tpu.memory_space<hbm>>) dst(%arg6 : memref<128x128xf32, #tpu.memory_space<vmem>>)
      "tpu.region"() ({
        %run_scoped3A = tpu.sem_alloc : memref<!tpu.dma_semaphore, #tpu.memory_space<semaphore_mem>>
        %dma_start3A_19 = arith.constant 0 : i32
        %dma_start3A_20 = tpu.memref_slice %arg4[%add3A_13, %dma_start3A_19] : memref<331776x128xf32, #tpu.memory_space<hbm>> -> memref<128x128xf32, #tpu.memory_space<hbm>>
        %dma_start3A_21 = arith.constant 0 : i32
        %dma_start3A_22 = tpu.memref_slice %arg4[%add3A_13, %dma_start3A_21] : memref<331776x128xf32, #tpu.memory_space<hbm>> -> memref<128x128xf32, #tpu.memory_space<hbm>>
        tpu.enqueue_dma source(%arg6 : memref<128x128xf32, #tpu.memory_space<vmem>>) target(%dma_start3A_22 : memref<128x128xf32, #tpu.memory_space<hbm>>) target_semaphore(%run_scoped3A : memref<!tpu.dma_semaphore, #tpu.memory_space<semaphore_mem>>)
        %dma_wait3A_23 = arith.constant 0 : i32
        %dma_wait3A_24 = tpu.memref_slice %arg4[%add3A_13, %dma_wait3A_23] : memref<331776x128xf32, #tpu.memory_space<hbm>> -> memref<128x128xf32, #tpu.memory_space<hbm>>
        %dma_wait3A_25 = arith.constant 0 : i32
        %dma_wait3A_26 = tpu.memref_slice %arg4[%add3A_13, %dma_wait3A_25] : memref<331776x128xf32, #tpu.memory_space<hbm>> -> memref<128x128xf32, #tpu.memory_space<hbm>>
        tpu.wait_dma2 semaphore(%run_scoped3A : memref<!tpu.dma_semaphore, #tpu.memory_space<semaphore_mem>>) src(%arg6 : memref<128x128xf32, #tpu.memory_space<vmem>>) dst(%dma_wait3A_26 : memref<128x128xf32, #tpu.memory_space<hbm>>)
        tpu.yield
      }) : () -> ()
      %scan3A_18 = arith.constant 0 : i32
      scf.yield %scan3A_18 : i32
    }
    %scan3A_8 = arith.constant 81 : i32
    return
  }
}

module attributes {stable_mosaic.version = 14 : i64} {
  func.func @_p0_body(%arg0: i32, %arg1: memref<2000x128xf32, #tpu.memory_space<vmem>>, %arg2: memref<128x128xf32, #tpu.memory_space<vmem>>, %arg3: memref<1x128xf32, #tpu.memory_space<vmem>>, %arg4: memref<128x128xf32, #tpu.memory_space<vmem>>, %arg5: memref<128x128xf32, #tpu.memory_space<vmem>>, %arg6: memref<128x128xf32, #tpu.memory_space<vmem>>, %arg7: memref<128x64xf32, #tpu.memory_space<vmem>>, %arg8: memref<2000x64xf32, #tpu.memory_space<vmem>>, %arg9: memref<2000x64xf32, #tpu.memory_space<vmem>>, %arg10: memref<2000x128xf32, #tpu.memory_space<vmem>>) attributes {dimension_semantics = [#tpu.dimension_semantics<arbitrary>], iteration_bounds = array<i64: 5>, scalar_prefetch = 0 : i64, scratch_operands = 0 : i64, tpu.core_type = #tpu.core_type<tc>, window_params = [{transform_indices = @transform_0, window_bounds = array<i64: 2000, 128>}, {pipeline_mode = #tpu.pipeline_mode<synchronous>, transform_indices = @transform_1, window_bounds = array<i64: 128, 128>}, {pipeline_mode = #tpu.pipeline_mode<synchronous>, transform_indices = @transform_2, window_bounds = array<i64: 1, 128>}, {pipeline_mode = #tpu.pipeline_mode<synchronous>, transform_indices = @transform_3, window_bounds = array<i64: 128, 128>}, {pipeline_mode = #tpu.pipeline_mode<synchronous>, transform_indices = @transform_4, window_bounds = array<i64: 128, 128>}, {pipeline_mode = #tpu.pipeline_mode<synchronous>, transform_indices = @transform_5, window_bounds = array<i64: 128, 128>}, {pipeline_mode = #tpu.pipeline_mode<synchronous>, transform_indices = @transform_6, window_bounds = array<i64: 128, 64>}, {transform_indices = @transform_7, window_bounds = array<i64: 2000, 64>}, {transform_indices = @transform_8, window_bounds = array<i64: 2000, 64>}, {transform_indices = @transform_9, window_bounds = array<i64: 2000, 128>}]} {
    %get3A = arith.constant 0 : index
    %get3A_0 = arith.constant 0 : index
    %get3A_1 = vector.load %arg1[%get3A, %get3A_0] : memref<2000x128xf32, #tpu.memory_space<vmem>>, vector<2000x128xf32>
    %get3A_2 = arith.constant 0 : index
    %get3A_3 = arith.constant 0 : index
    %get3A_4 = vector.load %arg2[%get3A_2, %get3A_3] : memref<128x128xf32, #tpu.memory_space<vmem>>, vector<128x128xf32>
    %dot_general3A = arith.constant dense<0.000000e+00> : vector<2000x128xf32>
    %dot_general3A_5 = tpu.matmul %get3A_1, %get3A_4, %dot_general3A {dimension_numbers = #tpu.dot_dimension_numbers<[1], [0], [0], [1], [0, 0, 1, 1], [], []>, transpose_lhs_hint = false} : vector<2000x128xf32>, vector<128x128xf32>, vector<2000x128xf32> -> vector<2000x128xf32>
    %get3A_6 = arith.constant 0 : index
    %get3A_7 = arith.constant 0 : index
    %get3A_8 = vector.load %arg3[%get3A_6, %get3A_7] : memref<1x128xf32, #tpu.memory_space<vmem>>, vector<1x128xf32>
    %add3A = vector.broadcast %get3A_8 : vector<1x128xf32> to vector<2000x128xf32>
    %add3A_9 = arith.addf %dot_general3A_5, %add3A : vector<2000x128xf32>
    %max3A = arith.constant 0.000000e+00 : f32
    %max3A_10 = vector.broadcast %max3A : f32 to vector<2000x128xf32>
    %max3A_11 = arith.maximumf %add3A_9, %max3A_10 : vector<2000x128xf32>
    %get3A_12 = arith.constant 0 : index
    %get3A_13 = arith.constant 0 : index
    %get3A_14 = vector.load %arg7[%get3A_12, %get3A_13] : memref<128x64xf32, #tpu.memory_space<vmem>>, vector<128x64xf32>
    %get3A_15 = arith.constant 0 : index
    %get3A_16 = arith.constant 0 : index
    %get3A_17 = vector.load %arg4[%get3A_15, %get3A_16] : memref<128x128xf32, #tpu.memory_space<vmem>>, vector<128x128xf32>
    %dot_general3A_18 = arith.constant dense<0.000000e+00> : vector<128x64xf32>
    %dot_general3A_19 = tpu.matmul %get3A_17, %get3A_14, %dot_general3A_18 {dimension_numbers = #tpu.dot_dimension_numbers<[1], [0], [0], [1], [0, 0, 1, 1], [], []>, transpose_lhs_hint = false} : vector<128x128xf32>, vector<128x64xf32>, vector<128x64xf32> -> vector<128x64xf32>
    %dot_general3A_20 = arith.constant dense<0.000000e+00> : vector<2000x64xf32>
    %dot_general3A_21 = tpu.matmul %max3A_11, %dot_general3A_19, %dot_general3A_20 {dimension_numbers = #tpu.dot_dimension_numbers<[1], [0], [0], [1], [0, 0, 1, 1], [], []>, transpose_lhs_hint = false} : vector<2000x128xf32>, vector<128x64xf32>, vector<2000x64xf32> -> vector<2000x64xf32>
    %swap3A = arith.constant 0 : index
    %swap3A_22 = arith.constant 0 : index
    %swap3A_23 = vector.load %arg8[%swap3A, %swap3A_22] : memref<2000x64xf32, #tpu.memory_space<vmem>>, vector<2000x64xf32>
    tpu.vector_store %arg8[%swap3A, %swap3A_22], %dot_general3A_21 {strides = array<i32>} : memref<2000x64xf32, #tpu.memory_space<vmem>>, vector<2000x64xf32>,
    %get3A_24 = arith.constant 0 : index
    %get3A_25 = arith.constant 0 : index
    %get3A_26 = vector.load %arg5[%get3A_24, %get3A_25] : memref<128x128xf32, #tpu.memory_space<vmem>>, vector<128x128xf32>
    %dot_general3A_27 = arith.constant dense<0.000000e+00> : vector<128x64xf32>
    %dot_general3A_28 = tpu.matmul %get3A_26, %get3A_14, %dot_general3A_27 {dimension_numbers = #tpu.dot_dimension_numbers<[1], [0], [0], [1], [0, 0, 1, 1], [], []>, transpose_lhs_hint = false} : vector<128x128xf32>, vector<128x64xf32>, vector<128x64xf32> -> vector<128x64xf32>
    %dot_general3A_29 = arith.constant dense<0.000000e+00> : vector<2000x64xf32>
    %dot_general3A_30 = tpu.matmul %max3A_11, %dot_general3A_28, %dot_general3A_29 {dimension_numbers = #tpu.dot_dimension_numbers<[1], [0], [0], [1], [0, 0, 1, 1], [], []>, transpose_lhs_hint = false} : vector<2000x128xf32>, vector<128x64xf32>, vector<2000x64xf32> -> vector<2000x64xf32>
    %swap3A_31 = arith.constant 0 : index
    %swap3A_32 = arith.constant 0 : index
    %swap3A_33 = vector.load %arg9[%swap3A_31, %swap3A_32] : memref<2000x64xf32, #tpu.memory_space<vmem>>, vector<2000x64xf32>
    tpu.vector_store %arg9[%swap3A_31, %swap3A_32], %dot_general3A_30 {strides = array<i32>} : memref<2000x64xf32, #tpu.memory_space<vmem>>, vector<2000x64xf32>,
    %get3A_34 = arith.constant 0 : index
    %get3A_35 = arith.constant 0 : index
    %get3A_36 = vector.load %arg6[%get3A_34, %get3A_35] : memref<128x128xf32, #tpu.memory_space<vmem>>, vector<128x128xf32>
    %dot_general3A_37 = arith.constant dense<0.000000e+00> : vector<2000x128xf32>
    %dot_general3A_38 = tpu.matmul %max3A_11, %get3A_36, %dot_general3A_37 {dimension_numbers = #tpu.dot_dimension_numbers<[1], [0], [0], [1], [0, 0, 1, 1], [], []>, transpose_lhs_hint = false} : vector<2000x128xf32>, vector<128x128xf32>, vector<2000x128xf32> -> vector<2000x128xf32>
    %swap3A_39 = arith.constant 0 : index
    %swap3A_40 = arith.constant 0 : index
    %swap3A_41 = vector.load %arg10[%swap3A_39, %swap3A_40] : memref<2000x128xf32, #tpu.memory_space<vmem>>, vector<2000x128xf32>
    tpu.vector_store %arg10[%swap3A_39, %swap3A_40], %dot_general3A_38 {strides = array<i32>} : memref<2000x128xf32, #tpu.memory_space<vmem>>, vector<2000x128xf32>,
    return
  }
  func.func @transform_0(%arg0: i32) -> (i32, i32) {
    %c0_i32 = arith.constant 0 : i32
    %c0_i32_0 = arith.constant 0 : i32
    return %arg0, %c0_i32 : i32, i32
  }
  func.func @transform_1(%arg0: i32) -> (i32, i32) {
    %c0_i32 = arith.constant 0 : i32
    %c0_i32_0 = arith.constant 0 : i32
    %c0_i32_1 = arith.constant 0 : i32
    return %c0_i32, %c0_i32_0 : i32, i32
  }
  func.func @transform_2(%arg0: i32) -> (i32, i32) {
    %c0_i32 = arith.constant 0 : i32
    %c0_i32_0 = arith.constant 0 : i32
    %c0_i32_1 = arith.constant 0 : i32
    return %c0_i32, %c0_i32_0 : i32, i32
  }
  func.func @transform_3(%arg0: i32) -> (i32, i32) {
    %c0_i32 = arith.constant 0 : i32
    %c0_i32_0 = arith.constant 0 : i32
    %c0_i32_1 = arith.constant 0 : i32
    return %c0_i32, %c0_i32_0 : i32, i32
  }
  func.func @transform_4(%arg0: i32) -> (i32, i32) {
    %c0_i32 = arith.constant 0 : i32
    %c0_i32_0 = arith.constant 0 : i32
    %c0_i32_1 = arith.constant 0 : i32
    return %c0_i32, %c0_i32_0 : i32, i32
  }
  func.func @transform_5(%arg0: i32) -> (i32, i32) {
    %c0_i32 = arith.constant 0 : i32
    %c0_i32_0 = arith.constant 0 : i32
    %c0_i32_1 = arith.constant 0 : i32
    return %c0_i32, %c0_i32_0 : i32, i32
  }
  func.func @transform_6(%arg0: i32) -> (i32, i32) {
    %c0_i32 = arith.constant 0 : i32
    %c0_i32_0 = arith.constant 0 : i32
    %c0_i32_1 = arith.constant 0 : i32
    return %c0_i32, %c0_i32_0 : i32, i32
  }
  func.func @transform_7(%arg0: i32) -> (i32, i32) {
    %c0_i32 = arith.constant 0 : i32
    %c0_i32_0 = arith.constant 0 : i32
    return %arg0, %c0_i32 : i32, i32
  }
  func.func @transform_8(%arg0: i32) -> (i32, i32) {
    %c0_i32 = arith.constant 0 : i32
    %c0_i32_0 = arith.constant 0 : i32
    return %arg0, %c0_i32 : i32, i32
  }
  func.func @transform_9(%arg0: i32) -> (i32, i32) {
    %c0_i32 = arith.constant 0 : i32
    %c0_i32_0 = arith.constant 0 : i32
    return %arg0, %c0_i32 : i32, i32
  }
}

module attributes {stable_mosaic.version = 14 : i64} {
  func.func @_p1_body(%arg0: i32, %arg1: memref<12288x128xf32, #tpu.memory_space<vmem>>, %arg2: memref<128x64xf32, #tpu.memory_space<vmem>>, %arg3: memref<1x64xf32, #tpu.memory_space<vmem>>, %arg4: memref<8x64xf32, #tpu.memory_space<vmem>>) attributes {dimension_semantics = [#tpu.dimension_semantics<arbitrary>], iteration_bounds = array<i64: 27>, scalar_prefetch = 0 : i64, scratch_operands = 0 : i64, tpu.core_type = #tpu.core_type<tc>, window_params = [{transform_indices = @transform_0, window_bounds = array<i64: 12288, 128>}, {pipeline_mode = #tpu.pipeline_mode<synchronous>, transform_indices = @transform_1, window_bounds = array<i64: 128, 64>}, {pipeline_mode = #tpu.pipeline_mode<synchronous>, transform_indices = @transform_2, window_bounds = array<i64: 1, 64>}, {pipeline_mode = #tpu.pipeline_mode<synchronous>, transform_indices = @transform_3, window_bounds = array<i64: 8, 64>}]} {
    %get3A = arith.constant 0 : index
    %get3A_0 = arith.constant 0 : index
    %get3A_1 = vector.load %arg1[%get3A, %get3A_0] : memref<12288x128xf32, #tpu.memory_space<vmem>>, vector<12288x128xf32>
    %slice3A = vector.extract_strided_slice %get3A_1 {offsets = [0, 0], sizes = [12288, 16], strides = [1, 1]} : vector<12288x128xf32> to vector<12288x16xf32>
    %slice3A_2 = vector.extract_strided_slice %get3A_1 {offsets = [0, 16], sizes = [12288, 16], strides = [1, 1]} : vector<12288x128xf32> to vector<12288x16xf32>
    %convert_element_type3A = arith.sitofp %arg0 : i32 to f32
    %mul3A = arith.constant 1.228800e+04 : f32
    %mul3A_3 = arith.mulf %convert_element_type3A, %mul3A : f32
    %iota3A = tpu.iota {dimensions = array<i32: 0>} : vector<12288x1xi32>
    %convert_element_type3A_4 = arith.sitofp %iota3A : vector<12288x1xi32> to vector<12288x1xf32>
    %add3A = vector.broadcast %mul3A_3 : f32 to vector<12288x1xf32>
    %add3A_5 = arith.addf %add3A, %convert_element_type3A_4 : vector<12288x1xf32>
    %sub3A = arith.constant 3.200000e+05 : f32
    %sub3A_6 = vector.broadcast %sub3A : f32 to vector<12288x1xf32>
    %sub3A_7 = arith.subf %sub3A_6, %add3A_5 : vector<12288x1xf32>
    %jit3A = arith.constant 0.000000e+00 : f32
    %jit3A_8 = arith.constant 1.000000e+00 : f32
    %max3A = vector.broadcast %jit3A : f32 to vector<12288x1xf32>
    %max3A_9 = arith.maximumf %max3A, %sub3A_7 : vector<12288x1xf32>
    %min3A = vector.broadcast %jit3A_8 : f32 to vector<12288x1xf32>
    %min3A_10 = arith.minimumf %min3A, %max3A_9 : vector<12288x1xf32>
    %sub3A_11 = arith.constant 3.300000e+05 : f32
    %sub3A_12 = vector.broadcast %sub3A_11 : f32 to vector<12288x1xf32>
    %sub3A_13 = arith.subf %sub3A_12, %add3A_5 : vector<12288x1xf32>
    %jit3A_14 = arith.constant 0.000000e+00 : f32
    %jit3A_15 = arith.constant 1.000000e+00 : f32
    %max3A_16 = vector.broadcast %jit3A_14 : f32 to vector<12288x1xf32>
    %max3A_17 = arith.maximumf %max3A_16, %sub3A_13 : vector<12288x1xf32>
    %min3A_18 = vector.broadcast %jit3A_15 : f32 to vector<12288x1xf32>
    %min3A_19 = arith.minimumf %min3A_18, %max3A_17 : vector<12288x1xf32>
    %slice3A_20 = vector.extract_strided_slice %slice3A {offsets = [0, 3], sizes = [12288, 1], strides = [1, 1]} : vector<12288x16xf32> to vector<12288x1xf32>
    %slice3A_21 = vector.extract_strided_slice %slice3A_2 {offsets = [0, 3], sizes = [12288, 1], strides = [1, 1]} : vector<12288x16xf32> to vector<12288x1xf32>
    %sub3A_22 = arith.subf %slice3A_20, %slice3A_21 : vector<12288x1xf32>
    %abs3A = math.absf %sub3A_22 : vector<12288x1xf32>
    %min3A_23 = arith.constant 1.000000e+00 : f32
    %min3A_24 = vector.broadcast %min3A_23 : f32 to vector<12288x1xf32>
    %min3A_25 = arith.minimumf %abs3A, %min3A_24 : vector<12288x1xf32>
    %mul3A_26 = arith.mulf %min3A_10, %min3A_25 : vector<12288x1xf32>
    %sub3A_27 = arith.constant 1.000000e+00 : f32
    %sub3A_28 = vector.broadcast %sub3A_27 : f32 to vector<12288x1xf32>
    %sub3A_29 = arith.subf %sub3A_28, %min3A_10 : vector<12288x1xf32>
    %mul3A_30 = arith.mulf %sub3A_29, %min3A_19 : vector<12288x1xf32>
    %add3A_31 = arith.addf %mul3A_26, %mul3A_30 : vector<12288x1xf32>
    %get3A_32 = arith.constant 0 : index
    %get3A_33 = arith.constant 0 : index
    %get3A_34 = vector.load %arg2[%get3A_32, %get3A_33] : memref<128x64xf32, #tpu.memory_space<vmem>>, vector<128x64xf32>
    %dot_general3A = arith.constant dense<0.000000e+00> : vector<12288x64xf32>
    %dot_general3A_35 = tpu.matmul %get3A_1, %get3A_34, %dot_general3A {dimension_numbers = #tpu.dot_dimension_numbers<[1], [0], [0], [1], [0, 0, 1, 1], [], []>, transpose_lhs_hint = false} : vector<12288x128xf32>, vector<128x64xf32>, vector<12288x64xf32> -> vector<12288x64xf32>
    %get3A_36 = arith.constant 0 : index
    %get3A_37 = arith.constant 0 : index
    %get3A_38 = vector.load %arg3[%get3A_36, %get3A_37] : memref<1x64xf32, #tpu.memory_space<vmem>>, vector<1x64xf32>
    %add3A_39 = vector.broadcast %get3A_38 : vector<1x64xf32> to vector<12288x64xf32>
    %add3A_40 = arith.addf %dot_general3A_35, %add3A_39 : vector<12288x64xf32>
    %mul3A_41 = vector.broadcast %add3A_31 : vector<12288x1xf32> to vector<12288x64xf32>
    %mul3A_42 = arith.mulf %add3A_40, %mul3A_41 : vector<12288x64xf32>
    %reduce_sum3A = arith.constant dense<0.000000e+00> : vector<64xf32>
    %reduce_sum3A_43 = vector.multi_reduction <add>, %mul3A_42, %reduce_sum3A [0] : vector<12288x64xf32> to vector<64xf32>
    %mul3A_44 = arith.mulf %add3A_40, %add3A_40 : vector<12288x64xf32>
    %mul3A_45 = vector.broadcast %add3A_31 : vector<12288x1xf32> to vector<12288x64xf32>
    %mul3A_46 = arith.mulf %mul3A_44, %mul3A_45 : vector<12288x64xf32>
    %reduce_sum3A_47 = arith.constant dense<0.000000e+00> : vector<64xf32>
    %reduce_sum3A_48 = vector.multi_reduction <add>, %mul3A_46, %reduce_sum3A_47 [0] : vector<12288x64xf32> to vector<64xf32>
    %reduce_sum3A_49 = vector.shape_cast %add3A_31 : vector<12288x1xf32> to vector<1x12288x1xf32>
    %reduce_sum3A_50 = arith.constant dense<0.000000e+00> : vector<1xf32>
    %reduce_sum3A_51 = vector.multi_reduction <add>, %reduce_sum3A_49, %reduce_sum3A_50 [1, 2] : vector<1x12288x1xf32> to vector<1xf32>
    %reduce_sum3A_52 = vector.shape_cast %reduce_sum3A_51 : vector<1xf32> to vector<1x1x1xf32>
    %reduce_sum3A_53 = vector.extract %reduce_sum3A_52[0, 0, 0] : f32 from vector<1x1x1xf32>
    %broadcast_in_dim3A = arith.constant 1.000000e+00 : f32
    %broadcast_in_dim3A_54 = vector.broadcast %broadcast_in_dim3A : f32 to vector<64xf32>
    %mul3A_55 = vector.broadcast %reduce_sum3A_53 : f32 to vector<64xf32>
    %mul3A_56 = arith.mulf %mul3A_55, %broadcast_in_dim3A_54 : vector<64xf32>
    %broadcast_in_dim3A_57 = vector.shape_cast %reduce_sum3A_43 : vector<64xf32> to vector<1x64xf32>
    %broadcast_in_dim3A_58 = vector.shape_cast %reduce_sum3A_48 : vector<64xf32> to vector<1x64xf32>
    %broadcast_in_dim3A_59 = vector.shape_cast %mul3A_56 : vector<64xf32> to vector<1x64xf32>
    %concatenate3A = tpu.concatenate %broadcast_in_dim3A_57, %broadcast_in_dim3A_58, %broadcast_in_dim3A_59 in 0 : vector<1x64xf32>, vector<1x64xf32>, vector<1x64xf32> -> vector<3x64xf32>
    %get3A_60 = arith.constant 0 : index
    %get3A_61 = arith.constant 0 : index
    %get3A_62 = vector.load %arg4[%get3A_60, %get3A_61] : memref<8x64xf32, #tpu.memory_space<vmem>>, vector<8x64xf32>
    %eq3A = arith.constant 0 : i32
    %eq3A_63 = arith.cmpi eq, %arg0, %eq3A : i32
    %broadcast_in_dim3A_64 = arith.constant 0.000000e+00 : f32
    %broadcast_in_dim3A_65 = vector.broadcast %broadcast_in_dim3A_64 : f32 to vector<3x64xf32>
    %slice3A_66 = vector.extract_strided_slice %get3A_62 {offsets = [0, 0], sizes = [3, 64], strides = [1, 1]} : vector<8x64xf32> to vector<3x64xf32>
    %select_n3A = arith.select %eq3A_63, %broadcast_in_dim3A_65, %slice3A_66 : vector<3x64xf32>
    %add3A_67 = arith.addf %select_n3A, %concatenate3A : vector<3x64xf32>
    %broadcast_in_dim3A_68 = arith.constant 0.000000e+00 : f32
    %broadcast_in_dim3A_69 = vector.broadcast %broadcast_in_dim3A_68 : f32 to vector<5x64xf32>
    %concatenate3A_70 = tpu.concatenate %add3A_67, %broadcast_in_dim3A_69 in 0 : vector<3x64xf32>, vector<5x64xf32> -> vector<8x64xf32>
    %swap3A = arith.constant 0 : index
    %swap3A_71 = arith.constant 0 : index
    %swap3A_72 = vector.load %arg4[%swap3A, %swap3A_71] : memref<8x64xf32, #tpu.memory_space<vmem>>, vector<8x64xf32>
    tpu.vector_store %arg4[%swap3A, %swap3A_71], %concatenate3A_70 {strides = array<i32>} : memref<8x64xf32, #tpu.memory_space<vmem>>, vector<8x64xf32>,
    return
  }
  func.func @transform_0(%arg0: i32) -> (i32, i32) {
    %c0_i32 = arith.constant 0 : i32
    %c0_i32_0 = arith.constant 0 : i32
    return %arg0, %c0_i32 : i32, i32
  }
  func.func @transform_1(%arg0: i32) -> (i32, i32) {
    %c0_i32 = arith.constant 0 : i32
    %c0_i32_0 = arith.constant 0 : i32
    %c0_i32_1 = arith.constant 0 : i32
    return %c0_i32, %c0_i32_0 : i32, i32
  }
  func.func @transform_2(%arg0: i32) -> (i32, i32) {
    %c0_i32 = arith.constant 0 : i32
    %c0_i32_0 = arith.constant 0 : i32
    %c0_i32_1 = arith.constant 0 : i32
    return %c0_i32, %c0_i32_0 : i32, i32
  }
  func.func @transform_3(%arg0: i32) -> (i32, i32) {
    %c0_i32 = arith.constant 0 : i32
    %c0_i32_0 = arith.constant 0 : i32
    %c0_i32_1 = arith.constant 0 : i32
    return %c0_i32, %c0_i32_0 : i32, i32
  }
}

module attributes {stable_mosaic.version = 14 : i64} {
  func.func @_p2_body(%arg0: i32, %arg1: memref<12288x128xf32, #tpu.memory_space<vmem>>, %arg2: memref<128x64xf32, #tpu.memory_space<vmem>>, %arg3: memref<1x64xf32, #tpu.memory_space<vmem>>, %arg4: memref<64x128xf32, #tpu.memory_space<vmem>>, %arg5: memref<1x128xf32, #tpu.memory_space<vmem>>, %arg6: memref<8x128xf32, #tpu.memory_space<vmem>>) attributes {dimension_semantics = [#tpu.dimension_semantics<arbitrary>], iteration_bounds = array<i64: 27>, scalar_prefetch = 0 : i64, scratch_operands = 0 : i64, tpu.core_type = #tpu.core_type<tc>, window_params = [{transform_indices = @transform_0, window_bounds = array<i64: 12288, 128>}, {pipeline_mode = #tpu.pipeline_mode<synchronous>, transform_indices = @transform_1, window_bounds = array<i64: 128, 64>}, {pipeline_mode = #tpu.pipeline_mode<synchronous>, transform_indices = @transform_2, window_bounds = array<i64: 1, 64>}, {pipeline_mode = #tpu.pipeline_mode<synchronous>, transform_indices = @transform_3, window_bounds = array<i64: 64, 128>}, {pipeline_mode = #tpu.pipeline_mode<synchronous>, transform_indices = @transform_4, window_bounds = array<i64: 1, 128>}, {pipeline_mode = #tpu.pipeline_mode<synchronous>, transform_indices = @transform_5, window_bounds = array<i64: 8, 128>}]} {
    %get3A = arith.constant 0 : index
    %get3A_0 = arith.constant 0 : index
    %get3A_1 = vector.load %arg1[%get3A, %get3A_0] : memref<12288x128xf32, #tpu.memory_space<vmem>>, vector<12288x128xf32>
    %slice3A = vector.extract_strided_slice %get3A_1 {offsets = [0, 0], sizes = [12288, 16], strides = [1, 1]} : vector<12288x128xf32> to vector<12288x16xf32>
    %slice3A_2 = vector.extract_strided_slice %get3A_1 {offsets = [0, 16], sizes = [12288, 16], strides = [1, 1]} : vector<12288x128xf32> to vector<12288x16xf32>
    %convert_element_type3A = arith.sitofp %arg0 : i32 to f32
    %mul3A = arith.constant 1.228800e+04 : f32
    %mul3A_3 = arith.mulf %convert_element_type3A, %mul3A : f32
    %iota3A = tpu.iota {dimensions = array<i32: 0>} : vector<12288x1xi32>
    %convert_element_type3A_4 = arith.sitofp %iota3A : vector<12288x1xi32> to vector<12288x1xf32>
    %add3A = vector.broadcast %mul3A_3 : f32 to vector<12288x1xf32>
    %add3A_5 = arith.addf %add3A, %convert_element_type3A_4 : vector<12288x1xf32>
    %sub3A = arith.constant 3.200000e+05 : f32
    %sub3A_6 = vector.broadcast %sub3A : f32 to vector<12288x1xf32>
    %sub3A_7 = arith.subf %sub3A_6, %add3A_5 : vector<12288x1xf32>
    %jit3A = arith.constant 0.000000e+00 : f32
    %jit3A_8 = arith.constant 1.000000e+00 : f32
    %max3A = vector.broadcast %jit3A : f32 to vector<12288x1xf32>
    %max3A_9 = arith.maximumf %max3A, %sub3A_7 : vector<12288x1xf32>
    %min3A = vector.broadcast %jit3A_8 : f32 to vector<12288x1xf32>
    %min3A_10 = arith.minimumf %min3A, %max3A_9 : vector<12288x1xf32>
    %sub3A_11 = arith.constant 3.300000e+05 : f32
    %sub3A_12 = vector.broadcast %sub3A_11 : f32 to vector<12288x1xf32>
    %sub3A_13 = arith.subf %sub3A_12, %add3A_5 : vector<12288x1xf32>
    %jit3A_14 = arith.constant 0.000000e+00 : f32
    %jit3A_15 = arith.constant 1.000000e+00 : f32
    %max3A_16 = vector.broadcast %jit3A_14 : f32 to vector<12288x1xf32>
    %max3A_17 = arith.maximumf %max3A_16, %sub3A_13 : vector<12288x1xf32>
    %min3A_18 = vector.broadcast %jit3A_15 : f32 to vector<12288x1xf32>
    %min3A_19 = arith.minimumf %min3A_18, %max3A_17 : vector<12288x1xf32>
    %slice3A_20 = vector.extract_strided_slice %slice3A {offsets = [0, 3], sizes = [12288, 1], strides = [1, 1]} : vector<12288x16xf32> to vector<12288x1xf32>
    %slice3A_21 = vector.extract_strided_slice %slice3A_2 {offsets = [0, 3], sizes = [12288, 1], strides = [1, 1]} : vector<12288x16xf32> to vector<12288x1xf32>
    %sub3A_22 = arith.subf %slice3A_20, %slice3A_21 : vector<12288x1xf32>
    %abs3A = math.absf %sub3A_22 : vector<12288x1xf32>
    %min3A_23 = arith.constant 1.000000e+00 : f32
    %min3A_24 = vector.broadcast %min3A_23 : f32 to vector<12288x1xf32>
    %min3A_25 = arith.minimumf %abs3A, %min3A_24 : vector<12288x1xf32>
    %mul3A_26 = arith.mulf %min3A_10, %min3A_25 : vector<12288x1xf32>
    %sub3A_27 = arith.constant 1.000000e+00 : f32
    %sub3A_28 = vector.broadcast %sub3A_27 : f32 to vector<12288x1xf32>
    %sub3A_29 = arith.subf %sub3A_28, %min3A_10 : vector<12288x1xf32>
    %mul3A_30 = arith.mulf %sub3A_29, %min3A_19 : vector<12288x1xf32>
    %add3A_31 = arith.addf %mul3A_26, %mul3A_30 : vector<12288x1xf32>
    %get3A_32 = arith.constant 0 : index
    %get3A_33 = arith.constant 0 : index
    %get3A_34 = vector.load %arg2[%get3A_32, %get3A_33] : memref<128x64xf32, #tpu.memory_space<vmem>>, vector<128x64xf32>
    %dot_general3A = arith.constant dense<0.000000e+00> : vector<12288x64xf32>
    %dot_general3A_35 = tpu.matmul %get3A_1, %get3A_34, %dot_general3A {dimension_numbers = #tpu.dot_dimension_numbers<[1], [0], [0], [1], [0, 0, 1, 1], [], []>, transpose_lhs_hint = false} : vector<12288x128xf32>, vector<128x64xf32>, vector<12288x64xf32> -> vector<12288x64xf32>
    %get3A_36 = arith.constant 0 : index
    %get3A_37 = arith.constant 0 : index
    %get3A_38 = vector.load %arg3[%get3A_36, %get3A_37] : memref<1x64xf32, #tpu.memory_space<vmem>>, vector<1x64xf32>
    %add3A_39 = vector.broadcast %get3A_38 : vector<1x64xf32> to vector<12288x64xf32>
    %add3A_40 = arith.addf %dot_general3A_35, %add3A_39 : vector<12288x64xf32>
    %max3A_41 = arith.constant 0.000000e+00 : f32
    %max3A_42 = vector.broadcast %max3A_41 : f32 to vector<12288x64xf32>
    %max3A_43 = arith.maximumf %add3A_40, %max3A_42 : vector<12288x64xf32>
    %get3A_44 = arith.constant 0 : index
    %get3A_45 = arith.constant 0 : index
    %get3A_46 = vector.load %arg4[%get3A_44, %get3A_45] : memref<64x128xf32, #tpu.memory_space<vmem>>, vector<64x128xf32>
    %dot_general3A_47 = arith.constant dense<0.000000e+00> : vector<12288x128xf32>
    %dot_general3A_48 = tpu.matmul %max3A_43, %get3A_46, %dot_general3A_47 {dimension_numbers = #tpu.dot_dimension_numbers<[1], [0], [0], [1], [0, 0, 1, 1], [], []>, transpose_lhs_hint = false} : vector<12288x64xf32>, vector<64x128xf32>, vector<12288x128xf32> -> vector<12288x128xf32>
    %get3A_49 = arith.constant 0 : index
    %get3A_50 = arith.constant 0 : index
    %get3A_51 = vector.load %arg5[%get3A_49, %get3A_50] : memref<1x128xf32, #tpu.memory_space<vmem>>, vector<1x128xf32>
    %add3A_52 = vector.broadcast %get3A_51 : vector<1x128xf32> to vector<12288x128xf32>
    %add3A_53 = arith.addf %dot_general3A_48, %add3A_52 : vector<12288x128xf32>
    %mul3A_54 = vector.broadcast %add3A_31 : vector<12288x1xf32> to vector<12288x128xf32>
    %mul3A_55 = arith.mulf %add3A_53, %mul3A_54 : vector<12288x128xf32>
    %reduce_sum3A = arith.constant dense<0.000000e+00> : vector<128xf32>
    %reduce_sum3A_56 = vector.multi_reduction <add>, %mul3A_55, %reduce_sum3A [0] : vector<12288x128xf32> to vector<128xf32>
    %mul3A_57 = arith.mulf %add3A_53, %add3A_53 : vector<12288x128xf32>
    %mul3A_58 = vector.broadcast %add3A_31 : vector<12288x1xf32> to vector<12288x128xf32>
    %mul3A_59 = arith.mulf %mul3A_57, %mul3A_58 : vector<12288x128xf32>
    %reduce_sum3A_60 = arith.constant dense<0.000000e+00> : vector<128xf32>
    %reduce_sum3A_61 = vector.multi_reduction <add>, %mul3A_59, %reduce_sum3A_60 [0] : vector<12288x128xf32> to vector<128xf32>
    %broadcast_in_dim3A = vector.shape_cast %reduce_sum3A_56 : vector<128xf32> to vector<1x128xf32>
    %broadcast_in_dim3A_62 = vector.shape_cast %reduce_sum3A_61 : vector<128xf32> to vector<1x128xf32>
    %concatenate3A = tpu.concatenate %broadcast_in_dim3A, %broadcast_in_dim3A_62 in 0 : vector<1x128xf32>, vector<1x128xf32> -> vector<2x128xf32>
    %get3A_63 = arith.constant 0 : index
    %get3A_64 = arith.constant 0 : index
    %get3A_65 = vector.load %arg6[%get3A_63, %get3A_64] : memref<8x128xf32, #tpu.memory_space<vmem>>, vector<8x128xf32>
    %eq3A = arith.constant 0 : i32
    %eq3A_66 = arith.cmpi eq, %arg0, %eq3A : i32
    %broadcast_in_dim3A_67 = arith.constant 0.000000e+00 : f32
    %broadcast_in_dim3A_68 = vector.broadcast %broadcast_in_dim3A_67 : f32 to vector<2x128xf32>
    %slice3A_69 = vector.extract_strided_slice %get3A_65 {offsets = [0, 0], sizes = [2, 128], strides = [1, 1]} : vector<8x128xf32> to vector<2x128xf32>
    %select_n3A = arith.select %eq3A_66, %broadcast_in_dim3A_68, %slice3A_69 : vector<2x128xf32>
    %add3A_70 = arith.addf %select_n3A, %concatenate3A : vector<2x128xf32>
    %broadcast_in_dim3A_71 = arith.constant 0.000000e+00 : f32
    %broadcast_in_dim3A_72 = vector.broadcast %broadcast_in_dim3A_71 : f32 to vector<6x128xf32>
    %concatenate3A_73 = tpu.concatenate %add3A_70, %broadcast_in_dim3A_72 in 0 : vector<2x128xf32>, vector<6x128xf32> -> vector<8x128xf32>
    %swap3A = arith.constant 0 : index
    %swap3A_74 = arith.constant 0 : index
    %swap3A_75 = vector.load %arg6[%swap3A, %swap3A_74] : memref<8x128xf32, #tpu.memory_space<vmem>>, vector<8x128xf32>
    tpu.vector_store %arg6[%swap3A, %swap3A_74], %concatenate3A_73 {strides = array<i32>} : memref<8x128xf32, #tpu.memory_space<vmem>>, vector<8x128xf32>,
    return
  }
  func.func @transform_0(%arg0: i32) -> (i32, i32) {
    %c0_i32 = arith.constant 0 : i32
    %c0_i32_0 = arith.constant 0 : i32
    return %arg0, %c0_i32 : i32, i32
  }
  func.func @transform_1(%arg0: i32) -> (i32, i32) {
    %c0_i32 = arith.constant 0 : i32
    %c0_i32_0 = arith.constant 0 : i32
    %c0_i32_1 = arith.constant 0 : i32
    return %c0_i32, %c0_i32_0 : i32, i32
  }
  func.func @transform_2(%arg0: i32) -> (i32, i32) {
    %c0_i32 = arith.constant 0 : i32
    %c0_i32_0 = arith.constant 0 : i32
    %c0_i32_1 = arith.constant 0 : i32
    return %c0_i32, %c0_i32_0 : i32, i32
  }
  func.func @transform_3(%arg0: i32) -> (i32, i32) {
    %c0_i32 = arith.constant 0 : i32
    %c0_i32_0 = arith.constant 0 : i32
    %c0_i32_1 = arith.constant 0 : i32
    return %c0_i32, %c0_i32_0 : i32, i32
  }
  func.func @transform_4(%arg0: i32) -> (i32, i32) {
    %c0_i32 = arith.constant 0 : i32
    %c0_i32_0 = arith.constant 0 : i32
    %c0_i32_1 = arith.constant 0 : i32
    return %c0_i32, %c0_i32_0 : i32, i32
  }
  func.func @transform_5(%arg0: i32) -> (i32, i32) {
    %c0_i32 = arith.constant 0 : i32
    %c0_i32_0 = arith.constant 0 : i32
    %c0_i32_1 = arith.constant 0 : i32
    return %c0_i32, %c0_i32_0 : i32, i32
  }
}

module attributes {stable_mosaic.version = 14 : i64} {
  func.func @_p3_body(%arg0: i32, %arg1: memref<12288x128xf32, #tpu.memory_space<vmem>>, %arg2: memref<12288x128xf32, #tpu.memory_space<vmem>>, %arg3: memref<128x64xf32, #tpu.memory_space<vmem>>, %arg4: memref<1x64xf32, #tpu.memory_space<vmem>>, %arg5: memref<64x128xf32, #tpu.memory_space<vmem>>, %arg6: memref<1x128xf32, #tpu.memory_space<vmem>>, %arg7: memref<128x64xf32, #tpu.memory_space<vmem>>, %arg8: memref<1x64xf32, #tpu.memory_space<vmem>>, %arg9: memref<128x64xf32, #tpu.memory_space<vmem>>, %arg10: memref<8x64xf32, #tpu.memory_space<vmem>>, %arg11: memref<12288x128xf32, #tpu.memory_space<vmem>>) attributes {dimension_semantics = [#tpu.dimension_semantics<arbitrary>], iteration_bounds = array<i64: 27>, scalar_prefetch = 0 : i64, scratch_operands = 0 : i64, tpu.core_type = #tpu.core_type<tc>, window_params = [{transform_indices = @transform_0, window_bounds = array<i64: 12288, 128>}, {transform_indices = @transform_1, window_bounds = array<i64: 12288, 128>}, {pipeline_mode = #tpu.pipeline_mode<synchronous>, transform_indices = @transform_2, window_bounds = array<i64: 128, 64>}, {pipeline_mode = #tpu.pipeline_mode<synchronous>, transform_indices = @transform_3, window_bounds = array<i64: 1, 64>}, {pipeline_mode = #tpu.pipeline_mode<synchronous>, transform_indices = @transform_4, window_bounds = array<i64: 64, 128>}, {pipeline_mode = #tpu.pipeline_mode<synchronous>, transform_indices = @transform_5, window_bounds = array<i64: 1, 128>}, {pipeline_mode = #tpu.pipeline_mode<synchronous>, transform_indices = @transform_6, window_bounds = array<i64: 128, 64>}, {pipeline_mode = #tpu.pipeline_mode<synchronous>, transform_indices = @transform_7, window_bounds = array<i64: 1, 64>}, {pipeline_mode = #tpu.pipeline_mode<synchronous>, transform_indices = @transform_8, window_bounds = array<i64: 128, 64>}, {pipeline_mode = #tpu.pipeline_mode<synchronous>, transform_indices = @transform_9, window_bounds = array<i64: 8, 64>}, {transform_indices = @transform_10, window_bounds = array<i64: 12288, 128>}]} {
    %get3A = arith.constant 0 : index
    %get3A_0 = arith.constant 0 : index
    %get3A_1 = vector.load %arg1[%get3A, %get3A_0] : memref<12288x128xf32, #tpu.memory_space<vmem>>, vector<12288x128xf32>
    %get3A_2 = arith.constant 0 : index
    %get3A_3 = arith.constant 0 : index
    %get3A_4 = vector.load %arg2[%get3A_2, %get3A_3] : memref<12288x128xf32, #tpu.memory_space<vmem>>, vector<12288x128xf32>
    %slice3A = vector.extract_strided_slice %get3A_1 {offsets = [0, 0], sizes = [12288, 16], strides = [1, 1]} : vector<12288x128xf32> to vector<12288x16xf32>
    %slice3A_5 = vector.extract_strided_slice %get3A_1 {offsets = [0, 16], sizes = [12288, 16], strides = [1, 1]} : vector<12288x128xf32> to vector<12288x16xf32>
    %convert_element_type3A = arith.sitofp %arg0 : i32 to f32
    %mul3A = arith.constant 1.228800e+04 : f32
    %mul3A_6 = arith.mulf %convert_element_type3A, %mul3A : f32
    %iota3A = tpu.iota {dimensions = array<i32: 0>} : vector<12288x1xi32>
    %convert_element_type3A_7 = arith.sitofp %iota3A : vector<12288x1xi32> to vector<12288x1xf32>
    %add3A = vector.broadcast %mul3A_6 : f32 to vector<12288x1xf32>
    %add3A_8 = arith.addf %add3A, %convert_element_type3A_7 : vector<12288x1xf32>
    %sub3A = arith.constant 3.200000e+05 : f32
    %sub3A_9 = vector.broadcast %sub3A : f32 to vector<12288x1xf32>
    %sub3A_10 = arith.subf %sub3A_9, %add3A_8 : vector<12288x1xf32>
    %jit3A = arith.constant 0.000000e+00 : f32
    %jit3A_11 = arith.constant 1.000000e+00 : f32
    %max3A = vector.broadcast %jit3A : f32 to vector<12288x1xf32>
    %max3A_12 = arith.maximumf %max3A, %sub3A_10 : vector<12288x1xf32>
    %min3A = vector.broadcast %jit3A_11 : f32 to vector<12288x1xf32>
    %min3A_13 = arith.minimumf %min3A, %max3A_12 : vector<12288x1xf32>
    %sub3A_14 = arith.constant 3.300000e+05 : f32
    %sub3A_15 = vector.broadcast %sub3A_14 : f32 to vector<12288x1xf32>
    %sub3A_16 = arith.subf %sub3A_15, %add3A_8 : vector<12288x1xf32>
    %jit3A_17 = arith.constant 0.000000e+00 : f32
    %jit3A_18 = arith.constant 1.000000e+00 : f32
    %max3A_19 = vector.broadcast %jit3A_17 : f32 to vector<12288x1xf32>
    %max3A_20 = arith.maximumf %max3A_19, %sub3A_16 : vector<12288x1xf32>
    %min3A_21 = vector.broadcast %jit3A_18 : f32 to vector<12288x1xf32>
    %min3A_22 = arith.minimumf %min3A_21, %max3A_20 : vector<12288x1xf32>
    %slice3A_23 = vector.extract_strided_slice %slice3A {offsets = [0, 3], sizes = [12288, 1], strides = [1, 1]} : vector<12288x16xf32> to vector<12288x1xf32>
    %slice3A_24 = vector.extract_strided_slice %slice3A_5 {offsets = [0, 3], sizes = [12288, 1], strides = [1, 1]} : vector<12288x16xf32> to vector<12288x1xf32>
    %sub3A_25 = arith.subf %slice3A_23, %slice3A_24 : vector<12288x1xf32>
    %abs3A = math.absf %sub3A_25 : vector<12288x1xf32>
    %min3A_26 = arith.constant 1.000000e+00 : f32
    %min3A_27 = vector.broadcast %min3A_26 : f32 to vector<12288x1xf32>
    %min3A_28 = arith.minimumf %abs3A, %min3A_27 : vector<12288x1xf32>
    %mul3A_29 = arith.mulf %min3A_13, %min3A_28 : vector<12288x1xf32>
    %sub3A_30 = arith.constant 1.000000e+00 : f32
    %sub3A_31 = vector.broadcast %sub3A_30 : f32 to vector<12288x1xf32>
    %sub3A_32 = arith.subf %sub3A_31, %min3A_13 : vector<12288x1xf32>
    %mul3A_33 = arith.mulf %sub3A_32, %min3A_22 : vector<12288x1xf32>
    %add3A_34 = arith.addf %mul3A_29, %mul3A_33 : vector<12288x1xf32>
    %get3A_35 = arith.constant 0 : index
    %get3A_36 = arith.constant 0 : index
    %get3A_37 = vector.load %arg3[%get3A_35, %get3A_36] : memref<128x64xf32, #tpu.memory_space<vmem>>, vector<128x64xf32>
    %dot_general3A = arith.constant dense<0.000000e+00> : vector<12288x64xf32>
    %dot_general3A_38 = tpu.matmul %get3A_1, %get3A_37, %dot_general3A {dimension_numbers = #tpu.dot_dimension_numbers<[1], [0], [0], [1], [0, 0, 1, 1], [], []>, transpose_lhs_hint = false} : vector<12288x128xf32>, vector<128x64xf32>, vector<12288x64xf32> -> vector<12288x64xf32>
    %get3A_39 = arith.constant 0 : index
    %get3A_40 = arith.constant 0 : index
    %get3A_41 = vector.load %arg4[%get3A_39, %get3A_40] : memref<1x64xf32, #tpu.memory_space<vmem>>, vector<1x64xf32>
    %add3A_42 = vector.broadcast %get3A_41 : vector<1x64xf32> to vector<12288x64xf32>
    %add3A_43 = arith.addf %dot_general3A_38, %add3A_42 : vector<12288x64xf32>
    %max3A_44 = arith.constant 0.000000e+00 : f32
    %max3A_45 = vector.broadcast %max3A_44 : f32 to vector<12288x64xf32>
    %max3A_46 = arith.maximumf %add3A_43, %max3A_45 : vector<12288x64xf32>
    %get3A_47 = arith.constant 0 : index
    %get3A_48 = arith.constant 0 : index
    %get3A_49 = vector.load %arg5[%get3A_47, %get3A_48] : memref<64x128xf32, #tpu.memory_space<vmem>>, vector<64x128xf32>
    %dot_general3A_50 = arith.constant dense<0.000000e+00> : vector<12288x128xf32>
    %dot_general3A_51 = tpu.matmul %max3A_46, %get3A_49, %dot_general3A_50 {dimension_numbers = #tpu.dot_dimension_numbers<[1], [0], [0], [1], [0, 0, 1, 1], [], []>, transpose_lhs_hint = false} : vector<12288x64xf32>, vector<64x128xf32>, vector<12288x128xf32> -> vector<12288x128xf32>
    %get3A_52 = arith.constant 0 : index
    %get3A_53 = arith.constant 0 : index
    %get3A_54 = vector.load %arg6[%get3A_52, %get3A_53] : memref<1x128xf32, #tpu.memory_space<vmem>>, vector<1x128xf32>
    %add3A_55 = vector.broadcast %get3A_54 : vector<1x128xf32> to vector<12288x128xf32>
    %add3A_56 = arith.addf %dot_general3A_51, %add3A_55 : vector<12288x128xf32>
    %max3A_57 = arith.constant 0.000000e+00 : f32
    %max3A_58 = vector.broadcast %max3A_57 : f32 to vector<12288x128xf32>
    %max3A_59 = arith.maximumf %add3A_56, %max3A_58 : vector<12288x128xf32>
    %get3A_60 = arith.constant 0 : index
    %get3A_61 = arith.constant 0 : index
    %get3A_62 = vector.load %arg9[%get3A_60, %get3A_61] : memref<128x64xf32, #tpu.memory_space<vmem>>, vector<128x64xf32>
    %dot_general3A_63 = arith.constant dense<0.000000e+00> : vector<12288x64xf32>
    %dot_general3A_64 = tpu.matmul %get3A_4, %get3A_62, %dot_general3A_63 {dimension_numbers = #tpu.dot_dimension_numbers<[1], [0], [0], [1], [0, 0, 1, 1], [], []>, transpose_lhs_hint = false} : vector<12288x128xf32>, vector<128x64xf32>, vector<12288x64xf32> -> vector<12288x64xf32>
    %get3A_65 = arith.constant 0 : index
    %get3A_66 = arith.constant 0 : index
    %get3A_67 = vector.load %arg7[%get3A_65, %get3A_66] : memref<128x64xf32, #tpu.memory_space<vmem>>, vector<128x64xf32>
    %dot_general3A_68 = arith.constant dense<0.000000e+00> : vector<12288x64xf32>
    %dot_general3A_69 = tpu.matmul %max3A_59, %get3A_67, %dot_general3A_68 {dimension_numbers = #tpu.dot_dimension_numbers<[1], [0], [0], [1], [0, 0, 1, 1], [], []>, transpose_lhs_hint = false} : vector<12288x128xf32>, vector<128x64xf32>, vector<12288x64xf32> -> vector<12288x64xf32>
    %add3A_70 = arith.addf %dot_general3A_64, %dot_general3A_69 : vector<12288x64xf32>
    %get3A_71 = arith.constant 0 : index
    %get3A_72 = arith.constant 0 : index
    %get3A_73 = vector.load %arg8[%get3A_71, %get3A_72] : memref<1x64xf32, #tpu.memory_space<vmem>>, vector<1x64xf32>
    %add3A_74 = vector.broadcast %get3A_73 : vector<1x64xf32> to vector<12288x64xf32>
    %add3A_75 = arith.addf %add3A_70, %add3A_74 : vector<12288x64xf32>
    %broadcast_in_dim3A = arith.constant 0.000000e+00 : f32
    %broadcast_in_dim3A_76 = vector.broadcast %broadcast_in_dim3A : f32 to vector<12288x63xf32>
    %concatenate3A = tpu.concatenate %add3A_75, %add3A_34, %broadcast_in_dim3A_76 in 1 : vector<12288x64xf32>, vector<12288x1xf32>, vector<12288x63xf32> -> vector<12288x128xf32>
    %swap3A = arith.constant 0 : index
    %swap3A_77 = arith.constant 0 : index
    %swap3A_78 = vector.load %arg11[%swap3A, %swap3A_77] : memref<12288x128xf32, #tpu.memory_space<vmem>>, vector<12288x128xf32>
    tpu.vector_store %arg11[%swap3A, %swap3A_77], %concatenate3A {strides = array<i32>} : memref<12288x128xf32, #tpu.memory_space<vmem>>, vector<12288x128xf32>,
    %mul3A_79 = vector.broadcast %add3A_34 : vector<12288x1xf32> to vector<12288x64xf32>
    %mul3A_80 = arith.mulf %add3A_75, %mul3A_79 : vector<12288x64xf32>
    %reduce_sum3A = arith.constant dense<0.000000e+00> : vector<64xf32>
    %reduce_sum3A_81 = vector.multi_reduction <add>, %mul3A_80, %reduce_sum3A [0] : vector<12288x64xf32> to vector<64xf32>
    %mul3A_82 = arith.mulf %add3A_75, %add3A_75 : vector<12288x64xf32>
    %mul3A_83 = vector.broadcast %add3A_34 : vector<12288x1xf32> to vector<12288x64xf32>
    %mul3A_84 = arith.mulf %mul3A_82, %mul3A_83 : vector<12288x64xf32>
    %reduce_sum3A_85 = arith.constant dense<0.000000e+00> : vector<64xf32>
    %reduce_sum3A_86 = vector.multi_reduction <add>, %mul3A_84, %reduce_sum3A_85 [0] : vector<12288x64xf32> to vector<64xf32>
    %broadcast_in_dim3A_87 = vector.shape_cast %reduce_sum3A_81 : vector<64xf32> to vector<1x64xf32>
    %broadcast_in_dim3A_88 = vector.shape_cast %reduce_sum3A_86 : vector<64xf32> to vector<1x64xf32>
    %concatenate3A_89 = tpu.concatenate %broadcast_in_dim3A_87, %broadcast_in_dim3A_88 in 0 : vector<1x64xf32>, vector<1x64xf32> -> vector<2x64xf32>
    %get3A_90 = arith.constant 0 : index
    %get3A_91 = arith.constant 0 : index
    %get3A_92 = vector.load %arg10[%get3A_90, %get3A_91] : memref<8x64xf32, #tpu.memory_space<vmem>>, vector<8x64xf32>
    %eq3A = arith.constant 0 : i32
    %eq3A_93 = arith.cmpi eq, %arg0, %eq3A : i32
    %broadcast_in_dim3A_94 = arith.constant 0.000000e+00 : f32
    %broadcast_in_dim3A_95 = vector.broadcast %broadcast_in_dim3A_94 : f32 to vector<2x64xf32>
    %slice3A_96 = vector.extract_strided_slice %get3A_92 {offsets = [0, 0], sizes = [2, 64], strides = [1, 1]} : vector<8x64xf32> to vector<2x64xf32>
    %select_n3A = arith.select %eq3A_93, %broadcast_in_dim3A_95, %slice3A_96 : vector<2x64xf32>
    %add3A_97 = arith.addf %select_n3A, %concatenate3A_89 : vector<2x64xf32>
    %broadcast_in_dim3A_98 = arith.constant 0.000000e+00 : f32
    %broadcast_in_dim3A_99 = vector.broadcast %broadcast_in_dim3A_98 : f32 to vector<6x64xf32>
    %concatenate3A_100 = tpu.concatenate %add3A_97, %broadcast_in_dim3A_99 in 0 : vector<2x64xf32>, vector<6x64xf32> -> vector<8x64xf32>
    %swap3A_101 = arith.constant 0 : index
    %swap3A_102 = arith.constant 0 : index
    %swap3A_103 = vector.load %arg10[%swap3A_101, %swap3A_102] : memref<8x64xf32, #tpu.memory_space<vmem>>, vector<8x64xf32>
    tpu.vector_store %arg10[%swap3A_101, %swap3A_102], %concatenate3A_100 {strides = array<i32>} : memref<8x64xf32, #tpu.memory_space<vmem>>, vector<8x64xf32>,
    return
  }
  func.func @transform_0(%arg0: i32) -> (i32, i32) {
    %c0_i32 = arith.constant 0 : i32
    %c0_i32_0 = arith.constant 0 : i32
    return %arg0, %c0_i32 : i32, i32
  }
  func.func @transform_1(%arg0: i32) -> (i32, i32) {
    %c0_i32 = arith.constant 0 : i32
    %c0_i32_0 = arith.constant 0 : i32
    return %arg0, %c0_i32 : i32, i32
  }
  func.func @transform_2(%arg0: i32) -> (i32, i32) {
    %c0_i32 = arith.constant 0 : i32
    %c0_i32_0 = arith.constant 0 : i32
    %c0_i32_1 = arith.constant 0 : i32
    return %c0_i32, %c0_i32_0 : i32, i32
  }
  func.func @transform_3(%arg0: i32) -> (i32, i32) {
    %c0_i32 = arith.constant 0 : i32
    %c0_i32_0 = arith.constant 0 : i32
    %c0_i32_1 = arith.constant 0 : i32
    return %c0_i32, %c0_i32_0 : i32, i32
  }
  func.func @transform_4(%arg0: i32) -> (i32, i32) {
    %c0_i32 = arith.constant 0 : i32
    %c0_i32_0 = arith.constant 0 : i32
    %c0_i32_1 = arith.constant 0 : i32
    return %c0_i32, %c0_i32_0 : i32, i32
  }
  func.func @transform_5(%arg0: i32) -> (i32, i32) {
    %c0_i32 = arith.constant 0 : i32
    %c0_i32_0 = arith.constant 0 : i32
    %c0_i32_1 = arith.constant 0 : i32
    return %c0_i32, %c0_i32_0 : i32, i32
  }
  func.func @transform_6(%arg0: i32) -> (i32, i32) {
    %c0_i32 = arith.constant 0 : i32
    %c0_i32_0 = arith.constant 0 : i32
    %c0_i32_1 = arith.constant 0 : i32
    return %c0_i32, %c0_i32_0 : i32, i32
  }
  func.func @transform_7(%arg0: i32) -> (i32, i32) {
    %c0_i32 = arith.constant 0 : i32
    %c0_i32_0 = arith.constant 0 : i32
    %c0_i32_1 = arith.constant 0 : i32
    return %c0_i32, %c0_i32_0 : i32, i32
  }
  func.func @transform_8(%arg0: i32) -> (i32, i32) {
    %c0_i32 = arith.constant 0 : i32
    %c0_i32_0 = arith.constant 0 : i32
    %c0_i32_1 = arith.constant 0 : i32
    return %c0_i32, %c0_i32_0 : i32, i32
  }
  func.func @transform_9(%arg0: i32) -> (i32, i32) {
    %c0_i32 = arith.constant 0 : i32
    %c0_i32_0 = arith.constant 0 : i32
    %c0_i32_1 = arith.constant 0 : i32
    return %c0_i32, %c0_i32_0 : i32, i32
  }
  func.func @transform_10(%arg0: i32) -> (i32, i32) {
    %c0_i32 = arith.constant 0 : i32
    %c0_i32_0 = arith.constant 0 : i32
    return %arg0, %c0_i32 : i32, i32
  }
}

module attributes {stable_mosaic.version = 14 : i64} {
  func.func @_p4_body(%arg0: i32, %arg1: memref<12288x128xf32, #tpu.memory_space<vmem>>, %arg2: memref<1x128xf32, #tpu.memory_space<vmem>>, %arg3: memref<1x128xf32, #tpu.memory_space<vmem>>, %arg4: memref<128x128xf32, #tpu.memory_space<vmem>>, %arg5: memref<1x128xf32, #tpu.memory_space<vmem>>, %arg6: memref<8x128xf32, #tpu.memory_space<vmem>>) attributes {dimension_semantics = [#tpu.dimension_semantics<arbitrary>], iteration_bounds = array<i64: 27>, scalar_prefetch = 0 : i64, scratch_operands = 0 : i64, tpu.core_type = #tpu.core_type<tc>, window_params = [{transform_indices = @transform_0, window_bounds = array<i64: 12288, 128>}, {pipeline_mode = #tpu.pipeline_mode<synchronous>, transform_indices = @transform_1, window_bounds = array<i64: 1, 128>}, {pipeline_mode = #tpu.pipeline_mode<synchronous>, transform_indices = @transform_2, window_bounds = array<i64: 1, 128>}, {pipeline_mode = #tpu.pipeline_mode<synchronous>, transform_indices = @transform_3, window_bounds = array<i64: 128, 128>}, {pipeline_mode = #tpu.pipeline_mode<synchronous>, transform_indices = @transform_4, window_bounds = array<i64: 1, 128>}, {pipeline_mode = #tpu.pipeline_mode<synchronous>, transform_indices = @transform_5, window_bounds = array<i64: 8, 128>}]} {
    %get3A = arith.constant 0 : index
    %get3A_0 = arith.constant 0 : index
    %get3A_1 = vector.load %arg1[%get3A, %get3A_0] : memref<12288x128xf32, #tpu.memory_space<vmem>>, vector<12288x128xf32>
    %slice3A = vector.extract_strided_slice %get3A_1 {offsets = [0, 64], sizes = [12288, 1], strides = [1, 1]} : vector<12288x128xf32> to vector<12288x1xf32>
    %get3A_2 = arith.constant 0 : index
    %get3A_3 = arith.constant 0 : index
    %get3A_4 = vector.load %arg2[%get3A_2, %get3A_3] : memref<1x128xf32, #tpu.memory_space<vmem>>, vector<1x128xf32>
    %mul3A = vector.broadcast %get3A_4 : vector<1x128xf32> to vector<12288x128xf32>
    %mul3A_5 = arith.mulf %get3A_1, %mul3A : vector<12288x128xf32>
    %get3A_6 = arith.constant 0 : index
    %get3A_7 = arith.constant 0 : index
    %get3A_8 = vector.load %arg3[%get3A_6, %get3A_7] : memref<1x128xf32, #tpu.memory_space<vmem>>, vector<1x128xf32>
    %add3A = vector.broadcast %get3A_8 : vector<1x128xf32> to vector<12288x128xf32>
    %add3A_9 = arith.addf %mul3A_5, %add3A : vector<12288x128xf32>
    %max3A = arith.constant 0.000000e+00 : f32
    %max3A_10 = vector.broadcast %max3A : f32 to vector<12288x128xf32>
    %max3A_11 = arith.maximumf %add3A_9, %max3A_10 : vector<12288x128xf32>
    %get3A_12 = arith.constant 0 : index
    %get3A_13 = arith.constant 0 : index
    %get3A_14 = vector.load %arg4[%get3A_12, %get3A_13] : memref<128x128xf32, #tpu.memory_space<vmem>>, vector<128x128xf32>
    %dot_general3A = arith.constant dense<0.000000e+00> : vector<12288x128xf32>
    %dot_general3A_15 = tpu.matmul %max3A_11, %get3A_14, %dot_general3A {dimension_numbers = #tpu.dot_dimension_numbers<[1], [0], [0], [1], [0, 0, 1, 1], [], []>, transpose_lhs_hint = false} : vector<12288x128xf32>, vector<128x128xf32>, vector<12288x128xf32> -> vector<12288x128xf32>
    %get3A_16 = arith.constant 0 : index
    %get3A_17 = arith.constant 0 : index
    %get3A_18 = vector.load %arg5[%get3A_16, %get3A_17] : memref<1x128xf32, #tpu.memory_space<vmem>>, vector<1x128xf32>
    %add3A_19 = vector.broadcast %get3A_18 : vector<1x128xf32> to vector<12288x128xf32>
    %add3A_20 = arith.addf %dot_general3A_15, %add3A_19 : vector<12288x128xf32>
    %mul3A_21 = vector.broadcast %slice3A : vector<12288x1xf32> to vector<12288x128xf32>
    %mul3A_22 = arith.mulf %add3A_20, %mul3A_21 : vector<12288x128xf32>
    %reduce_sum3A = arith.constant dense<0.000000e+00> : vector<128xf32>
    %reduce_sum3A_23 = vector.multi_reduction <add>, %mul3A_22, %reduce_sum3A [0] : vector<12288x128xf32> to vector<128xf32>
    %mul3A_24 = arith.mulf %add3A_20, %add3A_20 : vector<12288x128xf32>
    %mul3A_25 = vector.broadcast %slice3A : vector<12288x1xf32> to vector<12288x128xf32>
    %mul3A_26 = arith.mulf %mul3A_24, %mul3A_25 : vector<12288x128xf32>
    %reduce_sum3A_27 = arith.constant dense<0.000000e+00> : vector<128xf32>
    %reduce_sum3A_28 = vector.multi_reduction <add>, %mul3A_26, %reduce_sum3A_27 [0] : vector<12288x128xf32> to vector<128xf32>
    %mul3A_29 = vector.broadcast %slice3A : vector<12288x1xf32> to vector<12288x128xf32>
    %mul3A_30 = arith.mulf %add3A_20, %mul3A_29 : vector<12288x128xf32>
    %sub3A = arith.constant 1.000000e+00 : f32
    %sub3A_31 = vector.broadcast %sub3A : f32 to vector<12288x1xf32>
    %sub3A_32 = arith.subf %sub3A_31, %slice3A : vector<12288x1xf32>
    %mul3A_33 = arith.constant 1.000000e+30 : f32
    %mul3A_34 = vector.broadcast %mul3A_33 : f32 to vector<12288x1xf32>
    %mul3A_35 = arith.mulf %sub3A_32, %mul3A_34 : vector<12288x1xf32>
    %sub3A_36 = vector.broadcast %mul3A_35 : vector<12288x1xf32> to vector<12288x128xf32>
    %sub3A_37 = arith.subf %mul3A_30, %sub3A_36 : vector<12288x128xf32>
    %reduce_max3A = arith.constant dense<0xFF800000> : vector<128xf32>
    %reduce_max3A_38 = vector.multi_reduction <maximumf>, %sub3A_37, %reduce_max3A [0] : vector<12288x128xf32> to vector<128xf32>
    %mul3A_39 = vector.broadcast %slice3A : vector<12288x1xf32> to vector<12288x128xf32>
    %mul3A_40 = arith.mulf %add3A_20, %mul3A_39 : vector<12288x128xf32>
    %sub3A_41 = arith.constant 1.000000e+00 : f32
    %sub3A_42 = vector.broadcast %sub3A_41 : f32 to vector<12288x1xf32>
    %sub3A_43 = arith.subf %sub3A_42, %slice3A : vector<12288x1xf32>
    %mul3A_44 = arith.constant 1.000000e+30 : f32
    %mul3A_45 = vector.broadcast %mul3A_44 : f32 to vector<12288x1xf32>
    %mul3A_46 = arith.mulf %sub3A_43, %mul3A_45 : vector<12288x1xf32>
    %add3A_47 = vector.broadcast %mul3A_46 : vector<12288x1xf32> to vector<12288x128xf32>
    %add3A_48 = arith.addf %mul3A_40, %add3A_47 : vector<12288x128xf32>
    %reduce_min3A = arith.constant dense<0x7F800000> : vector<128xf32>
    %reduce_min3A_49 = vector.multi_reduction <minimumf>, %add3A_48, %reduce_min3A [0] : vector<12288x128xf32> to vector<128xf32>
    %broadcast_in_dim3A = vector.shape_cast %reduce_sum3A_23 : vector<128xf32> to vector<1x128xf32>
    %broadcast_in_dim3A_50 = vector.shape_cast %reduce_sum3A_28 : vector<128xf32> to vector<1x128xf32>
    %concatenate3A = tpu.concatenate %broadcast_in_dim3A, %broadcast_in_dim3A_50 in 0 : vector<1x128xf32>, vector<1x128xf32> -> vector<2x128xf32>
    %get3A_51 = arith.constant 0 : index
    %get3A_52 = arith.constant 0 : index
    %get3A_53 = vector.load %arg6[%get3A_51, %get3A_52] : memref<8x128xf32, #tpu.memory_space<vmem>>, vector<8x128xf32>
    %eq3A = arith.constant 0 : i32
    %eq3A_54 = arith.cmpi eq, %arg0, %eq3A : i32
    %broadcast_in_dim3A_55 = arith.constant 0.000000e+00 : f32
    %broadcast_in_dim3A_56 = vector.broadcast %broadcast_in_dim3A_55 : f32 to vector<2x128xf32>
    %slice3A_57 = vector.extract_strided_slice %get3A_53 {offsets = [0, 0], sizes = [2, 128], strides = [1, 1]} : vector<8x128xf32> to vector<2x128xf32>
    %select_n3A = arith.select %eq3A_54, %broadcast_in_dim3A_56, %slice3A_57 : vector<2x128xf32>
    %add3A_58 = arith.addf %select_n3A, %concatenate3A : vector<2x128xf32>
    %eq3A_59 = arith.constant 0 : i32
    %eq3A_60 = arith.cmpi eq, %arg0, %eq3A_59 : i32
    %broadcast_in_dim3A_61 = arith.constant -1.000000e+30 : f32
    %broadcast_in_dim3A_62 = vector.broadcast %broadcast_in_dim3A_61 : f32 to vector<1x128xf32>
    %slice3A_63 = vector.extract_strided_slice %get3A_53 {offsets = [2, 0], sizes = [1, 128], strides = [1, 1]} : vector<8x128xf32> to vector<1x128xf32>
    %select_n3A_64 = arith.select %eq3A_60, %broadcast_in_dim3A_62, %slice3A_63 : vector<1x128xf32>
    %eq3A_65 = arith.constant 0 : i32
    %eq3A_66 = arith.cmpi eq, %arg0, %eq3A_65 : i32
    %broadcast_in_dim3A_67 = arith.constant 1.000000e+30 : f32
    %broadcast_in_dim3A_68 = vector.broadcast %broadcast_in_dim3A_67 : f32 to vector<1x128xf32>
    %slice3A_69 = vector.extract_strided_slice %get3A_53 {offsets = [3, 0], sizes = [1, 128], strides = [1, 1]} : vector<8x128xf32> to vector<1x128xf32>
    %select_n3A_70 = arith.select %eq3A_66, %broadcast_in_dim3A_68, %slice3A_69 : vector<1x128xf32>
    %broadcast_in_dim3A_71 = vector.shape_cast %reduce_max3A_38 : vector<128xf32> to vector<1x128xf32>
    %max3A_72 = arith.maximumf %select_n3A_64, %broadcast_in_dim3A_71 : vector<1x128xf32>
    %broadcast_in_dim3A_73 = vector.shape_cast %reduce_min3A_49 : vector<128xf32> to vector<1x128xf32>
    %min3A = arith.minimumf %select_n3A_70, %broadcast_in_dim3A_73 : vector<1x128xf32>
    %broadcast_in_dim3A_74 = arith.constant 0.000000e+00 : f32
    %broadcast_in_dim3A_75 = vector.broadcast %broadcast_in_dim3A_74 : f32 to vector<4x128xf32>
    %concatenate3A_76 = tpu.concatenate %add3A_58, %max3A_72, %min3A, %broadcast_in_dim3A_75 in 0 : vector<2x128xf32>, vector<1x128xf32>, vector<1x128xf32>, vector<4x128xf32> -> vector<8x128xf32>
    %swap3A = arith.constant 0 : index
    %swap3A_77 = arith.constant 0 : index
    %swap3A_78 = vector.load %arg6[%swap3A, %swap3A_77] : memref<8x128xf32, #tpu.memory_space<vmem>>, vector<8x128xf32>
    tpu.vector_store %arg6[%swap3A, %swap3A_77], %concatenate3A_76 {strides = array<i32>} : memref<8x128xf32, #tpu.memory_space<vmem>>, vector<8x128xf32>,
    return
  }
  func.func @transform_0(%arg0: i32) -> (i32, i32) {
    %c0_i32 = arith.constant 0 : i32
    %c0_i32_0 = arith.constant 0 : i32
    return %arg0, %c0_i32 : i32, i32
  }
  func.func @transform_1(%arg0: i32) -> (i32, i32) {
    %c0_i32 = arith.constant 0 : i32
    %c0_i32_0 = arith.constant 0 : i32
    %c0_i32_1 = arith.constant 0 : i32
    return %c0_i32, %c0_i32_0 : i32, i32
  }
  func.func @transform_2(%arg0: i32) -> (i32, i32) {
    %c0_i32 = arith.constant 0 : i32
    %c0_i32_0 = arith.constant 0 : i32
    %c0_i32_1 = arith.constant 0 : i32
    return %c0_i32, %c0_i32_0 : i32, i32
  }
  func.func @transform_3(%arg0: i32) -> (i32, i32) {
    %c0_i32 = arith.constant 0 : i32
    %c0_i32_0 = arith.constant 0 : i32
    %c0_i32_1 = arith.constant 0 : i32
    return %c0_i32, %c0_i32_0 : i32, i32
  }
  func.func @transform_4(%arg0: i32) -> (i32, i32) {
    %c0_i32 = arith.constant 0 : i32
    %c0_i32_0 = arith.constant 0 : i32
    %c0_i32_1 = arith.constant 0 : i32
    return %c0_i32, %c0_i32_0 : i32, i32
  }
  func.func @transform_5(%arg0: i32) -> (i32, i32) {
    %c0_i32 = arith.constant 0 : i32
    %c0_i32_0 = arith.constant 0 : i32
    %c0_i32_1 = arith.constant 0 : i32
    return %c0_i32, %c0_i32_0 : i32, i32
  }
}

module attributes {stable_mosaic.version = 14 : i64} {
  func.func @_p5_body(%arg0: i32, %arg1: memref<4096x128xf32, #tpu.memory_space<vmem>>, %arg2: memref<4096x128xf32, #tpu.memory_space<vmem>>, %arg3: memref<4096x128xf32, #tpu.memory_space<vmem>>, %arg4: memref<128x64xf32, #tpu.memory_space<vmem>>, %arg5: memref<1x64xf32, #tpu.memory_space<vmem>>, %arg6: memref<64x128xf32, #tpu.memory_space<vmem>>, %arg7: memref<1x128xf32, #tpu.memory_space<vmem>>, %arg8: memref<1x128xf32, #tpu.memory_space<vmem>>, %arg9: memref<1x128xf32, #tpu.memory_space<vmem>>, %arg10: memref<128x128xf32, #tpu.memory_space<vmem>>, %arg11: memref<1x128xf32, #tpu.memory_space<vmem>>, %arg12: memref<1x128xf32, #tpu.memory_space<vmem>>, %arg13: memref<1x128xf32, #tpu.memory_space<vmem>>, %arg14: memref<1x128xf32, #tpu.memory_space<vmem>>, %arg15: memref<4096x128xf32, #tpu.memory_space<vmem>>, %arg16: memref<4096x128xf32, #tpu.memory_space<vmem>>) attributes {dimension_semantics = [#tpu.dimension_semantics<arbitrary>], iteration_bounds = array<i64: 81>, scalar_prefetch = 0 : i64, scratch_operands = 0 : i64, tpu.core_type = #tpu.core_type<tc>, window_params = [{transform_indices = @transform_0, window_bounds = array<i64: 4096, 128>}, {transform_indices = @transform_1, window_bounds = array<i64: 4096, 128>}, {transform_indices = @transform_2, window_bounds = array<i64: 4096, 128>}, {pipeline_mode = #tpu.pipeline_mode<synchronous>, transform_indices = @transform_3, window_bounds = array<i64: 128, 64>}, {pipeline_mode = #tpu.pipeline_mode<synchronous>, transform_indices = @transform_4, window_bounds = array<i64: 1, 64>}, {pipeline_mode = #tpu.pipeline_mode<synchronous>, transform_indices = @transform_5, window_bounds = array<i64: 64, 128>}, {pipeline_mode = #tpu.pipeline_mode<synchronous>, transform_indices = @transform_6, window_bounds = array<i64: 1, 128>}, {pipeline_mode = #tpu.pipeline_mode<synchronous>, transform_indices = @transform_7, window_bounds = array<i64: 1, 128>}, {pipeline_mode = #tpu.pipeline_mode<synchronous>, transform_indices = @transform_8, window_bounds = array<i64: 1, 128>}, {pipeline_mode = #tpu.pipeline_mode<synchronous>, transform_indices = @transform_9, window_bounds = array<i64: 128, 128>}, {pipeline_mode = #tpu.pipeline_mode<synchronous>, transform_indices = @transform_10, window_bounds = array<i64: 1, 128>}, {pipeline_mode = #tpu.pipeline_mode<synchronous>, transform_indices = @transform_11, window_bounds = array<i64: 1, 128>}, {pipeline_mode = #tpu.pipeline_mode<synchronous>, transform_indices = @transform_12, window_bounds = array<i64: 1, 128>}, {pipeline_mode = #tpu.pipeline_mode<synchronous>, transform_indices = @transform_13, window_bounds = array<i64: 1, 128>}, {transform_indices = @transform_14, window_bounds = array<i64: 4096, 128>}, {transform_indices = @transform_15, window_bounds = array<i64: 4096, 128>}]} {
    %get3A = arith.constant 0 : index
    %get3A_0 = arith.constant 0 : index
    %get3A_1 = vector.load %arg1[%get3A, %get3A_0] : memref<4096x128xf32, #tpu.memory_space<vmem>>, vector<4096x128xf32>
    %get3A_2 = arith.constant 0 : index
    %get3A_3 = arith.constant 0 : index
    %get3A_4 = vector.load %arg2[%get3A_2, %get3A_3] : memref<4096x128xf32, #tpu.memory_space<vmem>>, vector<4096x128xf32>
    %slice3A = vector.extract_strided_slice %get3A_4 {offsets = [0, 64], sizes = [4096, 1], strides = [1, 1]} : vector<4096x128xf32> to vector<4096x1xf32>
    %get3A_5 = arith.constant 0 : index
    %get3A_6 = arith.constant 0 : index
    %get3A_7 = vector.load %arg4[%get3A_5, %get3A_6] : memref<128x64xf32, #tpu.memory_space<vmem>>, vector<128x64xf32>
    %dot_general3A = arith.constant dense<0.000000e+00> : vector<4096x64xf32>
    %dot_general3A_8 = tpu.matmul %get3A_1, %get3A_7, %dot_general3A {dimension_numbers = #tpu.dot_dimension_numbers<[1], [0], [0], [1], [0, 0, 1, 1], [], []>, transpose_lhs_hint = false} : vector<4096x128xf32>, vector<128x64xf32>, vector<4096x64xf32> -> vector<4096x64xf32>
    %get3A_9 = arith.constant 0 : index
    %get3A_10 = arith.constant 0 : index
    %get3A_11 = vector.load %arg5[%get3A_9, %get3A_10] : memref<1x64xf32, #tpu.memory_space<vmem>>, vector<1x64xf32>
    %add3A = vector.broadcast %get3A_11 : vector<1x64xf32> to vector<4096x64xf32>
    %add3A_12 = arith.addf %dot_general3A_8, %add3A : vector<4096x64xf32>
    %max3A = arith.constant 0.000000e+00 : f32
    %max3A_13 = vector.broadcast %max3A : f32 to vector<4096x64xf32>
    %max3A_14 = arith.maximumf %add3A_12, %max3A_13 : vector<4096x64xf32>
    %get3A_15 = arith.constant 0 : index
    %get3A_16 = arith.constant 0 : index
    %get3A_17 = vector.load %arg6[%get3A_15, %get3A_16] : memref<64x128xf32, #tpu.memory_space<vmem>>, vector<64x128xf32>
    %dot_general3A_18 = arith.constant dense<0.000000e+00> : vector<4096x128xf32>
    %dot_general3A_19 = tpu.matmul %max3A_14, %get3A_17, %dot_general3A_18 {dimension_numbers = #tpu.dot_dimension_numbers<[1], [0], [0], [1], [0, 0, 1, 1], [], []>, transpose_lhs_hint = false} : vector<4096x64xf32>, vector<64x128xf32>, vector<4096x128xf32> -> vector<4096x128xf32>
    %get3A_20 = arith.constant 0 : index
    %get3A_21 = arith.constant 0 : index
    %get3A_22 = vector.load %arg7[%get3A_20, %get3A_21] : memref<1x128xf32, #tpu.memory_space<vmem>>, vector<1x128xf32>
    %add3A_23 = vector.broadcast %get3A_22 : vector<1x128xf32> to vector<4096x128xf32>
    %add3A_24 = arith.addf %dot_general3A_19, %add3A_23 : vector<4096x128xf32>
    %max3A_25 = arith.constant 0.000000e+00 : f32
    %max3A_26 = vector.broadcast %max3A_25 : f32 to vector<4096x128xf32>
    %max3A_27 = arith.maximumf %add3A_24, %max3A_26 : vector<4096x128xf32>
    %get3A_28 = arith.constant 0 : index
    %get3A_29 = arith.constant 0 : index
    %get3A_30 = vector.load %arg8[%get3A_28, %get3A_29] : memref<1x128xf32, #tpu.memory_space<vmem>>, vector<1x128xf32>
    %mul3A = vector.broadcast %get3A_30 : vector<1x128xf32> to vector<4096x128xf32>
    %mul3A_31 = arith.mulf %get3A_4, %mul3A : vector<4096x128xf32>
    %get3A_32 = arith.constant 0 : index
    %get3A_33 = arith.constant 0 : index
    %get3A_34 = vector.load %arg9[%get3A_32, %get3A_33] : memref<1x128xf32, #tpu.memory_space<vmem>>, vector<1x128xf32>
    %add3A_35 = vector.broadcast %get3A_34 : vector<1x128xf32> to vector<4096x128xf32>
    %add3A_36 = arith.addf %mul3A_31, %add3A_35 : vector<4096x128xf32>
    %max3A_37 = arith.constant 0.000000e+00 : f32
    %max3A_38 = vector.broadcast %max3A_37 : f32 to vector<4096x128xf32>
    %max3A_39 = arith.maximumf %add3A_36, %max3A_38 : vector<4096x128xf32>
    %get3A_40 = arith.constant 0 : index
    %get3A_41 = arith.constant 0 : index
    %get3A_42 = vector.load %arg10[%get3A_40, %get3A_41] : memref<128x128xf32, #tpu.memory_space<vmem>>, vector<128x128xf32>
    %dot_general3A_43 = arith.constant dense<0.000000e+00> : vector<4096x128xf32>
    %dot_general3A_44 = tpu.matmul %max3A_39, %get3A_42, %dot_general3A_43 {dimension_numbers = #tpu.dot_dimension_numbers<[1], [0], [0], [1], [0, 0, 1, 1], [], []>, transpose_lhs_hint = false} : vector<4096x128xf32>, vector<128x128xf32>, vector<4096x128xf32> -> vector<4096x128xf32>
    %get3A_45 = arith.constant 0 : index
    %get3A_46 = arith.constant 0 : index
    %get3A_47 = vector.load %arg11[%get3A_45, %get3A_46] : memref<1x128xf32, #tpu.memory_space<vmem>>, vector<1x128xf32>
    %add3A_48 = vector.broadcast %get3A_47 : vector<1x128xf32> to vector<4096x128xf32>
    %add3A_49 = arith.addf %dot_general3A_44, %add3A_48 : vector<4096x128xf32>
    %get3A_50 = arith.constant 0 : index
    %get3A_51 = arith.constant 0 : index
    %get3A_52 = vector.load %arg12[%get3A_50, %get3A_51] : memref<1x128xf32, #tpu.memory_space<vmem>>, vector<1x128xf32>
    %mul3A_53 = vector.broadcast %get3A_52 : vector<1x128xf32> to vector<4096x128xf32>
    %mul3A_54 = arith.mulf %add3A_49, %mul3A_53 : vector<4096x128xf32>
    %get3A_55 = arith.constant 0 : index
    %get3A_56 = arith.constant 0 : index
    %get3A_57 = vector.load %arg13[%get3A_55, %get3A_56] : memref<1x128xf32, #tpu.memory_space<vmem>>, vector<1x128xf32>
    %add3A_58 = vector.broadcast %get3A_57 : vector<1x128xf32> to vector<4096x128xf32>
    %add3A_59 = arith.addf %mul3A_54, %add3A_58 : vector<4096x128xf32>
    %max3A_60 = arith.constant 0.000000e+00 : f32
    %max3A_61 = vector.broadcast %max3A_60 : f32 to vector<4096x128xf32>
    %max3A_62 = arith.maximumf %add3A_59, %max3A_61 : vector<4096x128xf32>
    %get3A_63 = arith.constant 0 : index
    %get3A_64 = arith.constant 0 : index
    %get3A_65 = vector.load %arg14[%get3A_63, %get3A_64] : memref<1x128xf32, #tpu.memory_space<vmem>>, vector<1x128xf32>
    %sub3A = vector.broadcast %get3A_65 : vector<1x128xf32> to vector<4096x128xf32>
    %sub3A_66 = arith.subf %max3A_62, %sub3A : vector<4096x128xf32>
    %min3A = arith.constant 0.000000e+00 : f32
    %min3A_67 = vector.broadcast %min3A : f32 to vector<4096x128xf32>
    %min3A_68 = arith.minimumf %sub3A_66, %min3A_67 : vector<4096x128xf32>
    %exp3A = math.exp %min3A_68 : vector<4096x128xf32>
    %mul3A_69 = vector.broadcast %slice3A : vector<4096x1xf32> to vector<4096x128xf32>
    %mul3A_70 = arith.mulf %mul3A_69, %exp3A : vector<4096x128xf32>
    %swap3A = arith.constant 0 : index
    %swap3A_71 = arith.constant 0 : index
    %swap3A_72 = vector.load %arg15[%swap3A, %swap3A_71] : memref<4096x128xf32, #tpu.memory_space<vmem>>, vector<4096x128xf32>
    tpu.vector_store %arg15[%swap3A, %swap3A_71], %mul3A_70 {strides = array<i32>} : memref<4096x128xf32, #tpu.memory_space<vmem>>, vector<4096x128xf32>,
    %get3A_73 = arith.constant 0 : index
    %get3A_74 = arith.constant 0 : index
    %get3A_75 = vector.load %arg3[%get3A_73, %get3A_74] : memref<4096x128xf32, #tpu.memory_space<vmem>>, vector<4096x128xf32>
    %add3A_76 = arith.addf %get3A_75, %max3A_27 : vector<4096x128xf32>
    %mul3A_77 = arith.mulf %mul3A_70, %add3A_76 : vector<4096x128xf32>
    %swap3A_78 = arith.constant 0 : index
    %swap3A_79 = arith.constant 0 : index
    %swap3A_80 = vector.load %arg16[%swap3A_78, %swap3A_79] : memref<4096x128xf32, #tpu.memory_space<vmem>>, vector<4096x128xf32>
    tpu.vector_store %arg16[%swap3A_78, %swap3A_79], %mul3A_77 {strides = array<i32>} : memref<4096x128xf32, #tpu.memory_space<vmem>>, vector<4096x128xf32>,
    return
  }
  func.func @transform_0(%arg0: i32) -> (i32, i32) {
    %c0_i32 = arith.constant 0 : i32
    %c0_i32_0 = arith.constant 0 : i32
    return %arg0, %c0_i32 : i32, i32
  }
  func.func @transform_1(%arg0: i32) -> (i32, i32) {
    %c0_i32 = arith.constant 0 : i32
    %c0_i32_0 = arith.constant 0 : i32
    return %arg0, %c0_i32 : i32, i32
  }
  func.func @transform_2(%arg0: i32) -> (i32, i32) {
    %c0_i32 = arith.constant 0 : i32
    %c0_i32_0 = arith.constant 0 : i32
    return %arg0, %c0_i32 : i32, i32
  }
  func.func @transform_3(%arg0: i32) -> (i32, i32) {
    %c0_i32 = arith.constant 0 : i32
    %c0_i32_0 = arith.constant 0 : i32
    %c0_i32_1 = arith.constant 0 : i32
    return %c0_i32, %c0_i32_0 : i32, i32
  }
  func.func @transform_4(%arg0: i32) -> (i32, i32) {
    %c0_i32 = arith.constant 0 : i32
    %c0_i32_0 = arith.constant 0 : i32
    %c0_i32_1 = arith.constant 0 : i32
    return %c0_i32, %c0_i32_0 : i32, i32
  }
  func.func @transform_5(%arg0: i32) -> (i32, i32) {
    %c0_i32 = arith.constant 0 : i32
    %c0_i32_0 = arith.constant 0 : i32
    %c0_i32_1 = arith.constant 0 : i32
    return %c0_i32, %c0_i32_0 : i32, i32
  }
  func.func @transform_6(%arg0: i32) -> (i32, i32) {
    %c0_i32 = arith.constant 0 : i32
    %c0_i32_0 = arith.constant 0 : i32
    %c0_i32_1 = arith.constant 0 : i32
    return %c0_i32, %c0_i32_0 : i32, i32
  }
  func.func @transform_7(%arg0: i32) -> (i32, i32) {
    %c0_i32 = arith.constant 0 : i32
    %c0_i32_0 = arith.constant 0 : i32
    %c0_i32_1 = arith.constant 0 : i32
    return %c0_i32, %c0_i32_0 : i32, i32
  }
  func.func @transform_8(%arg0: i32) -> (i32, i32) {
    %c0_i32 = arith.constant 0 : i32
    %c0_i32_0 = arith.constant 0 : i32
    %c0_i32_1 = arith.constant 0 : i32
    return %c0_i32, %c0_i32_0 : i32, i32
  }
  func.func @transform_9(%arg0: i32) -> (i32, i32) {
    %c0_i32 = arith.constant 0 : i32
    %c0_i32_0 = arith.constant 0 : i32
    %c0_i32_1 = arith.constant 0 : i32
    return %c0_i32, %c0_i32_0 : i32, i32
  }
  func.func @transform_10(%arg0: i32) -> (i32, i32) {
    %c0_i32 = arith.constant 0 : i32
    %c0_i32_0 = arith.constant 0 : i32
    %c0_i32_1 = arith.constant 0 : i32
    return %c0_i32, %c0_i32_0 : i32, i32
  }
  func.func @transform_11(%arg0: i32) -> (i32, i32) {
    %c0_i32 = arith.constant 0 : i32
    %c0_i32_0 = arith.constant 0 : i32
    %c0_i32_1 = arith.constant 0 : i32
    return %c0_i32, %c0_i32_0 : i32, i32
  }
  func.func @transform_12(%arg0: i32) -> (i32, i32) {
    %c0_i32 = arith.constant 0 : i32
    %c0_i32_0 = arith.constant 0 : i32
    %c0_i32_1 = arith.constant 0 : i32
    return %c0_i32, %c0_i32_0 : i32, i32
  }
  func.func @transform_13(%arg0: i32) -> (i32, i32) {
    %c0_i32 = arith.constant 0 : i32
    %c0_i32_0 = arith.constant 0 : i32
    %c0_i32_1 = arith.constant 0 : i32
    return %c0_i32, %c0_i32_0 : i32, i32
  }
  func.func @transform_14(%arg0: i32) -> (i32, i32) {
    %c0_i32 = arith.constant 0 : i32
    %c0_i32_0 = arith.constant 0 : i32
    return %arg0, %c0_i32 : i32, i32
  }
  func.func @transform_15(%arg0: i32) -> (i32, i32) {
    %c0_i32 = arith.constant 0 : i32
    %c0_i32_0 = arith.constant 0 : i32
    return %arg0, %c0_i32 : i32, i32
  }
}

module attributes {stable_mosaic.version = 14 : i64} {
  func.func @_p6_body(%arg0: i32, %arg1: memref<2000x128xf32, #tpu.memory_space<vmem>>, %arg2: memref<2000x128xf32, #tpu.memory_space<vmem>>, %arg3: memref<128x128xf32, #tpu.memory_space<vmem>>, %arg4: memref<1x128xf32, #tpu.memory_space<vmem>>, %arg5: memref<2000x128xf32, #tpu.memory_space<vmem>>) attributes {dimension_semantics = [#tpu.dimension_semantics<arbitrary>], iteration_bounds = array<i64: 5>, scalar_prefetch = 0 : i64, scratch_operands = 0 : i64, tpu.core_type = #tpu.core_type<tc>, window_params = [{transform_indices = @transform_0, window_bounds = array<i64: 2000, 128>}, {transform_indices = @transform_1, window_bounds = array<i64: 2000, 128>}, {pipeline_mode = #tpu.pipeline_mode<synchronous>, transform_indices = @transform_2, window_bounds = array<i64: 128, 128>}, {pipeline_mode = #tpu.pipeline_mode<synchronous>, transform_indices = @transform_3, window_bounds = array<i64: 1, 128>}, {transform_indices = @transform_4, window_bounds = array<i64: 2000, 128>}]} {
    %get3A = arith.constant 0 : index
    %get3A_0 = arith.constant 0 : index
    %get3A_1 = vector.load %arg2[%get3A, %get3A_0] : memref<2000x128xf32, #tpu.memory_space<vmem>>, vector<2000x128xf32>
    %get3A_2 = arith.constant 0 : index
    %get3A_3 = arith.constant 0 : index
    %get3A_4 = vector.load %arg1[%get3A_2, %get3A_3] : memref<2000x128xf32, #tpu.memory_space<vmem>>, vector<2000x128xf32>
    %add3A = arith.constant 1.000000e-16 : f32
    %add3A_5 = vector.broadcast %add3A : f32 to vector<2000x128xf32>
    %add3A_6 = arith.addf %get3A_4, %add3A_5 : vector<2000x128xf32>
    %div3A = arith.divf %get3A_1, %add3A_6 : vector<2000x128xf32>
    %get3A_7 = arith.constant 0 : index
    %get3A_8 = arith.constant 0 : index
    %get3A_9 = vector.load %arg3[%get3A_7, %get3A_8] : memref<128x128xf32, #tpu.memory_space<vmem>>, vector<128x128xf32>
    %dot_general3A = arith.constant dense<0.000000e+00> : vector<2000x128xf32>
    %dot_general3A_10 = tpu.matmul %div3A, %get3A_9, %dot_general3A {dimension_numbers = #tpu.dot_dimension_numbers<[1], [0], [0], [1], [0, 0, 1, 1], [], []>, transpose_lhs_hint = false} : vector<2000x128xf32>, vector<128x128xf32>, vector<2000x128xf32> -> vector<2000x128xf32>
    %get3A_11 = arith.constant 0 : index
    %get3A_12 = arith.constant 0 : index
    %get3A_13 = vector.load %arg4[%get3A_11, %get3A_12] : memref<1x128xf32, #tpu.memory_space<vmem>>, vector<1x128xf32>
    %add3A_14 = vector.broadcast %get3A_13 : vector<1x128xf32> to vector<2000x128xf32>
    %add3A_15 = arith.addf %dot_general3A_10, %add3A_14 : vector<2000x128xf32>
    %max3A = arith.constant 0.000000e+00 : f32
    %max3A_16 = vector.broadcast %max3A : f32 to vector<2000x128xf32>
    %max3A_17 = arith.maximumf %add3A_15, %max3A_16 : vector<2000x128xf32>
    %swap3A = arith.constant 0 : index
    %swap3A_18 = arith.constant 0 : index
    %swap3A_19 = vector.load %arg5[%swap3A, %swap3A_18] : memref<2000x128xf32, #tpu.memory_space<vmem>>, vector<2000x128xf32>
    tpu.vector_store %arg5[%swap3A, %swap3A_18], %max3A_17 {strides = array<i32>} : memref<2000x128xf32, #tpu.memory_space<vmem>>, vector<2000x128xf32>,
    return
  }
  func.func @transform_0(%arg0: i32) -> (i32, i32) {
    %c0_i32 = arith.constant 0 : i32
    %c0_i32_0 = arith.constant 0 : i32
    return %arg0, %c0_i32 : i32, i32
  }
  func.func @transform_1(%arg0: i32) -> (i32, i32) {
    %c0_i32 = arith.constant 0 : i32
    %c0_i32_0 = arith.constant 0 : i32
    return %arg0, %c0_i32 : i32, i32
  }
  func.func @transform_2(%arg0: i32) -> (i32, i32) {
    %c0_i32 = arith.constant 0 : i32
    %c0_i32_0 = arith.constant 0 : i32
    %c0_i32_1 = arith.constant 0 : i32
    return %c0_i32, %c0_i32_0 : i32, i32
  }
  func.func @transform_3(%arg0: i32) -> (i32, i32) {
    %c0_i32 = arith.constant 0 : i32
    %c0_i32_0 = arith.constant 0 : i32
    %c0_i32_1 = arith.constant 0 : i32
    return %c0_i32, %c0_i32_0 : i32, i32
  }
  func.func @transform_4(%arg0: i32) -> (i32, i32) {
    %c0_i32 = arith.constant 0 : i32
    %c0_i32_0 = arith.constant 0 : i32
    return %arg0, %c0_i32 : i32, i32
  }
}

</mosaic_0001>

<sc_bundles>
// kernel: kernel.13.cloned.1.call-start
scs
__scs_entry_jumppad:
0x0: {  	(pc) =	sbr.rel $0x88, $3  }
0x1: {  	(tag) =	ssettag $0x0;
	lr =	simm.s32 $0x1  }
0x2: {  	[smem:$0x3F87] =	sst lr;
	_ =	strace $0xD0000000  }
0x3: {  	_ = 	snop  }
0x4: {  	_ = 	snop  }
0x5: {  	_ = 	snop  }
0x6: {  	_ = 	snop  }
0x7: {  	_ = 	snop  }
__scs_overlays_trampoline_lowered:
0x8: {  	[smem:$0x3F96] =	sst s0  }
0x9: {  	[smem:$0x3F97] =	sst s1  }
0xa: {  	[smem:$0x3F98] =	sst s2  }
0xb: {  	[smem:$0x3F99] =	sst s3  }
0xc: {  	[smem:$0x3F9A] =	sst s4  }
0xd: {  	[smem:$0x3F9B] =	sst s5  }
0xe: {  	[smem:$0x3F9C] =	sst s6  }
0xf: {  	[smem:$0x3F9D] =	sst s7  }
0x10: {  	[smem:$0x3F9E] =	sst s8  }
0x11: {  	[smem:$0x3F9F] =	sst s9;
	s0 =	simm.s32 @!p0 $0x0  }
0x12: {  	s1 =	sld [smem:$0x3F85];
	s0 =	simm.s32 @p0 $0x1  }
0x13: {  	[smem:$0x3FA0] =	sst s0;
	s0 =	simm.s32 @!p1 $0x0  }
0x14: {  	s2 =	sld [smem:$0x3F84];
	s0 =	simm.s32 @p1 $0x1  }
0x15: {  	[smem:$0x3FA1] =	sst s0;
	s0 =	simm.s32 @!p2 $0x0  }
0x16: {  	s3 =	sld [smem:$0x3FDB];
	s0 =	simm.s32 @p2 $0x1  }
0x17: {  	s4 =	simm.s32 $0x1BF5;
	[smem:$0x3FA3] =	sst s0  }
0x18: {  	s0 =	sld [smem:$0x3F86];
	_ =	swait.ge [sflag:s4], $0x0  }
0x19: {  	s7 =	sld [smem:$0x3F87]  }
0x1a: {  	s8 =	sadd.s32 $0xFFFFE003, lr  }
0x1b: {  	s9 =	sadd.s32 $0xFFFFFEF7, lr;
	s5 =	simm.s32 $0xFFFFFFFF;
	p2 =	slt.u32 s8, $0xFFFFF086  }
0x1c: {  	p1 =	slt.u32 s9, $0xF7A;
	s5 =	simm.s32 @!p2 $0x0  }
0x1d: {  	s5 =	simm.s32 @p1 $0x1;
	p0 =	seq.s32 s7, s2  }
0x1e: {  	s7 =	smul.u32 @!p0 $0xF7A, s2;
	p2 =	seq.s32 @!p0 s5, $0x0  }
0x1f: {  	s9 =	smul.u32 $0xF7A, s1;
	s8 =	simm.s32 @!p0 $0x1BF5;
	p2 =	por !p2, p0  }
0x20: {  	[sflag:s8] =	ssyncset.s32 @!p0 $0xFFFFF086;
	s6 =	sadd.s32 @!p0 s3, s7;
	s7 =	simm.s32 @!p0 $0x108  }
0x21: {  	s3 =	sadd.s32 s3, s9;
	s6 =	sadd.s32 @!p0 $0x88, s6;
	s7 =	simm.s32 @p2 $0x1082  }
0x22: {  	[simem:s7], [sflag:s8] =	dma.local @!p0 [hbm:s6], $0xF7A  }
0x23: {  	s9 =	sor.u32 $0xD0000000, s2;
	s6 =	simm.s32 $0x108;
	_ =	swait.ge @!p0 [sflag:s8], $0x0  }
0x24: {  	s3 =	sadd.s32 $0x88, s3;
	s6 =	simm.s32 @!p1 $0x1082;
	[sflag:s4] =	ssyncset.s32 $0xFFFFF086  }
0x25: {  	[simem:s6], [sflag:s4] =	dma.local [hbm:s3], $0xF7A  }
0x26: {  	[smem:$0x3F87] =	sst s1;
	(tag) =	ssettag s2;
	_ =	strace s9  }
0x27: {  	s1 =	sld [smem:$0x3F97]  }
0x28: {  	s2 =	sld [smem:$0x3F98]  }
0x29: {  	s4 =	sld [smem:$0x3F9A]  }
0x2a: {  	p0 =	seq.s32 s5, $0x0;
	s5 =	sld [smem:$0x3F9B]  }
0x2b: {  	s6 =	sld [smem:$0x3F9C]  }
0x2c: {  	s7 =	sld [smem:$0x3F9D]  }
0x2d: {  	s3 =	simm.s32 $0x108;
	s8 =	sld [smem:$0x3F9E]  }
0x2e: {  	s3 =	simm.s32 @!p0 $0x1082;
	s9 =	sld [smem:$0x3F9F]  }
0x2f: {  	lr =	sadd.s32 s0, s3;
	s0 =	sld [smem:$0x3F96]  }
0x30: {  	s3 =	sld [smem:$0x3F99]  }
0x31: {  	[smem:$0x3FA2] =	sst s10  }
0x32: {  	s10 =	sld [smem:$0x3FA0];
	_ =	sdelay $0x3  }
0x33: {  	p0 =	seq.s32 s10, $0x1;
	s10 =	sld [smem:$0x3FA2];
	_ =	sdelay $0x3  }
0x34: {  	[smem:$0x3FA2] =	sst s10  }
0x35: {  	s10 =	sld [smem:$0x3FA1];
	_ =	sdelay $0x3  }
0x36: {  	p1 =	seq.s32 s10, $0x1;
	s10 =	sld [smem:$0x3FA2];
	_ =	sdelay $0x3  }
0x37: {  	[smem:$0x3FA2] =	sst s10  }
0x38: {  	s10 =	sld [smem:$0x3FA3]  }
0x39: {  	_ = 	snop;
	(pc) =	sbr.ind lr, $3  }
0x3a: {  	_ = 	snop  }
0x3b: {  	_ = 	snop  }
0x3c: {  	p2 =	seq.s32 s10, $0x1;
	s10 =	sld [smem:$0x3FA2]  }
0x3d: {  	_ =	shalt  }
0x3e: {  	_ =	shalt  }
0x3f: {  	_ =	shalt  }
0x40: {  	_ =	shalt  }
0x41: {  	_ =	shalt  }
0x42: {  	_ =	shalt  }
0x43: {  	_ =	shalt  }
0x44: {  	_ =	shalt  }
0x45: {  	_ =	shalt  }
0x46: {  	_ =	shalt  }
0x47: {  	_ =	shalt  }
0x48: {  	_ =	shalt  }
0x49: {  	_ =	shalt  }
0x4a: {  	_ =	shalt  }
0x4b: {  	_ =	shalt  }
0x4c: {  	_ =	shalt  }
0x4d: {  	_ =	shalt  }
0x4e: {  	_ =	shalt  }
0x4f: {  	_ =	shalt  }
0x50: {  	_ =	shalt  }
0x51: {  	_ =	shalt  }
0x52: {  	_ =	shalt  }
0x53: {  	_ =	shalt  }
0x54: {  	_ =	shalt  }
0x55: {  	_ =	shalt  }
0x56: {  	_ =	shalt  }
0x57: {  	_ =	shalt  }
0x58: {  	_ =	shalt  }
0x59: {  	_ =	shalt  }
0x5a: {  	_ =	shalt  }
0x5b: {  	_ =	shalt  }
0x5c: {  	_ =	shalt  }
0x5d: {  	_ =	shalt  }
0x5e: {  	_ =	shalt  }
0x5f: {  	_ =	shalt  }
0x60: {  	_ =	shalt  }
0x61: {  	_ =	shalt  }
0x62: {  	_ =	shalt  }
0x63: {  	_ =	shalt  }
0x64: {  	_ =	shalt  }
0x65: {  	_ =	shalt  }
0x66: {  	_ =	shalt  }
0x67: {  	_ =	shalt  }
0x68: {  	_ =	shalt  }
0x69: {  	_ =	shalt  }
0x6a: {  	_ =	shalt  }
0x6b: {  	_ =	shalt  }
0x6c: {  	_ =	shalt  }
0x6d: {  	_ =	shalt  }
0x6e: {  	_ =	shalt  }
0x6f: {  	_ =	shalt  }
0x70: {  	_ =	shalt  }
0x71: {  	_ =	shalt  }
0x72: {  	_ =	shalt  }
0x73: {  	_ =	shalt  }
0x74: {  	_ =	shalt  }
0x75: {  	_ =	shalt  }
0x76: {  	_ =	shalt  }
0x77: {  	_ =	shalt  }
0x78: {  	_ =	shalt  }
0x79: {  	_ =	shalt  }
0x7a: {  	_ =	shalt  }
0x7b: {  	_ =	shalt  }
0x7c: {  	_ =	shalt  }
0x7d: {  	_ =	shalt  }
0x7e: {  	_ =	shalt  }
0x7f: {  	_ =	shalt  }
0x80: {  	_ =	shalt  }
0x81: {  	_ =	shalt  }
0x82: {  	_ =	shalt  }
0x83: {  	_ =	shalt  }
0x84: {  	_ =	shalt  }
0x85: {  	_ =	shalt  }
0x86: {  	_ =	shalt  }
0x87: {  	_ =	shalt  }
.Lfunc_end0:
.L_simem_size_0:
called_computation_lowered:
.L_overlay_start_0:
0x88: {  	s2 =	sld [smem:$0x3FD9]  }
0x89: {  	s3 =	sld [smem:$0x3FFE];
	_ =	sdelay $0x1  }
0x8a: {  	s1 =	srdreg.scid  }
0x8b: {  	s0 =	sand.u32 $0x1, s1  }
0x8c: {  	s16 =	sshll.u32 s0, $0xA;
	s2 =	sadd.s32 s3, s2  }
0x8d: {  	s2 =	sadd.s32 s2, s16  }
0x8e: {  	[smem:$0x3FAE] =	sst s2  }
0x8f: {  	_ = 	snop  }
0x90: {  	(tm) =	ssettm $0x1  }
0x91: {  	s17 =	sld [smem:$0x3FFB];
	_ =	sdelay $0x3  }
0x92: {  	_ =	strace s17  }
0x93: {  	s2 =	sld [smem:$0x3FFC];
	_ =	sdelay $0x3  }
0x94: {  	_ =	strace s2  }
0x95: {  	s2 =	sld [smem:$0x3FFD];
	_ =	sdelay $0x3  }
0x96: {  	_ =	strace s2  }
0x97: {  	_ =	strace $0x8FFFFFFF  }
0x98: {  	s18 =	sld [smem:$0x3FDB];
	_ =	sdelay $0x1  }
0x99: {  	s19 =	simm.s32 $_scs_section_size  }
0x9a: {  	s4 =	simm.s32 $_size__tile_overlayer_lowered;
	s5 =	simm.s32 $_tile_overlayer_lowered  }
0x9b: {  	s22 =	simm.s32 $0x1BFF;
	s21 =	sshll.u32 s5, $0x1;
	s2 =	sadd.s32 s19, s18  }
0x9c: {  	s6 =	simm.s32 $0x0;
	s20 =	sshll.u32 s4, $0x1;
	s4 =	sadd.s32 s21, s2  }
0x9d: {  	[timem:s6], [sflag:s22] =	dma.local [hbm:s4], s20  }
0x9e: {  	_ =	swait.ge [sflag:s22], s20  }
0x9f: {  	s3 =	ssub.s32 $0x0, s20;
	[sflag:s22] =	ssyncset.done $0x0  }
0xa0: {  	[sflag:s22] =	ssyncadd.s32 s3;
	_ =	sdelay $0x1  }
0xa1: {  	s23 =	simm.s32 $0x1B8B  }
0xa2: {  	_ =	swait.ge [sflag:s23], $0x1  }
0xa3: {  	[sflag:s23] =	ssyncset.done $0x0  }
0xa4: {  	s25 =	simm.s32 $0x1B8E;
	s24 =	sld [smem:$0x3FFE];
	[sflag:s23] =	ssyncadd.s32 $0xFFFFFFFF  }
0xa5: {  	s26 =	simm.s32 $execute0_lowered;
	[smem:$0x3FD2] =	sst s25  }
0xa6: {  	s4 =	sshll.u32 s26, $0x1;
	_ =	strace $0x80000046;
	[dreg:$0x1] =	wrdreg $0xFFFFFFFF  }
0xa7: {  	s28 =	simm.s32 $_size_execute0_lowered;
	s2 =	sadd.s32 s2, s4;
	[dreg:$0x0] =	wrdreg $0x0  }
0xa8: {  	s4 =	sshll.u32 s28, $0x1;
	[dreg:$0x2] =	wrdreg s2  }
0xa9: {  	[dreg:$0x3] =	wrdreg s4  }
0xaa: {  	[dreg:$0x4] =	wrdreg $0xC0  }
0xab: {  	_ =	task [dreg:s6], $0x5FFFF  }
0xac: {  	[dreg:$0x1] =	wrdreg $0xFFFFFFFF  }
0xad: {  	[dreg:$0x0] =	wrdreg $0x60  }
0xae: {  	[dreg:$0x2] =	wrdreg s24  }
0xaf: {  	[dreg:$0x3] =	wrdreg $0x9  }
0xb0: {  	_ =	task.clear_ibuf [dreg:s6], $0x4FFFF;
	_ =	strace $0x90000046  }
0xb1: {  	s29 =	simm.s32 $0x9;
	_ =	strace $0x80000048  }
0xb2: {  	_ =	swait.ge [sflag:s29], $0x1  }
0xb3: {  	[sflag:s29] =	ssyncadd.s32 $0xFFFFFFFF  }
0xb4: {  	_ =	strace $0x90000048  }
0xb5: {  	_ =	sfence  }
0xb6: {  	s30 =	sld [smem:$0x0];
	_ =	sdelay $0x2  }
0xb7: {  	s31 =	sshll.u32 s1, $0xD;
	s1 =	sshrl.u32 s1, $0x2  }
0xb8: {  	s3 =	sand.u32 $0x4000, s31;
	s1 =	sadd.s32 s1, s30  }
0xb9: {  	s0 =	sor.u32 s3, s0;
	s1 =	sshll.u32 s1, $0x11  }
0xba: {  	s0 =	sor.u32 s1, s0  }
0xbb: {  	s0 =	sadd.s32 $0x8F2B, s0  }
0xbc: {  	[sflag:s0] =	ssyncadd.remote.s32 $0x1  }
0xbd: {  	_ =	sfence.sel $0xFFFF  }
0xbe: {  	[dreg:$0x0] =	wrdreg $0xFFFFFFFF;
	(pc) =	sbr.abs _section_cstart, $3  }
0xbf: {  	[dreg:$0x1] =	wrdreg $0xFFFFFFFF  }
0xc0: {  	_ =	task.clear_ibuf [dreg:s6], $0x2FFFF;
	_ =	strace $0x9FFFFFFF  }
0xc1: {  	(tm) =	ssettm $0x7FFFFFFF  }
tec
execute0_lowered:
.L_overlay_start_1:
0x0: {  	(tag) =	ssettag $0x1  }
0x1: {  	s0 =	rddreg [dreg:$0x0];
	s2 =	simm.s32 $0x0;
	s1 =	stileid.u32  }
0x2: {  	s3 =	srdreg.scid;
	s17 =	simm.s32 $0x100;
	s21 =	smul.u32 $0x288000, s1  }
0x3: {  	s18 =	simm.s32 $0x900;
	s19 =	simm.s32 $0x1100;
	s14 =	smul.u32 $0x5100, s1  }
0x4: {  	[smem:$0x7FF] =	sst s2;
	s11 =	sand.u32 $0x1, s3;
	s28 =	smul.u32 $0x51000, s1  }
0x5: {  	s5 =	sshll.u32 s1, $0x1;
	s3 =	sadd.s32 $0xE600, s0;
	s24 =	smul.u32 $0x144000, s11  }
0x6: {  	s4 =	sadd.s32 $0x4400, s0;
	_ =	strace $0x80000047;
	s16 =	smul.u32 $0x2880, s11  }
0x7: {  	s6 =	sor.u32 s11, s5;
	s7 =	ssub.s32 $0x2, s11;
	s29 =	smul.u32 $0x28800, s11  }
0x8: {  	s5 =	sadd.s32 $0x18800, s0;
	s8 =	smul.u32 $0x2880, s6;
	s9 =	sshrl.u32 s7, $0x1  }
0x9: {  	s0 =	sadd.s32 $0x1D800, s0;
	s10 =	smul.u32 $0x144000, s6;
	s12 =	ssub.s32 s7, s9  }
0xa: {  	s15 =	sadd.s32 s24, s21;
	s26 =	sadd.s32 s16, s14;
	s16 =	simm.s32 $0x80  }
0xb: {  	s21 =	simm.s32 $0x1200;
	s24 =	simm.s32 $0x10;
	s20 =	sshrl.u32 s8, $0x3  }
0xc: {  	s23 =	sshrl.u32 s10, $0x3;
	s10 =	smax.u32 s12, $0x1;
	s25 =	sshrl.u32 s15, $0x3  }
0xd: {  	s30 =	sadd.s32 $0x80, s26;
	s11 =	sadd.s32 $0x100, s26;
	s15 =	simm.s32 $0x3  }
0xe: {  	s26 =	simm.s32 $0x0;
	s22 =	sadd.s32 s3, s20;
	s7 =	sadd.s32 s4, s20  }
0xf: {  	s13 =	sadd.s32 s0, s23;
	s12 =	sadd.s32 s25, s0;
	s0 =	sadd.s32 s28, s0  }
0x10: {  	s31 =	sshrl.u32 s30, $0x3;
	s20 =	simm.s32 $0x1180;
	s23 =	simm.s32 $0x1  }
0x11: {  	s25 =	simm.s32 $0x2;
	[dreg:$0x3] =	wrdreg s22;
	s8 =	sadd.s32 $0x28000, s13  }
0x12: {  	s9 =	sadd.s32 $0x28002, s13;
	[dreg:$0x2] =	wrdreg s12;
	s12 =	sadd.s32 s29, s0  }
0x13: {  	s13 =	sadd.s32 s31, s4;
	s14 =	sadd.s32 s31, s3;
	s22 =	simm.s32 $0x1A00  }
.LBB2_1:
0x14: {  	s0 =	rddreg [dreg:$0x3]  }
0x15: {  	[tilespmem:s2], [sflag:$0x3] =	stream.linear.gather [hbm4b:s0+s2], $0x80, $0x38;
	[tilespmem:$0x2200] =	vst v63  }
0x16: {  	_ =	swait.ge [sflag:s15], $0x80  }
0x17: {  	[sflag:s15] =	ssyncset.done $0x0  }
0x18: {  	[sflag:s15] =	ssyncadd.s32 $0xFFFFFF80  }
0x19: {  	[tilespmem:s16], [sflag:$0x3] =	stream.linear.gather [hbm4b:s7+s2], $0x80, $0x38;
	[tilespmem:$0x2200] =	vst v63  }
0x1a: {  	_ =	swait.ge [sflag:s15], $0x80  }
0x1b: {  	[sflag:s15] =	ssyncset.done $0x0  }
0x1c: {  	[sflag:s15] =	ssyncadd.s32 $0xFFFFFF80  }
0x1d: {  	[tilespmem:s17], [sflag:$0x1] =	stream.indirect.gather [hbm4b:s5+s16], $0x10, s2, s16, $0xb8;
	[tilespmem:$0x2200] =	vst v63  }
0x1e: {  	_ = 	snop  }
0x1f: {  	[tilespmem:s18], [sflag:$0x1] =	stream.indirect.gather [hbm4b:s5+s16], $0x10, s16, s16, $0xb8;
	[tilespmem:$0x2200] =	vst v63  }
0x20: {  	_ = 	snop  }
0x21: {  	[tilespmem:s19], [sflag:$0x3] =	stream.linear.gather [hbm4b:s14+s2], $0x80, $0x38;
	[tilespmem:$0x2200] =	vst v63  }
0x22: {  	_ =	swait.ge [sflag:s15], $0x80  }
0x23: {  	[sflag:s15] =	ssyncset.done $0x0  }
0x24: {  	[sflag:s15] =	ssyncadd.s32 $0xFFFFFF80  }
0x25: {  	[tilespmem:s20], [sflag:$0x3] =	stream.linear.gather [hbm4b:s13+s2], $0x80, $0x38;
	[tilespmem:$0x2200] =	vst v63  }
0x26: {  	_ =	swait.ge [sflag:s15], $0x80  }
0x27: {  	[sflag:s15] =	ssyncset.done $0x0  }
0x28: {  	[sflag:s15] =	ssyncadd.s32 $0xFFFFFF80  }
0x29: {  	[tilespmem:s21], [sflag:$0x2] =	stream.indirect.gather [hbm4b:s5+s16], $0x10, s19, s16, $0xb8;
	[tilespmem:$0x2200] =	vst v63  }
0x2a: {  	_ = 	snop  }
0x2b: {  	[tilespmem:s22], [sflag:$0x2] =	stream.indirect.gather [hbm4b:s5+s16], $0x10, s20, s16, $0xb8;
	[tilespmem:$0x2200] =	vst v63  }
0x2c: {  	_ =	swait.ge [sflag:s23], $0x800  }
0x2d: {  	[sflag:s23] =	ssyncset.done $0x0  }
0x2e: {  	[sflag:s23] =	ssyncadd.s32 $0xFFFFF800  }
0x2f: {  	_ =	swait.ge [sflag:s23], $0x800  }
0x30: {  	s6 =	rddreg [dreg:$0x2];
	[sflag:s23] =	ssyncset.done $0x0  }
0x31: {  	[sflag:s23] =	ssyncadd.s32 $0xFFFFF800;
	s0 =	sadd.s32 $0x0, s6  }
0x32: {  	[hbm4b:s0+s24] =	stream.strided.scatter [tilespmem:s17], [sflag:$0x3], $0x800, s16, s24, $0x38;
	[tilespmem:$0x2200] =	vst v63  }
0x33: {  	_ =	swait.ge [sflag:s15], $0x800  }
0x34: {  	[sflag:s15] =	ssyncset.done $0x0  }
0x35: {  	s0 =	sadd.s32 $0x2, s0;
	[sflag:s15] =	ssyncadd.s32 $0xFFFFF800  }
0x36: {  	[hbm4b:s0+s24] =	stream.strided.scatter [tilespmem:s18], [sflag:$0x3], $0x800, s16, s24, $0x38;
	[tilespmem:$0x2200] =	vst v63  }
0x37: {  	_ =	swait.ge [sflag:s15], $0x800  }
0x38: {  	s1 =	sshrl.u32 s11, $0x3;
	[sflag:s15] =	ssyncset.done $0x0  }
0x39: {  	s28 =	sadd.s32 s3, s1;
	[sflag:s15] =	ssyncadd.s32 $0xFFFFF800  }
0x3a: {  	[tilespmem:s2], [sflag:$0x3] =	stream.linear.gather [hbm4b:s28+s2], $0x80, $0x38;
	[tilespmem:$0x2200] =	vst v63  }
0x3b: {  	_ =	swait.ge [sflag:s15], $0x80  }
0x3c: {  	[sflag:s15] =	ssyncset.done $0x0  }
0x3d: {  	s0 =	sadd.s32 s4, s1;
	[sflag:s15] =	ssyncadd.s32 $0xFFFFFF80  }
0x3e: {  	[tilespmem:s16], [sflag:$0x3] =	stream.linear.gather [hbm4b:s0+s2], $0x80, $0x38;
	[tilespmem:$0x2200] =	vst v63  }
0x3f: {  	_ =	swait.ge [sflag:s15], $0x80  }
0x40: {  	[sflag:s15] =	ssyncset.done $0x0  }
0x41: {  	[sflag:s15] =	ssyncadd.s32 $0xFFFFFF80  }
0x42: {  	[tilespmem:s17], [sflag:$0x1] =	stream.indirect.gather [hbm4b:s5+s16], $0x10, s2, s16, $0xb8;
	[tilespmem:$0x2200] =	vst v63  }
0x43: {  	_ = 	snop  }
0x44: {  	[tilespmem:s18], [sflag:$0x1] =	stream.indirect.gather [hbm4b:s5+s16], $0x10, s16, s16, $0xb8;
	[tilespmem:$0x2200] =	vst v63  }
0x45: {  	_ =	swait.ge [sflag:s25], $0x800  }
0x46: {  	[sflag:s25] =	ssyncset.done $0x0  }
0x47: {  	[sflag:s25] =	ssyncadd.s32 $0xFFFFF800  }
0x48: {  	_ =	swait.ge [sflag:s25], $0x800  }
0x49: {  	s6 =	sadd.s32 $0x0, s12;
	[sflag:s25] =	ssyncset.done $0x0  }
0x4a: {  	s28 =	sadd.s32 $0x800, s6;
	[sflag:s25] =	ssyncadd.s32 $0xFFFFF800  }
0x4b: {  	[hbm4b:s28+s24] =	stream.strided.scatter [tilespmem:s21], [sflag:$0x3], $0x800, s16, s24, $0x38;
	[tilespmem:$0x2200] =	vst v63  }
0x4c: {  	_ =	swait.ge [sflag:s15], $0x800  }
0x4d: {  	[sflag:s15] =	ssyncset.done $0x0  }
0x4e: {  	s0 =	sadd.s32 $0x802, s6;
	[sflag:s15] =	ssyncadd.s32 $0xFFFFF800  }
0x4f: {  	[hbm4b:s0+s24] =	stream.strided.scatter [tilespmem:s22], [sflag:$0x3], $0x800, s16, s24, $0x38;
	[tilespmem:$0x2200] =	vst v63  }
0x50: {  	s29 =	sadd.s32 $0x20, s14;
	s30 =	smov.u32 s11;
	_ =	swait.ge [sflag:s15], $0x800  }
0x51: {  	s31 =	smov.u32 s13;
	s28 =	simm.s32 $0x1000;
	[sflag:s15] =	ssyncset.done $0x0  }
.LBB2_2:
0x52: {  	[sflag:s15] =	ssyncadd.s32 $0xFFFFF800  }
0x53: {  	[tilespmem:s19], [sflag:$0x3] =	stream.linear.gather [hbm4b:s29+s2], $0x80, $0x38;
	[tilespmem:$0x2200] =	vst v63  }
0x54: {  	_ =	swait.ge [sflag:s15], $0x80  }
0x55: {  	[sflag:s15] =	ssyncset.done $0x0  }
0x56: {  	s31 =	sadd.s32 $0x20, s31;
	[sflag:s15] =	ssyncadd.s32 $0xFFFFFF80  }
0x57: {  	[tilespmem:s20], [sflag:$0x3] =	stream.linear.gather [hbm4b:s31+s2], $0x80, $0x38;
	[tilespmem:$0x2200] =	vst v63  }
0x58: {  	_ =	swait.ge [sflag:s15], $0x80  }
0x59: {  	[sflag:s15] =	ssyncset.done $0x0  }
0x5a: {  	[sflag:s15] =	ssyncadd.s32 $0xFFFFFF80  }
0x5b: {  	[tilespmem:s21], [sflag:$0x2] =	stream.indirect.gather [hbm4b:s5+s16], $0x10, s19, s16, $0xb8;
	[tilespmem:$0x2200] =	vst v63  }
0x5c: {  	_ = 	snop  }
0x5d: {  	[tilespmem:s22], [sflag:$0x2] =	stream.indirect.gather [hbm4b:s5+s16], $0x10, s20, s16, $0xb8;
	[tilespmem:$0x2200] =	vst v63  }
0x5e: {  	_ =	swait.ge [sflag:s23], $0x800  }
0x5f: {  	[sflag:s23] =	ssyncset.done $0x0  }
0x60: {  	[sflag:s23] =	ssyncadd.s32 $0xFFFFF800  }
0x61: {  	_ =	swait.ge [sflag:s23], $0x800  }
0x62: {  	s0 =	smov.u32 s28;
	s1 =	rddreg [dreg:$0x2];
	[sflag:s23] =	ssyncset.done $0x0  }
0x63: {  	[sflag:s23] =	ssyncadd.s32 $0xFFFFF800;
	s1 =	sadd.s32 s0, s1  }
0x64: {  	[hbm4b:s1+s24] =	stream.strided.scatter [tilespmem:s17], [sflag:$0x3], $0x800, s16, s24, $0x38;
	[tilespmem:$0x2200] =	vst v63  }
0x65: {  	_ =	swait.ge [sflag:s15], $0x800  }
0x66: {  	[sflag:s15] =	ssyncset.done $0x0  }
0x67: {  	s1 =	sadd.s32 $0x2, s1;
	[sflag:s15] =	ssyncadd.s32 $0xFFFFF800  }
0x68: {  	[hbm4b:s1+s24] =	stream.strided.scatter [tilespmem:s18], [sflag:$0x3], $0x800, s16, s24, $0x38;
	[tilespmem:$0x2200] =	vst v63  }
0x69: {  	s30 =	sadd.s32 $0x100, s30;
	_ =	swait.ge [sflag:s15], $0x800  }
0x6a: {  	s1 =	sshrl.u32 s30, $0x3;
	[sflag:s15] =	ssyncset.done $0x0  }
0x6b: {  	s6 =	sadd.s32 s3, s1;
	[sflag:s15] =	ssyncadd.s32 $0xFFFFF800  }
0x6c: {  	[tilespmem:s2], [sflag:$0x3] =	stream.linear.gather [hbm4b:s6+s2], $0x80, $0x38;
	[tilespmem:$0x2200] =	vst v63  }
0x6d: {  	_ =	swait.ge [sflag:s15], $0x80  }
0x6e: {  	[sflag:s15] =	ssyncset.done $0x0  }
0x6f: {  	s1 =	sadd.s32 s4, s1;
	[sflag:s15] =	ssyncadd.s32 $0xFFFFFF80  }
0x70: {  	[tilespmem:s16], [sflag:$0x3] =	stream.linear.gather [hbm4b:s1+s2], $0x80, $0x38;
	[tilespmem:$0x2200] =	vst v63  }
0x71: {  	_ =	swait.ge [sflag:s15], $0x80  }
0x72: {  	[sflag:s15] =	ssyncset.done $0x0  }
0x73: {  	[sflag:s15] =	ssyncadd.s32 $0xFFFFFF80  }
0x74: {  	[tilespmem:s17], [sflag:$0x1] =	stream.indirect.gather [hbm4b:s5+s16], $0x10, s2, s16, $0xb8;
	[tilespmem:$0x2200] =	vst v63  }
0x75: {  	_ = 	snop  }
0x76: {  	[tilespmem:s18], [sflag:$0x1] =	stream.indirect.gather [hbm4b:s5+s16], $0x10, s16, s16, $0xb8;
	[tilespmem:$0x2200] =	vst v63  }
0x77: {  	_ =	swait.ge [sflag:s25], $0x800  }
0x78: {  	[sflag:s25] =	ssyncset.done $0x0  }
0x79: {  	[sflag:s25] =	ssyncadd.s32 $0xFFFFF800  }
0x7a: {  	_ =	swait.ge [sflag:s25], $0x800  }
0x7b: {  	s0 =	sadd.s32 s0, s12;
	[sflag:s25] =	ssyncset.done $0x0  }
0x7c: {  	s6 =	sadd.s32 $0x800, s0;
	[sflag:s25] =	ssyncadd.s32 $0xFFFFF800  }
0x7d: {  	[hbm4b:s6+s24] =	stream.strided.scatter [tilespmem:s21], [sflag:$0x3], $0x800, s16, s24, $0x38;
	[tilespmem:$0x2200] =	vst v63  }
0x7e: {  	p0 =	sne.s32 s28, $0x27000;
	_ =	swait.ge [sflag:s15], $0x800  }
.Ltmp0:
0x7f: {  	[sflag:s15] =	ssyncset.done $0x0;
	(pc) =	sbr.rel @p0 .LBB2_2-.Ltmp0, $4  }
0x80: {  	s0 =	sadd.s32 $0x802, s0;
	[sflag:s15] =	ssyncadd.s32 $0xFFFFF800  }
0x81: {  	[hbm4b:s0+s24] =	stream.strided.scatter [tilespmem:s22], [sflag:$0x3], $0x800, s16, s24, $0x38;
	[tilespmem:$0x2200] =	vst v63  }
0x82: {  	_ =	swait.ge [sflag:s15], $0x800  }
0x83: {  	s28 =	sadd.s32 $0x1000, s28;
	s29 =	sadd.s32 $0x20, s29;
	[sflag:s15] =	ssyncset.done $0x0  }
0x84: {  	[sflag:s15] =	ssyncadd.s32 $0xFFFFF800  }
0x85: {  	_ =	swait.ge [sflag:s23], $0x800  }
0x86: {  	[sflag:s23] =	ssyncset.done $0x0  }
0x87: {  	[sflag:s23] =	ssyncadd.s32 $0xFFFFF800  }
0x88: {  	_ =	swait.ge [sflag:s23], $0x800  }
0x89: {  	[sflag:s23] =	ssyncset.done $0x0  }
0x8a: {  	[sflag:s23] =	ssyncadd.s32 $0xFFFFF800  }
0x8b: {  	[hbm4b:s8+s24] =	stream.strided.scatter [tilespmem:s17], [sflag:$0x3], $0x800, s16, s24, $0x38;
	[tilespmem:$0x2200] =	vst v63  }
0x8c: {  	s26 =	sadd.s32 $0x1, s26;
	_ =	swait.ge [sflag:s15], $0x800  }
0x8d: {  	p0 =	sne.s32 s26, s10;
	[sflag:s15] =	ssyncset.done $0x0  }
.Ltmp1:
0x8e: {  	[sflag:s15] =	ssyncadd.s32 $0xFFFFF800;
	(pc) =	sbr.rel @p0 .LBB2_1-.Ltmp1, $4  }
0x8f: {  	[hbm4b:s9+s24] =	stream.strided.scatter [tilespmem:s18], [sflag:$0x3], $0x800, s16, s24, $0x38;
	[tilespmem:$0x2200] =	vst v63  }
0x90: {  	_ =	swait.ge [sflag:s15], $0x800  }
0x91: {  	[sflag:s15] =	ssyncset.done $0x0  }
0x92: {  	[sflag:s15] =	ssyncadd.s32 $0xFFFFF800  }
0x93: {  	_ =	sfence.sel $0x180000  }
0x94: {  	[bflag:$0x0] =	sbarrier.arrive $0xFFFF  }
0x95: {  	_ =	strace $0x90000047  }
0x96: {  	s0 =	stileid.u32;
	[bflag:$0x2] =	sbarrier.arrive $0xFFFF  }
0x97: {  	p0 =	sne.s32 s0, $0x0;
	s0 =	rddreg [dreg:$0x1]  }
0x98: {  	s0 =	sadd.s32 @!p0 $0x100000, s0  }
0x99: {  	[sflag:s0] =	ssyncadd.tile.s32 @!p0 $0x1;
	_ =	shalt  }
.Lfunc_end2:
_tile_overlayer_lowered:
.L_overlay_start_2:
0x9a: {  	(tag) =	ssettag $0x2  }
0x9b: {  	s0 =	rddreg [dreg:$0x0];
	s2 =	stileid.u32  }
0x9c: {  	s1 =	rddreg [dreg:$0x1];
	p0 =	sne.s32 s2, $0x0  }
0x9d: {  	s3 =	rddreg [dreg:$0x2];
	[bflag:$0x3] =	sbarrier.arrive $0xFFFF;
	s2 =	simm.s32 @!p0 $0x1C03  }
0x9e: {  	[timem:s3], [sflag:s2] =	dma.local @!p0 [hbm:s0], s1  }
0x9f: {  	s0 =	simm.s32 @!p0 $0x3  }
0xa0: {  	_ =	swait.ge @!p0 [sflag:s0], s1  }
0xa1: {  	s1 =	ssub.s32 @!p0 $0x0, s1;
	[sflag:s0] =	ssyncset.done @!p0 $0x0  }
0xa2: {  	[sflag:s0] =	ssyncadd.s32 @!p0 s1  }
0xa3: {  	[bflag:$0x3] =	sbarrier.arrive $0xFFFF  }
0xa4: {  	_ =	shalt  }

// kernel: kernel.16.cloned.1.call-start
scs
__scs_entry_jumppad:
0x0: {  	(pc) =	sbr.rel $0x88, $3  }
0x1: {  	(tag) =	ssettag $0x0;
	lr =	simm.s32 $0x1  }
0x2: {  	[smem:$0x3F87] =	sst lr;
	_ =	strace $0xD0000000  }
0x3: {  	_ = 	snop  }
0x4: {  	_ = 	snop  }
0x5: {  	_ = 	snop  }
0x6: {  	_ = 	snop  }
0x7: {  	_ = 	snop  }
__scs_overlays_trampoline_lowered:
0x8: {  	[smem:$0x3F96] =	sst s0  }
0x9: {  	[smem:$0x3F97] =	sst s1  }
0xa: {  	[smem:$0x3F98] =	sst s2  }
0xb: {  	[smem:$0x3F99] =	sst s3  }
0xc: {  	[smem:$0x3F9A] =	sst s4  }
0xd: {  	[smem:$0x3F9B] =	sst s5  }
0xe: {  	[smem:$0x3F9C] =	sst s6  }
0xf: {  	[smem:$0x3F9D] =	sst s7  }
0x10: {  	[smem:$0x3F9E] =	sst s8  }
0x11: {  	[smem:$0x3F9F] =	sst s9;
	s0 =	simm.s32 @!p0 $0x0  }
0x12: {  	s1 =	sld [smem:$0x3F85];
	s0 =	simm.s32 @p0 $0x1  }
0x13: {  	[smem:$0x3FA0] =	sst s0;
	s0 =	simm.s32 @!p1 $0x0  }
0x14: {  	s2 =	sld [smem:$0x3F84];
	s0 =	simm.s32 @p1 $0x1  }
0x15: {  	[smem:$0x3FA1] =	sst s0;
	s0 =	simm.s32 @!p2 $0x0  }
0x16: {  	s3 =	sld [smem:$0x3FDB];
	s0 =	simm.s32 @p2 $0x1  }
0x17: {  	s4 =	simm.s32 $0x1BF5;
	[smem:$0x3FA3] =	sst s0  }
0x18: {  	s0 =	sld [smem:$0x3F86];
	_ =	swait.ge [sflag:s4], $0x0  }
0x19: {  	s7 =	sld [smem:$0x3F87]  }
0x1a: {  	s8 =	sadd.s32 $0xFFFFE003, lr  }
0x1b: {  	s9 =	sadd.s32 $0xFFFFFEF7, lr;
	s5 =	simm.s32 $0xFFFFFFFF;
	p2 =	slt.u32 s8, $0xFFFFF086  }
0x1c: {  	p1 =	slt.u32 s9, $0xF7A;
	s5 =	simm.s32 @!p2 $0x0  }
0x1d: {  	s5 =	simm.s32 @p1 $0x1;
	p0 =	seq.s32 s7, s2  }
0x1e: {  	s7 =	smul.u32 @!p0 $0xF7A, s2;
	p2 =	seq.s32 @!p0 s5, $0x0  }
0x1f: {  	s9 =	smul.u32 $0xF7A, s1;
	s8 =	simm.s32 @!p0 $0x1BF5;
	p2 =	por !p2, p0  }
0x20: {  	[sflag:s8] =	ssyncset.s32 @!p0 $0xFFFFF086;
	s6 =	sadd.s32 @!p0 s3, s7;
	s7 =	simm.s32 @!p0 $0x108  }
0x21: {  	s3 =	sadd.s32 s3, s9;
	s6 =	sadd.s32 @!p0 $0x88, s6;
	s7 =	simm.s32 @p2 $0x1082  }
0x22: {  	[simem:s7], [sflag:s8] =	dma.local @!p0 [hbm:s6], $0xF7A  }
0x23: {  	s9 =	sor.u32 $0xD0000000, s2;
	s6 =	simm.s32 $0x108;
	_ =	swait.ge @!p0 [sflag:s8], $0x0  }
0x24: {  	s3 =	sadd.s32 $0x88, s3;
	s6 =	simm.s32 @!p1 $0x1082;
	[sflag:s4] =	ssyncset.s32 $0xFFFFF086  }
0x25: {  	[simem:s6], [sflag:s4] =	dma.local [hbm:s3], $0xF7A  }
0x26: {  	[smem:$0x3F87] =	sst s1;
	(tag) =	ssettag s2;
	_ =	strace s9  }
0x27: {  	s1 =	sld [smem:$0x3F97]  }
0x28: {  	s2 =	sld [smem:$0x3F98]  }
0x29: {  	s4 =	sld [smem:$0x3F9A]  }
0x2a: {  	p0 =	seq.s32 s5, $0x0;
	s5 =	sld [smem:$0x3F9B]  }
0x2b: {  	s6 =	sld [smem:$0x3F9C]  }
0x2c: {  	s7 =	sld [smem:$0x3F9D]  }
0x2d: {  	s3 =	simm.s32 $0x108;
	s8 =	sld [smem:$0x3F9E]  }
0x2e: {  	s3 =	simm.s32 @!p0 $0x1082;
	s9 =	sld [smem:$0x3F9F]  }
0x2f: {  	lr =	sadd.s32 s0, s3;
	s0 =	sld [smem:$0x3F96]  }
0x30: {  	s3 =	sld [smem:$0x3F99]  }
0x31: {  	[smem:$0x3FA2] =	sst s10  }
0x32: {  	s10 =	sld [smem:$0x3FA0];
	_ =	sdelay $0x3  }
0x33: {  	p0 =	seq.s32 s10, $0x1;
	s10 =	sld [smem:$0x3FA2];
	_ =	sdelay $0x3  }
0x34: {  	[smem:$0x3FA2] =	sst s10  }
0x35: {  	s10 =	sld [smem:$0x3FA1];
	_ =	sdelay $0x3  }
0x36: {  	p1 =	seq.s32 s10, $0x1;
	s10 =	sld [smem:$0x3FA2];
	_ =	sdelay $0x3  }
0x37: {  	[smem:$0x3FA2] =	sst s10  }
0x38: {  	s10 =	sld [smem:$0x3FA3]  }
0x39: {  	_ = 	snop;
	(pc) =	sbr.ind lr, $3  }
0x3a: {  	_ = 	snop  }
0x3b: {  	_ = 	snop  }
0x3c: {  	p2 =	seq.s32 s10, $0x1;
	s10 =	sld [smem:$0x3FA2]  }
0x3d: {  	_ =	shalt  }
0x3e: {  	_ =	shalt  }
0x3f: {  	_ =	shalt  }
0x40: {  	_ =	shalt  }
0x41: {  	_ =	shalt  }
0x42: {  	_ =	shalt  }
0x43: {  	_ =	shalt  }
0x44: {  	_ =	shalt  }
0x45: {  	_ =	shalt  }
0x46: {  	_ =	shalt  }
0x47: {  	_ =	shalt  }
0x48: {  	_ =	shalt  }
0x49: {  	_ =	shalt  }
0x4a: {  	_ =	shalt  }
0x4b: {  	_ =	shalt  }
0x4c: {  	_ =	shalt  }
0x4d: {  	_ =	shalt  }
0x4e: {  	_ =	shalt  }
0x4f: {  	_ =	shalt  }
0x50: {  	_ =	shalt  }
0x51: {  	_ =	shalt  }
0x52: {  	_ =	shalt  }
0x53: {  	_ =	shalt  }
0x54: {  	_ =	shalt  }
0x55: {  	_ =	shalt  }
0x56: {  	_ =	shalt  }
0x57: {  	_ =	shalt  }
0x58: {  	_ =	shalt  }
0x59: {  	_ =	shalt  }
0x5a: {  	_ =	shalt  }
0x5b: {  	_ =	shalt  }
0x5c: {  	_ =	shalt  }
0x5d: {  	_ =	shalt  }
0x5e: {  	_ =	shalt  }
0x5f: {  	_ =	shalt  }
0x60: {  	_ =	shalt  }
0x61: {  	_ =	shalt  }
0x62: {  	_ =	shalt  }
0x63: {  	_ =	shalt  }
0x64: {  	_ =	shalt  }
0x65: {  	_ =	shalt  }
0x66: {  	_ =	shalt  }
0x67: {  	_ =	shalt  }
0x68: {  	_ =	shalt  }
0x69: {  	_ =	shalt  }
0x6a: {  	_ =	shalt  }
0x6b: {  	_ =	shalt  }
0x6c: {  	_ =	shalt  }
0x6d: {  	_ =	shalt  }
0x6e: {  	_ =	shalt  }
0x6f: {  	_ =	shalt  }
0x70: {  	_ =	shalt  }
0x71: {  	_ =	shalt  }
0x72: {  	_ =	shalt  }
0x73: {  	_ =	shalt  }
0x74: {  	_ =	shalt  }
0x75: {  	_ =	shalt  }
0x76: {  	_ =	shalt  }
0x77: {  	_ =	shalt  }
0x78: {  	_ =	shalt  }
0x79: {  	_ =	shalt  }
0x7a: {  	_ =	shalt  }
0x7b: {  	_ =	shalt  }
0x7c: {  	_ =	shalt  }
0x7d: {  	_ =	shalt  }
0x7e: {  	_ =	shalt  }
0x7f: {  	_ =	shalt  }
0x80: {  	_ =	shalt  }
0x81: {  	_ =	shalt  }
0x82: {  	_ =	shalt  }
0x83: {  	_ =	shalt  }
0x84: {  	_ =	shalt  }
0x85: {  	_ =	shalt  }
0x86: {  	_ =	shalt  }
0x87: {  	_ =	shalt  }
.Lfunc_end0:
.L_simem_size_0:
called_computation.1_lowered:
.L_overlay_start_0:
0x88: {  	s2 =	sld [smem:$0x3FD9]  }
0x89: {  	s3 =	sld [smem:$0x3FFE];
	_ =	sdelay $0x1  }
0x8a: {  	s1 =	srdreg.scid  }
0x8b: {  	s0 =	sand.u32 $0x1, s1  }
0x8c: {  	s17 =	sshll.u32 s0, $0xA;
	s2 =	sadd.s32 s3, s2  }
0x8d: {  	s2 =	sadd.s32 s2, s17  }
0x8e: {  	[smem:$0x3FAE] =	sst s2  }
0x8f: {  	_ = 	snop  }
0x90: {  	(tm) =	ssettm $0x1  }
0x91: {  	s18 =	sld [smem:$0x3FFB];
	_ =	sdelay $0x3  }
0x92: {  	_ =	strace s18  }
0x93: {  	s2 =	sld [smem:$0x3FFC];
	_ =	sdelay $0x3  }
0x94: {  	_ =	strace s2  }
0x95: {  	s2 =	sld [smem:$0x3FFD];
	_ =	sdelay $0x3  }
0x96: {  	_ =	strace s2  }
0x97: {  	_ =	strace $0x8FFFFFFF  }
0x98: {  	s19 =	sld [smem:$0x3FDB];
	_ =	sdelay $0x1  }
0x99: {  	s20 =	simm.s32 $_scs_section_size  }
0x9a: {  	s4 =	simm.s32 $_size__tile_overlayer_lowered;
	s5 =	simm.s32 $_tile_overlayer_lowered  }
0x9b: {  	s6 =	simm.s32 $0x1BFF;
	s21 =	sshll.u32 s5, $0x1;
	s3 =	sadd.s32 s20, s19  }
0x9c: {  	s22 =	simm.s32 $0x0;
	s4 =	sshll.u32 s4, $0x1;
	s5 =	sadd.s32 s21, s3  }
0x9d: {  	[timem:s22], [sflag:s6] =	dma.local [hbm:s5], s4  }
0x9e: {  	_ =	swait.ge [sflag:s6], s4  }
0x9f: {  	s4 =	ssub.s32 $0x0, s4;
	[sflag:s6] =	ssyncset.done $0x0  }
0xa0: {  	[sflag:s6] =	ssyncadd.s32 s4;
	_ =	sdelay $0x1  }
0xa1: {  	s23 =	simm.s32 $0x1B8B  }
0xa2: {  	_ =	swait.ge [sflag:s23], $0x1  }
0xa3: {  	[sflag:s23] =	ssyncset.done $0x0  }
0xa4: {  	[sflag:s23] =	ssyncadd.s32 $0xFFFFFFFF  }
0xa5: {  	s4 =	sld [smem:$0x0]  }
0xa6: {  	s5 =	sand.u32 $0xFFFFFFFE, s1  }
0xa7: {  	p0 =	sne.s32 s1, s5  }
0xa8: {  	s5 =	sshll.u32 @p0 s5, $0xE  }
0xa9: {  	s5 =	sadd.s32 @p0 $0x11B8D, s5;
	s6 =	sshll.u32 @p0 s4, $0x11  }
0xaa: {  	s5 =	sor.u32 @p0 s6, s5  }
0xab: {  	[sflag:s5] =	ssyncadd.remote.s32 @p0 $0x1;
	_ =	sdelay $0x1  }
0xac: {  	s5 =	simm.s32 @p0 $0x1B8D  }
0xad: {  	_ =	swait.eq @p0 [sflag:s5], $0x1  }
0xae: {  	[sflag:s5] =	ssyncadd.s32 @p0 $0xFFFFFFFF  }
0xaf: {  	s6 =	sshll.u32 @!p0 s1, $0xE  }
0xb0: {  	s6 =	sor.u32 @!p0 $0x4000, s6;
	s5 =	simm.s32 @!p0 $0x1B8D  }
0xb1: {  	s4 =	sshll.u32 @!p0 s4, $0x11;
	s6 =	sadd.s32 @!p0 $0x11B8D, s6;
	_ =	swait.eq @!p0 [sflag:s5], $0x1  }
0xb2: {  	s4 =	sor.u32 @!p0 s4, s6;
	[sflag:s5] =	ssyncadd.s32 @!p0 $0xFFFFFFFF  }
0xb3: {  	s25 =	simm.s32 $0x1B8E;
	s24 =	sld [smem:$0x3FFE];
	[sflag:s4] =	ssyncadd.remote.s32 @!p0 $0x1  }
0xb4: {  	s26 =	simm.s32 $execute0_lowered;
	[smem:$0x3FD2] =	sst s25  }
0xb5: {  	s5 =	sshll.u32 s26, $0x1;
	_ =	strace $0x80000049;
	[dreg:$0x1] =	wrdreg $0xFFFFFFFF  }
0xb6: {  	s28 =	simm.s32 $_size_execute0_lowered;
	s3 =	sadd.s32 s3, s5;
	[dreg:$0x0] =	wrdreg $0x0  }
0xb7: {  	s5 =	sshll.u32 s28, $0x1;
	[dreg:$0x2] =	wrdreg s3  }
0xb8: {  	[dreg:$0x3] =	wrdreg s5  }
0xb9: {  	[dreg:$0x4] =	wrdreg $0xC0  }
0xba: {  	_ =	task [dreg:s22], $0x5FFFF  }
0xbb: {  	[dreg:$0x1] =	wrdreg $0xFFFFFFFF  }
0xbc: {  	[dreg:$0x0] =	wrdreg $0x60  }
0xbd: {  	[dreg:$0x2] =	wrdreg s24  }
0xbe: {  	[dreg:$0x3] =	wrdreg $0xA  }
0xbf: {  	_ =	task.clear_ibuf [dreg:s22], $0x4FFFF;
	_ =	strace $0x90000049  }
0xc0: {  	s29 =	simm.s32 $0xA;
	_ =	strace $0x8000004B  }
0xc1: {  	_ =	swait.ge [sflag:s29], $0x1  }
0xc2: {  	[sflag:s29] =	ssyncadd.s32 $0xFFFFFFFF  }
0xc3: {  	_ =	strace $0x9000004B  }
0xc4: {  	_ =	sfence  }
0xc5: {  	s30 =	sld [smem:$0x0];
	_ =	sdelay $0x2  }
0xc6: {  	s31 =	sshll.u32 s1, $0xD;
	s1 =	sshrl.u32 s1, $0x2  }
0xc7: {  	s4 =	sand.u32 $0x4000, s31;
	s1 =	sadd.s32 s1, s30  }
0xc8: {  	s0 =	sor.u32 s4, s0;
	s1 =	sshll.u32 s1, $0x11  }
0xc9: {  	s0 =	sor.u32 s1, s0  }
0xca: {  	s0 =	sadd.s32 $0x8F2B, s0  }
0xcb: {  	[sflag:s0] =	ssyncadd.remote.s32 $0x1  }
0xcc: {  	_ =	sfence.sel $0xFFFF  }
0xcd: {  	[dreg:$0x0] =	wrdreg $0xFFFFFFFF;
	(pc) =	sbr.abs _section_cstart, $3  }
0xce: {  	[dreg:$0x1] =	wrdreg $0xFFFFFFFF  }
0xcf: {  	_ =	task.clear_ibuf [dreg:s22], $0x2FFFF;
	_ =	strace $0x9FFFFFFF  }
0xd0: {  	(tm) =	ssettm $0x7FFFFFFF  }
0xd1: {  	_ =	shalt  }
tec
execute0_lowered:
.L_overlay_start_1:
0x0: {  	(tag) =	ssettag $0x1  }
0x1: {  	s1 =	srdreg.scid  }
0x2: {  	s0 =	stileid.u32;
	s4 =	rddreg [dreg:$0x0]  }
0x3: {  	s2 =	simm.s32 $0x0;
	s10 =	simm.s32 $0x80;
	s11 =	simm.s32 $0x100  }
0x4: {  	s12 =	simm.s32 $0x2100;
	s13 =	simm.s32 $0x1;
	s14 =	simm.s32 $0x40  }
0x5: {  	s3 =	sand.u32 $0x1, s1;
	s5 =	smul.u32 $0x5100, s0;
	s1 =	rddreg [dreg:$0x1]  }
0x6: {  	s15 =	simm.s32 $0x0;
	[smem:$0x7FF] =	sst s2;
	s6 =	smul.u32 $0x2880, s3  }
0x7: {  	s28 =	smul.u32 $0x51000, s0;
	_ =	strace $0x8000004A;
	s7 =	ssub.s32 $0x2, s3  }
0x8: {  	s8 =	smul.u32 $0x28800, s3;
	s3 =	sadd.s32 $0x541A00, s4;
	s5 =	sadd.s32 s6, s5  }
0x9: {  	s29 =	sadd.s32 s28, s4;
	s30 =	sshrl.u32 s7, $0x1;
	s5 =	sshrl.u32 s5, $0x3  }
0xa: {  	s6 =	ssub.s32 s7, s30;
	s31 =	sadd.s32 s8, s29;
	s9 =	sadd.s32 s5, s4  }
0xb: {  	s4 =	sadd.s32 $0x52E000, s4;
	s5 =	smax.u32 s6, $0x1;
	s6 =	sadd.s32 $0x555408, s31  }
0xc: {  	s7 =	sadd.s32 $0x4400, s9;
	s8 =	sadd.s32 $0xE600, s9;
	s9 =	simm.s32 $0x2  }
.LBB2_1:
0xd: {  	s16 =	sadd.s32 $0x0, s8  }
0xe: {  	[tilespmem:s2], [sflag:$0x2] =	stream.linear.gather [hbm4b:s16+s2], $0x80, $0x38;
	[tilespmem:$0x4100] =	vst v63  }
0xf: {  	_ =	swait.ge [sflag:s9], $0x80  }
0x10: {  	[sflag:s9] =	ssyncset.done $0x0  }
0x11: {  	s30 =	sadd.s32 $0x0, s7;
	[sflag:s9] =	ssyncadd.s32 $0xFFFFFF80  }
0x12: {  	[tilespmem:s10], [sflag:$0x2] =	stream.linear.gather [hbm4b:s30+s2], $0x80, $0x38;
	[tilespmem:$0x4100] =	vst v63  }
0x13: {  	_ =	swait.ge [sflag:s9], $0x80  }
0x14: {  	[sflag:s9] =	ssyncset.done $0x0  }
0x15: {  	[sflag:s9] =	ssyncadd.s32 $0xFFFFFF80  }
0x16: {  	[tilespmem:s11], [sflag:$0x1] =	stream.indirect.gather [hbm4b:s3+s10], $0x40, s2, s10, $0xb8;
	[tilespmem:$0x4100] =	vst v63  }
0x17: {  	_ = 	snop  }
0x18: {  	[tilespmem:s12], [sflag:$0x1] =	stream.indirect.gather [hbm4b:s4+s10], $0x40, s10, s10, $0xb8;
	[tilespmem:$0x4100] =	vst v63  }
0x19: {  	_ =	swait.ge [sflag:s13], $0x2000  }
0x1a: {  	[sflag:s13] =	ssyncset.done $0x0  }
0x1b: {  	[sflag:s13] =	ssyncadd.s32 $0xFFFFE000  }
0x1c: {  	_ =	swait.ge [sflag:s13], $0x2000  }
0x1d: {  	[sflag:s13] =	ssyncset.done $0x0  }
0x1e: {  	s31 =	sadd.s32 $0xFFFFFFF8, s6;
	[sflag:s13] =	ssyncadd.s32 $0xFFFFE000  }
0x1f: {  	[hbm4b:s31+s14] =	stream.strided.scatter [tilespmem:s11], [sflag:$0x2], $0x2000, s10, s14, $0x38;
	[tilespmem:$0x4100] =	vst v63  }
0x20: {  	_ =	swait.ge [sflag:s9], $0x2000  }
0x21: {  	[sflag:s9] =	ssyncset.done $0x0  }
0x22: {  	[sflag:s9] =	ssyncadd.s32 $0xFFFFE000  }
0x23: {  	[hbm4b:s6+s14] =	stream.strided.scatter [tilespmem:s12], [sflag:$0x2], $0x2000, s10, s14, $0x38;
	[tilespmem:$0x4100] =	vst v63  }
0x24: {  	s17 =	simm.s32 $0x10;
	_ =	swait.ge [sflag:s9], $0x2000  }
0x25: {  	s18 =	simm.s32 $0x20;
	s16 =	sadd.s32 $0x800, s6;
	[sflag:s9] =	ssyncset.done $0x0  }
.LBB2_2:
0x26: {  	s19 =	sadd.s32 s17, s8  }
0x27: {  	[sflag:s9] =	ssyncadd.s32 $0xFFFFE000;
	s20 =	smov.u32 s18;
	s21 =	sadd.s32 $0x10, s18  }
0x28: {  	[tilespmem:s2], [sflag:$0x2] =	stream.linear.gather [hbm4b:s19+s2], $0x80, $0x38;
	[tilespmem:$0x4100] =	vst v63  }
0x29: {  	p0 =	sne.s32 s18, $0x500;
	_ =	swait.ge [sflag:s9], $0x80  }
0x2a: {  	[sflag:s9] =	ssyncset.done $0x0  }
0x2b: {  	s18 =	sadd.s32 s17, s7;
	s17 =	smov.u32 s20;
	[sflag:s9] =	ssyncadd.s32 $0xFFFFFF80  }
0x2c: {  	[tilespmem:s10], [sflag:$0x2] =	stream.linear.gather [hbm4b:s18+s2], $0x80, $0x38;
	[tilespmem:$0x4100] =	vst v63  }
0x2d: {  	_ =	swait.ge [sflag:s9], $0x80  }
0x2e: {  	[sflag:s9] =	ssyncset.done $0x0  }
0x2f: {  	[sflag:s9] =	ssyncadd.s32 $0xFFFFFF80  }
0x30: {  	[tilespmem:s11], [sflag:$0x1] =	stream.indirect.gather [hbm4b:s3+s10], $0x40, s2, s10, $0xb8;
	[tilespmem:$0x4100] =	vst v63  }
0x31: {  	_ = 	snop  }
0x32: {  	[tilespmem:s12], [sflag:$0x1] =	stream.indirect.gather [hbm4b:s4+s10], $0x40, s10, s10, $0xb8;
	[tilespmem:$0x4100] =	vst v63  }
0x33: {  	_ =	swait.ge [sflag:s13], $0x2000  }
0x34: {  	[sflag:s13] =	ssyncset.done $0x0  }
0x35: {  	[sflag:s13] =	ssyncadd.s32 $0xFFFFE000  }
0x36: {  	_ =	swait.ge [sflag:s13], $0x2000  }
0x37: {  	[sflag:s13] =	ssyncset.done $0x0  }
0x38: {  	s18 =	sadd.s32 $0xFFFFFFF8, s16;
	[sflag:s13] =	ssyncadd.s32 $0xFFFFE000  }
0x39: {  	[hbm4b:s18+s14] =	stream.strided.scatter [tilespmem:s11], [sflag:$0x2], $0x2000, s10, s14, $0x38;
	[tilespmem:$0x4100] =	vst v63  }
0x3a: {  	_ =	swait.ge [sflag:s9], $0x2000  }
.Ltmp0:
0x3b: {  	[sflag:s9] =	ssyncset.done $0x0;
	(pc) =	sbr.rel @p0 .LBB2_2-.Ltmp0, $4  }
0x3c: {  	[sflag:s9] =	ssyncadd.s32 $0xFFFFE000  }
0x3d: {  	[hbm4b:s16+s14] =	stream.strided.scatter [tilespmem:s12], [sflag:$0x2], $0x2000, s10, s14, $0x38;
	[tilespmem:$0x4100] =	vst v63  }
0x3e: {  	_ =	swait.ge [sflag:s9], $0x2000  }
0x3f: {  	s18 =	smov.u32 s21;
	s16 =	sadd.s32 $0x800, s16;
	[sflag:s9] =	ssyncset.done $0x0  }
0x40: {  	s18 =	sadd.s32 s17, s8;
	[sflag:s9] =	ssyncadd.s32 $0xFFFFE000  }
0x41: {  	[tilespmem:s2], [sflag:$0x2] =	stream.linear.gather [hbm4b:s18+s2], $0x80, $0x38;
	[tilespmem:$0x4100] =	vst v63  }
0x42: {  	_ =	swait.ge [sflag:s9], $0x80  }
0x43: {  	[sflag:s9] =	ssyncset.done $0x0  }
0x44: {  	s30 =	sadd.s32 s17, s7;
	[sflag:s9] =	ssyncadd.s32 $0xFFFFFF80  }
0x45: {  	[tilespmem:s10], [sflag:$0x2] =	stream.linear.gather [hbm4b:s30+s2], $0x80, $0x38;
	[tilespmem:$0x4100] =	vst v63  }
0x46: {  	_ =	swait.ge [sflag:s9], $0x80  }
0x47: {  	[sflag:s9] =	ssyncset.done $0x0  }
0x48: {  	[sflag:s9] =	ssyncadd.s32 $0xFFFFFF80  }
0x49: {  	[tilespmem:s11], [sflag:$0x1] =	stream.indirect.gather [hbm4b:s3+s10], $0x40, s2, s10, $0xb8;
	[tilespmem:$0x4100] =	vst v63  }
0x4a: {  	_ = 	snop  }
0x4b: {  	[tilespmem:s12], [sflag:$0x1] =	stream.indirect.gather [hbm4b:s4+s10], $0x40, s10, s10, $0xb8;
	[tilespmem:$0x4100] =	vst v63  }
0x4c: {  	_ =	swait.ge [sflag:s13], $0x2000  }
0x4d: {  	[sflag:s13] =	ssyncset.done $0x0  }
0x4e: {  	[sflag:s13] =	ssyncadd.s32 $0xFFFFE000  }
0x4f: {  	_ =	swait.ge [sflag:s13], $0x2000  }
0x50: {  	[sflag:s13] =	ssyncset.done $0x0  }
0x51: {  	s31 =	sadd.s32 $0xFFFFFFF8, s16;
	[sflag:s13] =	ssyncadd.s32 $0xFFFFE000  }
0x52: {  	[hbm4b:s31+s14] =	stream.strided.scatter [tilespmem:s11], [sflag:$0x2], $0x2000, s10, s14, $0x38;
	[tilespmem:$0x4100] =	vst v63  }
0x53: {  	s15 =	sadd.s32 $0x1, s15;
	_ =	swait.ge [sflag:s9], $0x2000  }
0x54: {  	p0 =	sne.s32 s15, s5;
	[sflag:s9] =	ssyncset.done $0x0  }
.Ltmp1:
0x55: {  	[sflag:s9] =	ssyncadd.s32 $0xFFFFE000;
	(pc) =	sbr.rel @p0 .LBB2_1-.Ltmp1, $4  }
0x56: {  	[hbm4b:s16+s14] =	stream.strided.scatter [tilespmem:s12], [sflag:$0x2], $0x2000, s10, s14, $0x38;
	[tilespmem:$0x4100] =	vst v63  }
0x57: {  	_ =	swait.ge [sflag:s9], $0x2000  }
0x58: {  	[sflag:s9] =	ssyncset.done $0x0  }
0x59: {  	[sflag:s9] =	ssyncadd.s32 $0xFFFFE000  }
0x5a: {  	_ =	sfence.sel $0x180000  }
0x5b: {  	[bflag:$0x0] =	sbarrier.arrive $0xFFFF  }
0x5c: {  	p0 =	sne.s32 s0, $0x0;
	_ =	strace $0x9000004A  }
0x5d: {  	s0 =	sadd.s32 @!p0 $0x100000, s1;
	[bflag:$0x2] =	sbarrier.arrive $0xFFFF  }
0x5e: {  	[sflag:s0] =	ssyncadd.tile.s32 @!p0 $0x1;
	_ =	shalt  }
.Lfunc_end2:
_tile_overlayer_lowered:
.L_overlay_start_2:
0x5f: {  	(tag) =	ssettag $0x2  }
0x60: {  	s0 =	rddreg [dreg:$0x0];
	s2 =	stileid.u32  }
0x61: {  	s1 =	rddreg [dreg:$0x1];
	p0 =	sne.s32 s2, $0x0  }
0x62: {  	s3 =	rddreg [dreg:$0x2];
	[bflag:$0x3] =	sbarrier.arrive $0xFFFF;
	s2 =	simm.s32 @!p0 $0x1C02  }
0x63: {  	[timem:s3], [sflag:s2] =	dma.local @!p0 [hbm:s0], s1  }
0x64: {  	s0 =	simm.s32 @!p0 $0x2  }
0x65: {  	_ =	swait.ge @!p0 [sflag:s0], s1  }
0x66: {  	s1 =	ssub.s32 @!p0 $0x0, s1;
	[sflag:s0] =	ssyncset.done @!p0 $0x0  }
0x67: {  	[sflag:s0] =	ssyncadd.s32 @!p0 s1  }
0x68: {  	[bflag:$0x3] =	sbarrier.arrive $0xFFFF  }
0x69: {  	_ =	shalt  }

// kernel: kernel.19.cloned.1.call-start
scs
__scs_entry_jumppad:
0x0: {  	(pc) =	sbr.rel $0x88, $3  }
0x1: {  	(tag) =	ssettag $0x0;
	lr =	simm.s32 $0x1  }
0x2: {  	[smem:$0x3F87] =	sst lr;
	_ =	strace $0xD0000000  }
0x3: {  	_ = 	snop  }
0x4: {  	_ = 	snop  }
0x5: {  	_ = 	snop  }
0x6: {  	_ = 	snop  }
0x7: {  	_ = 	snop  }
__scs_overlays_trampoline_lowered:
0x8: {  	[smem:$0x3F96] =	sst s0  }
0x9: {  	[smem:$0x3F97] =	sst s1  }
0xa: {  	[smem:$0x3F98] =	sst s2  }
0xb: {  	[smem:$0x3F99] =	sst s3  }
0xc: {  	[smem:$0x3F9A] =	sst s4  }
0xd: {  	[smem:$0x3F9B] =	sst s5  }
0xe: {  	[smem:$0x3F9C] =	sst s6  }
0xf: {  	[smem:$0x3F9D] =	sst s7  }
0x10: {  	[smem:$0x3F9E] =	sst s8  }
0x11: {  	[smem:$0x3F9F] =	sst s9;
	s0 =	simm.s32 @!p0 $0x0  }
0x12: {  	s1 =	sld [smem:$0x3F85];
	s0 =	simm.s32 @p0 $0x1  }
0x13: {  	[smem:$0x3FA0] =	sst s0;
	s0 =	simm.s32 @!p1 $0x0  }
0x14: {  	s2 =	sld [smem:$0x3F84];
	s0 =	simm.s32 @p1 $0x1  }
0x15: {  	[smem:$0x3FA1] =	sst s0;
	s0 =	simm.s32 @!p2 $0x0  }
0x16: {  	s3 =	sld [smem:$0x3FDB];
	s0 =	simm.s32 @p2 $0x1  }
0x17: {  	s4 =	simm.s32 $0x1BF5;
	[smem:$0x3FA3] =	sst s0  }
0x18: {  	s0 =	sld [smem:$0x3F86];
	_ =	swait.ge [sflag:s4], $0x0  }
0x19: {  	s7 =	sld [smem:$0x3F87]  }
0x1a: {  	s8 =	sadd.s32 $0xFFFFE003, lr  }
0x1b: {  	s9 =	sadd.s32 $0xFFFFFEF7, lr;
	s5 =	simm.s32 $0xFFFFFFFF;
	p2 =	slt.u32 s8, $0xFFFFF086  }
0x1c: {  	p1 =	slt.u32 s9, $0xF7A;
	s5 =	simm.s32 @!p2 $0x0  }
0x1d: {  	s5 =	simm.s32 @p1 $0x1;
	p0 =	seq.s32 s7, s2  }
0x1e: {  	s7 =	smul.u32 @!p0 $0xF7A, s2;
	p2 =	seq.s32 @!p0 s5, $0x0  }
0x1f: {  	s9 =	smul.u32 $0xF7A, s1;
	s8 =	simm.s32 @!p0 $0x1BF5;
	p2 =	por !p2, p0  }
0x20: {  	[sflag:s8] =	ssyncset.s32 @!p0 $0xFFFFF086;
	s6 =	sadd.s32 @!p0 s3, s7;
	s7 =	simm.s32 @!p0 $0x108  }
0x21: {  	s3 =	sadd.s32 s3, s9;
	s6 =	sadd.s32 @!p0 $0x88, s6;
	s7 =	simm.s32 @p2 $0x1082  }
0x22: {  	[simem:s7], [sflag:s8] =	dma.local @!p0 [hbm:s6], $0xF7A  }
0x23: {  	s9 =	sor.u32 $0xD0000000, s2;
	s6 =	simm.s32 $0x108;
	_ =	swait.ge @!p0 [sflag:s8], $0x0  }
0x24: {  	s3 =	sadd.s32 $0x88, s3;
	s6 =	simm.s32 @!p1 $0x1082;
	[sflag:s4] =	ssyncset.s32 $0xFFFFF086  }
0x25: {  	[simem:s6], [sflag:s4] =	dma.local [hbm:s3], $0xF7A  }
0x26: {  	[smem:$0x3F87] =	sst s1;
	(tag) =	ssettag s2;
	_ =	strace s9  }
0x27: {  	s1 =	sld [smem:$0x3F97]  }
0x28: {  	s2 =	sld [smem:$0x3F98]  }
0x29: {  	s4 =	sld [smem:$0x3F9A]  }
0x2a: {  	p0 =	seq.s32 s5, $0x0;
	s5 =	sld [smem:$0x3F9B]  }
0x2b: {  	s6 =	sld [smem:$0x3F9C]  }
0x2c: {  	s7 =	sld [smem:$0x3F9D]  }
0x2d: {  	s3 =	simm.s32 $0x108;
	s8 =	sld [smem:$0x3F9E]  }
0x2e: {  	s3 =	simm.s32 @!p0 $0x1082;
	s9 =	sld [smem:$0x3F9F]  }
0x2f: {  	lr =	sadd.s32 s0, s3;
	s0 =	sld [smem:$0x3F96]  }
0x30: {  	s3 =	sld [smem:$0x3F99]  }
0x31: {  	[smem:$0x3FA2] =	sst s10  }
0x32: {  	s10 =	sld [smem:$0x3FA0];
	_ =	sdelay $0x3  }
0x33: {  	p0 =	seq.s32 s10, $0x1;
	s10 =	sld [smem:$0x3FA2];
	_ =	sdelay $0x3  }
0x34: {  	[smem:$0x3FA2] =	sst s10  }
0x35: {  	s10 =	sld [smem:$0x3FA1];
	_ =	sdelay $0x3  }
0x36: {  	p1 =	seq.s32 s10, $0x1;
	s10 =	sld [smem:$0x3FA2];
	_ =	sdelay $0x3  }
0x37: {  	[smem:$0x3FA2] =	sst s10  }
0x38: {  	s10 =	sld [smem:$0x3FA3]  }
0x39: {  	_ = 	snop;
	(pc) =	sbr.ind lr, $3  }
0x3a: {  	_ = 	snop  }
0x3b: {  	_ = 	snop  }
0x3c: {  	p2 =	seq.s32 s10, $0x1;
	s10 =	sld [smem:$0x3FA2]  }
0x3d: {  	_ =	shalt  }
0x3e: {  	_ =	shalt  }
0x3f: {  	_ =	shalt  }
0x40: {  	_ =	shalt  }
0x41: {  	_ =	shalt  }
0x42: {  	_ =	shalt  }
0x43: {  	_ =	shalt  }
0x44: {  	_ =	shalt  }
0x45: {  	_ =	shalt  }
0x46: {  	_ =	shalt  }
0x47: {  	_ =	shalt  }
0x48: {  	_ =	shalt  }
0x49: {  	_ =	shalt  }
0x4a: {  	_ =	shalt  }
0x4b: {  	_ =	shalt  }
0x4c: {  	_ =	shalt  }
0x4d: {  	_ =	shalt  }
0x4e: {  	_ =	shalt  }
0x4f: {  	_ =	shalt  }
0x50: {  	_ =	shalt  }
0x51: {  	_ =	shalt  }
0x52: {  	_ =	shalt  }
0x53: {  	_ =	shalt  }
0x54: {  	_ =	shalt  }
0x55: {  	_ =	shalt  }
0x56: {  	_ =	shalt  }
0x57: {  	_ =	shalt  }
0x58: {  	_ =	shalt  }
0x59: {  	_ =	shalt  }
0x5a: {  	_ =	shalt  }
0x5b: {  	_ =	shalt  }
0x5c: {  	_ =	shalt  }
0x5d: {  	_ =	shalt  }
0x5e: {  	_ =	shalt  }
0x5f: {  	_ =	shalt  }
0x60: {  	_ =	shalt  }
0x61: {  	_ =	shalt  }
0x62: {  	_ =	shalt  }
0x63: {  	_ =	shalt  }
0x64: {  	_ =	shalt  }
0x65: {  	_ =	shalt  }
0x66: {  	_ =	shalt  }
0x67: {  	_ =	shalt  }
0x68: {  	_ =	shalt  }
0x69: {  	_ =	shalt  }
0x6a: {  	_ =	shalt  }
0x6b: {  	_ =	shalt  }
0x6c: {  	_ =	shalt  }
0x6d: {  	_ =	shalt  }
0x6e: {  	_ =	shalt  }
0x6f: {  	_ =	shalt  }
0x70: {  	_ =	shalt  }
0x71: {  	_ =	shalt  }
0x72: {  	_ =	shalt  }
0x73: {  	_ =	shalt  }
0x74: {  	_ =	shalt  }
0x75: {  	_ =	shalt  }
0x76: {  	_ =	shalt  }
0x77: {  	_ =	shalt  }
0x78: {  	_ =	shalt  }
0x79: {  	_ =	shalt  }
0x7a: {  	_ =	shalt  }
0x7b: {  	_ =	shalt  }
0x7c: {  	_ =	shalt  }
0x7d: {  	_ =	shalt  }
0x7e: {  	_ =	shalt  }
0x7f: {  	_ =	shalt  }
0x80: {  	_ =	shalt  }
0x81: {  	_ =	shalt  }
0x82: {  	_ =	shalt  }
0x83: {  	_ =	shalt  }
0x84: {  	_ =	shalt  }
0x85: {  	_ =	shalt  }
0x86: {  	_ =	shalt  }
0x87: {  	_ =	shalt  }
.Lfunc_end0:
.L_simem_size_0:
called_computation.2_lowered:
.L_overlay_start_0:
0x88: {  	s2 =	sld [smem:$0x3FD9]  }
0x89: {  	s3 =	sld [smem:$0x3FFE];
	_ =	sdelay $0x1  }
0x8a: {  	s1 =	srdreg.scid  }
0x8b: {  	s0 =	sand.u32 $0x1, s1  }
0x8c: {  	s17 =	sshll.u32 s0, $0xA;
	s2 =	sadd.s32 s3, s2  }
0x8d: {  	s2 =	sadd.s32 s2, s17  }
0x8e: {  	[smem:$0x3FAE] =	sst s2  }
0x8f: {  	_ = 	snop  }
0x90: {  	s18 =	sld [smem:$0x3FD0];
	(tm) =	ssettm $0x1  }
0x91: {  	s19 =	sld [smem:$0x3FFB];
	_ =	sdelay $0x3  }
0x92: {  	_ =	strace s19  }
0x93: {  	s2 =	sld [smem:$0x3FFC];
	_ =	sdelay $0x3  }
0x94: {  	_ =	strace s2  }
0x95: {  	s2 =	sld [smem:$0x3FFD];
	_ =	sdelay $0x3  }
0x96: {  	_ =	strace s2  }
0x97: {  	_ =	strace $0x8FFFFFFF  }
0x98: {  	s20 =	sld [smem:$0x3FDB];
	_ =	sdelay $0x1  }
0x99: {  	s4 =	simm.s32 $_scs_section_size  }
0x9a: {  	s5 =	simm.s32 $_size__tile_overlayer_lowered;
	s6 =	simm.s32 $_tile_overlayer_lowered  }
0x9b: {  	s7 =	simm.s32 $0x1BFF;
	s21 =	sshll.u32 s6, $0x1;
	s4 =	sadd.s32 s4, s20  }
0x9c: {  	s22 =	simm.s32 $0x0;
	s5 =	sshll.u32 s5, $0x1;
	s6 =	sadd.s32 s21, s4  }
0x9d: {  	[timem:s22], [sflag:s7] =	dma.local [hbm:s6], s5  }
0x9e: {  	_ =	swait.ge [sflag:s7], s5  }
0x9f: {  	s5 =	ssub.s32 $0x0, s5;
	[sflag:s7] =	ssyncset.done $0x0  }
0xa0: {  	[sflag:s7] =	ssyncadd.s32 s5;
	_ =	sdelay $0x1  }
0xa1: {  	s23 =	simm.s32 $0x1B8B  }
0xa2: {  	_ =	swait.ge [sflag:s23], $0x1  }
0xa3: {  	[sflag:s23] =	ssyncset.done $0x0  }
0xa4: {  	[sflag:s23] =	ssyncadd.s32 $0xFFFFFFFF  }
0xa5: {  	s5 =	sld [smem:$0x0]  }
0xa6: {  	s6 =	sand.u32 $0xFFFFFFFE, s1  }
0xa7: {  	p0 =	sne.s32 s1, s6  }
0xa8: {  	s6 =	sshll.u32 @p0 s6, $0xE  }
0xa9: {  	s6 =	sadd.s32 @p0 $0x11B8D, s6;
	s7 =	sshll.u32 @p0 s5, $0x11  }
0xaa: {  	s6 =	sor.u32 @p0 s7, s6  }
0xab: {  	[sflag:s6] =	ssyncadd.remote.s32 @p0 $0x1;
	_ =	sdelay $0x1  }
0xac: {  	s6 =	simm.s32 @p0 $0x1B8D  }
0xad: {  	_ =	swait.eq @p0 [sflag:s6], $0x1  }
0xae: {  	[sflag:s6] =	ssyncadd.s32 @p0 $0xFFFFFFFF  }
0xaf: {  	s7 =	sshll.u32 @!p0 s1, $0xE  }
0xb0: {  	s7 =	sor.u32 @!p0 $0x4000, s7;
	s6 =	simm.s32 @!p0 $0x1B8D  }
0xb1: {  	s5 =	sshll.u32 @!p0 s5, $0x11;
	s7 =	sadd.s32 @!p0 $0x11B8D, s7;
	_ =	swait.eq @!p0 [sflag:s6], $0x1  }
0xb2: {  	s5 =	sor.u32 @!p0 s5, s7;
	[sflag:s6] =	ssyncadd.s32 @!p0 $0xFFFFFFFF  }
0xb3: {  	s25 =	simm.s32 $0x1B8E;
	s24 =	sld [smem:$0x3FFE];
	[sflag:s5] =	ssyncadd.remote.s32 @!p0 $0x1  }
0xb4: {  	s26 =	simm.s32 $execute0_lowered;
	[smem:$0x3FD2] =	sst s25  }
0xb5: {  	s6 =	sshll.u32 s26, $0x1;
	_ =	strace $0x8000004C;
	[dreg:$0x1] =	wrdreg $0xFFFFFFFF  }
0xb6: {  	s28 =	simm.s32 $_size_execute0_lowered;
	s4 =	sadd.s32 s4, s6;
	[dreg:$0x0] =	wrdreg $0x0  }
0xb7: {  	s6 =	sshll.u32 s28, $0x1;
	[dreg:$0x2] =	wrdreg s4  }
0xb8: {  	[dreg:$0x3] =	wrdreg s6  }
0xb9: {  	[dreg:$0x4] =	wrdreg $0xC0  }
0xba: {  	_ =	task [dreg:s22], $0x5FFFF  }
0xbb: {  	[dreg:$0x1] =	wrdreg $0xFFFFFFFF  }
0xbc: {  	[dreg:$0x0] =	wrdreg $0x60  }
0xbd: {  	[dreg:$0x2] =	wrdreg s24  }
0xbe: {  	[dreg:$0x3] =	wrdreg s18  }
0xbf: {  	[dreg:$0x4] =	wrdreg $0xB  }
0xc0: {  	_ =	task.clear_ibuf [dreg:s22], $0x5FFFF;
	_ =	strace $0x9000004C  }
0xc1: {  	s29 =	simm.s32 $0xB;
	_ =	strace $0x8000004E  }
0xc2: {  	_ =	swait.ge [sflag:s29], $0x1  }
0xc3: {  	[sflag:s29] =	ssyncadd.s32 $0xFFFFFFFF  }
0xc4: {  	_ =	strace $0x9000004E  }
0xc5: {  	_ =	sfence  }
0xc6: {  	s30 =	sld [smem:$0x0];
	_ =	sdelay $0x2  }
0xc7: {  	s31 =	sshll.u32 s1, $0xD;
	s1 =	sshrl.u32 s1, $0x2  }
0xc8: {  	s4 =	sand.u32 $0x4000, s31;
	s1 =	sadd.s32 s1, s30  }
0xc9: {  	s0 =	sor.u32 s4, s0;
	s1 =	sshll.u32 s1, $0x11  }
0xca: {  	s0 =	sor.u32 s1, s0  }
0xcb: {  	s0 =	sadd.s32 $0x8F2B, s0  }
0xcc: {  	[sflag:s0] =	ssyncadd.remote.s32 $0x1  }
0xcd: {  	_ =	sfence.sel $0xFFFF  }
0xce: {  	[dreg:$0x0] =	wrdreg $0xFFFFFFFF;
	(pc) =	sbr.abs _section_cstart, $3  }
0xcf: {  	[dreg:$0x1] =	wrdreg $0xFFFFFFFF  }
0xd0: {  	_ =	task.clear_ibuf [dreg:s22], $0x2FFFF;
	_ =	strace $0x9FFFFFFF  }
0xd1: {  	(tm) =	ssettm $0x7FFFFFFF  }
tec
execute0_lowered:
.L_overlay_start_1:
0x0: {  	(tag) =	ssettag $0x1  }
0x1: {  	s4 =	rddreg [dreg:$0x0]  }
0x2: {  	s2 =	rddreg [dreg:$0x1]  }
0x3: {  	s0 =	rddreg [dreg:$0x2];
	s1 =	stileid.u32  }
0x4: {  	s5 =	srdreg.scid;
	s3 =	simm.s32 $0x0;
	s6 =	smul.u32 $0x5100, s1  }
0x5: {  	s10 =	simm.s32 $0x0;
	s5 =	sand.u32 $0x1, s5;
	s8 =	smul.u32 $0x51000, s1  }
0x6: {  	[smem:$0x7FF] =	sst s3;
	s7 =	smul.u32 $0x2880, s5;
	s9 =	ssub.s32 $0x2, s5  }
0x7: {  	_ =	strace $0x8000004D;
	s5 =	smul.u32 $0x28800, s5;
	s31 =	sshrl.u32 s9, $0x1  }
0x8: {  	s8 =	sadd.s32 s8, s4;
	s6 =	sadd.s32 s7, s6;
	s7 =	ssub.s32 s9, s31  }
0x9: {  	s5 =	sadd.s32 s5, s8;
	s8 =	simm.s32 $0x80;
	s6 =	sshrl.u32 s6, $0x3  }
0xa: {  	s9 =	simm.s32 $0x1;
	s5 =	sadd.s32 $0xA65400, s5;
	s6 =	sadd.s32 s6, s4  }
0xb: {  	s4 =	smax.u32 s7, $0x1;
	s7 =	simm.s32 $0x2;
	s6 =	sadd.s32 $0xE600, s6  }
.LBB2_1:
0xc: {  	s11 =	sadd.s32 $0x0, s6  }
0xd: {  	[tilespmem:s3], [sflag:$0x2] =	stream.linear.gather [hbm4b:s11+s3], $0x80, $0x38;
	[tilespmem:$0x4080] =	vst v63  }
0xe: {  	_ =	swait.ge [sflag:s7], $0x80  }
0xf: {  	[sflag:s7] =	ssyncset.done $0x0  }
0x10: {  	[sflag:s7] =	ssyncadd.s32 $0xFFFFFF80  }
0x11: {  	[tilespmem:s8], [sflag:$0x1] =	stream.indirect.gather [hbm4b:s2+s8], $0x80, s3, s8, $0xb8;
	[tilespmem:$0x4080] =	vst v63  }
0x12: {  	_ =	swait.ge [sflag:s9], $0x4000  }
0x13: {  	[sflag:s9] =	ssyncset.done $0x0  }
0x14: {  	[sflag:s9] =	ssyncadd.s32 $0xFFFFC000  }
0x15: {  	[hbm4b:s5+s3] =	stream.linear.scatter [tilespmem:s8], [sflag:$0x2], $0x4000, $0x38;
	[tilespmem:$0x4080] =	vst v63  }
0x16: {  	s12 =	simm.s32 $0x10;
	_ =	swait.ge [sflag:s7], $0x4000  }
0x17: {  	s13 =	simm.s32 $0x20;
	s11 =	sadd.s32 $0x800, s5;
	[sflag:s7] =	ssyncset.done $0x0  }
.LBB2_2:
0x18: {  	s14 =	sadd.s32 s12, s6  }
0x19: {  	[sflag:s7] =	ssyncadd.s32 $0xFFFFC000;
	s12 =	smov.u32 s13;
	s15 =	sadd.s32 $0x10, s13  }
0x1a: {  	[tilespmem:s3], [sflag:$0x2] =	stream.linear.gather [hbm4b:s14+s3], $0x80, $0x38;
	[tilespmem:$0x4080] =	vst v63  }
0x1b: {  	p0 =	sne.s32 s13, $0x500;
	_ =	swait.ge [sflag:s7], $0x80  }
0x1c: {  	[sflag:s7] =	ssyncset.done $0x0  }
0x1d: {  	[sflag:s7] =	ssyncadd.s32 $0xFFFFFF80  }
0x1e: {  	[tilespmem:s8], [sflag:$0x1] =	stream.indirect.gather [hbm4b:s2+s8], $0x80, s3, s8, $0xb8;
	[tilespmem:$0x4080] =	vst v63  }
0x1f: {  	_ =	swait.ge [sflag:s9], $0x4000  }
.Ltmp0:
0x20: {  	[sflag:s9] =	ssyncset.done $0x0;
	(pc) =	sbr.rel @p0 .LBB2_2-.Ltmp0, $4  }
0x21: {  	[sflag:s9] =	ssyncadd.s32 $0xFFFFC000  }
0x22: {  	[hbm4b:s11+s3] =	stream.linear.scatter [tilespmem:s8], [sflag:$0x2], $0x4000, $0x38;
	[tilespmem:$0x4080] =	vst v63  }
0x23: {  	_ =	swait.ge [sflag:s7], $0x4000  }
0x24: {  	s13 =	smov.u32 s15;
	s11 =	sadd.s32 $0x800, s11;
	[sflag:s7] =	ssyncset.done $0x0  }
0x25: {  	s12 =	sadd.s32 s12, s6;
	[sflag:s7] =	ssyncadd.s32 $0xFFFFC000  }
0x26: {  	[tilespmem:s3], [sflag:$0x2] =	stream.linear.gather [hbm4b:s12+s3], $0x80, $0x38;
	[tilespmem:$0x4080] =	vst v63  }
0x27: {  	_ =	swait.ge [sflag:s7], $0x80  }
0x28: {  	[sflag:s7] =	ssyncset.done $0x0  }
0x29: {  	[sflag:s7] =	ssyncadd.s32 $0xFFFFFF80  }
0x2a: {  	[tilespmem:s8], [sflag:$0x1] =	stream.indirect.gather [hbm4b:s2+s8], $0x80, s3, s8, $0xb8;
	[tilespmem:$0x4080] =	vst v63  }
0x2b: {  	s10 =	sadd.s32 $0x1, s10;
	_ =	swait.ge [sflag:s9], $0x4000  }
0x2c: {  	p0 =	sne.s32 s10, s4;
	[sflag:s9] =	ssyncset.done $0x0  }
.Ltmp1:
0x2d: {  	[sflag:s9] =	ssyncadd.s32 $0xFFFFC000;
	(pc) =	sbr.rel @p0 .LBB2_1-.Ltmp1, $4  }
0x2e: {  	[hbm4b:s11+s3] =	stream.linear.scatter [tilespmem:s8], [sflag:$0x2], $0x4000, $0x38;
	[tilespmem:$0x4080] =	vst v63  }
0x2f: {  	_ =	swait.ge [sflag:s7], $0x4000  }
0x30: {  	[sflag:s7] =	ssyncset.done $0x0  }
0x31: {  	[sflag:s7] =	ssyncadd.s32 $0xFFFFC000  }
0x32: {  	_ =	sfence.sel $0x180000  }
0x33: {  	[bflag:$0x0] =	sbarrier.arrive $0xFFFF  }
0x34: {  	p0 =	sne.s32 s1, $0x0;
	_ =	strace $0x9000004D  }
0x35: {  	s0 =	sadd.s32 @!p0 $0x100000, s0;
	[bflag:$0x2] =	sbarrier.arrive $0xFFFF  }
0x36: {  	[sflag:s0] =	ssyncadd.tile.s32 @!p0 $0x1;
	_ =	shalt  }
.Lfunc_end2:
_tile_overlayer_lowered:
.L_overlay_start_2:
0x37: {  	(tag) =	ssettag $0x2  }
0x38: {  	s0 =	rddreg [dreg:$0x0];
	s2 =	stileid.u32  }
0x39: {  	s1 =	rddreg [dreg:$0x1];
	p0 =	sne.s32 s2, $0x0  }
0x3a: {  	s3 =	rddreg [dreg:$0x2];
	[bflag:$0x3] =	sbarrier.arrive $0xFFFF;
	s2 =	simm.s32 @!p0 $0x1C02  }
0x3b: {  	[timem:s3], [sflag:s2] =	dma.local @!p0 [hbm:s0], s1  }
0x3c: {  	s0 =	simm.s32 @!p0 $0x2  }
0x3d: {  	_ =	swait.ge @!p0 [sflag:s0], s1  }
0x3e: {  	s1 =	ssub.s32 @!p0 $0x0, s1;
	[sflag:s0] =	ssyncset.done @!p0 $0x0  }
0x3f: {  	[sflag:s0] =	ssyncadd.s32 @!p0 s1  }
0x40: {  	[bflag:$0x3] =	sbarrier.arrive $0xFFFF  }
0x41: {  	_ =	shalt  }

// kernel: kernel.22.cloned.1.call-start
scs
__scs_entry_jumppad:
0x0: {  	(pc) =	sbr.rel $0x88, $3  }
0x1: {  	(tag) =	ssettag $0x0;
	lr =	simm.s32 $0x1  }
0x2: {  	[smem:$0x3F87] =	sst lr;
	_ =	strace $0xD0000000  }
0x3: {  	_ = 	snop  }
0x4: {  	_ = 	snop  }
0x5: {  	_ = 	snop  }
0x6: {  	_ = 	snop  }
0x7: {  	_ = 	snop  }
__scs_overlays_trampoline_lowered:
0x8: {  	[smem:$0x3F96] =	sst s0  }
0x9: {  	[smem:$0x3F97] =	sst s1  }
0xa: {  	[smem:$0x3F98] =	sst s2  }
0xb: {  	[smem:$0x3F99] =	sst s3  }
0xc: {  	[smem:$0x3F9A] =	sst s4  }
0xd: {  	[smem:$0x3F9B] =	sst s5  }
0xe: {  	[smem:$0x3F9C] =	sst s6  }
0xf: {  	[smem:$0x3F9D] =	sst s7  }
0x10: {  	[smem:$0x3F9E] =	sst s8  }
0x11: {  	[smem:$0x3F9F] =	sst s9;
	s0 =	simm.s32 @!p0 $0x0  }
0x12: {  	s1 =	sld [smem:$0x3F85];
	s0 =	simm.s32 @p0 $0x1  }
0x13: {  	[smem:$0x3FA0] =	sst s0;
	s0 =	simm.s32 @!p1 $0x0  }
0x14: {  	s2 =	sld [smem:$0x3F84];
	s0 =	simm.s32 @p1 $0x1  }
0x15: {  	[smem:$0x3FA1] =	sst s0;
	s0 =	simm.s32 @!p2 $0x0  }
0x16: {  	s3 =	sld [smem:$0x3FDB];
	s0 =	simm.s32 @p2 $0x1  }
0x17: {  	s4 =	simm.s32 $0x1BF5;
	[smem:$0x3FA3] =	sst s0  }
0x18: {  	s0 =	sld [smem:$0x3F86];
	_ =	swait.ge [sflag:s4], $0x0  }
0x19: {  	s7 =	sld [smem:$0x3F87]  }
0x1a: {  	s8 =	sadd.s32 $0xFFFFE003, lr  }
0x1b: {  	s9 =	sadd.s32 $0xFFFFFEF7, lr;
	s5 =	simm.s32 $0xFFFFFFFF;
	p2 =	slt.u32 s8, $0xFFFFF086  }
0x1c: {  	p1 =	slt.u32 s9, $0xF7A;
	s5 =	simm.s32 @!p2 $0x0  }
0x1d: {  	s5 =	simm.s32 @p1 $0x1;
	p0 =	seq.s32 s7, s2  }
0x1e: {  	s7 =	smul.u32 @!p0 $0xF7A, s2;
	p2 =	seq.s32 @!p0 s5, $0x0  }
0x1f: {  	s9 =	smul.u32 $0xF7A, s1;
	s8 =	simm.s32 @!p0 $0x1BF5;
	p2 =	por !p2, p0  }
0x20: {  	[sflag:s8] =	ssyncset.s32 @!p0 $0xFFFFF086;
	s6 =	sadd.s32 @!p0 s3, s7;
	s7 =	simm.s32 @!p0 $0x108  }
0x21: {  	s3 =	sadd.s32 s3, s9;
	s6 =	sadd.s32 @!p0 $0x88, s6;
	s7 =	simm.s32 @p2 $0x1082  }
0x22: {  	[simem:s7], [sflag:s8] =	dma.local @!p0 [hbm:s6], $0xF7A  }
0x23: {  	s9 =	sor.u32 $0xD0000000, s2;
	s6 =	simm.s32 $0x108;
	_ =	swait.ge @!p0 [sflag:s8], $0x0  }
0x24: {  	s3 =	sadd.s32 $0x88, s3;
	s6 =	simm.s32 @!p1 $0x1082;
	[sflag:s4] =	ssyncset.s32 $0xFFFFF086  }
0x25: {  	[simem:s6], [sflag:s4] =	dma.local [hbm:s3], $0xF7A  }
0x26: {  	[smem:$0x3F87] =	sst s1;
	(tag) =	ssettag s2;
	_ =	strace s9  }
0x27: {  	s1 =	sld [smem:$0x3F97]  }
0x28: {  	s2 =	sld [smem:$0x3F98]  }
0x29: {  	s4 =	sld [smem:$0x3F9A]  }
0x2a: {  	p0 =	seq.s32 s5, $0x0;
	s5 =	sld [smem:$0x3F9B]  }
0x2b: {  	s6 =	sld [smem:$0x3F9C]  }
0x2c: {  	s7 =	sld [smem:$0x3F9D]  }
0x2d: {  	s3 =	simm.s32 $0x108;
	s8 =	sld [smem:$0x3F9E]  }
0x2e: {  	s3 =	simm.s32 @!p0 $0x1082;
	s9 =	sld [smem:$0x3F9F]  }
0x2f: {  	lr =	sadd.s32 s0, s3;
	s0 =	sld [smem:$0x3F96]  }
0x30: {  	s3 =	sld [smem:$0x3F99]  }
0x31: {  	[smem:$0x3FA2] =	sst s10  }
0x32: {  	s10 =	sld [smem:$0x3FA0];
	_ =	sdelay $0x3  }
0x33: {  	p0 =	seq.s32 s10, $0x1;
	s10 =	sld [smem:$0x3FA2];
	_ =	sdelay $0x3  }
0x34: {  	[smem:$0x3FA2] =	sst s10  }
0x35: {  	s10 =	sld [smem:$0x3FA1];
	_ =	sdelay $0x3  }
0x36: {  	p1 =	seq.s32 s10, $0x1;
	s10 =	sld [smem:$0x3FA2];
	_ =	sdelay $0x3  }
0x37: {  	[smem:$0x3FA2] =	sst s10  }
0x38: {  	s10 =	sld [smem:$0x3FA3]  }
0x39: {  	_ = 	snop;
	(pc) =	sbr.ind lr, $3  }
0x3a: {  	_ = 	snop  }
0x3b: {  	_ = 	snop  }
0x3c: {  	p2 =	seq.s32 s10, $0x1;
	s10 =	sld [smem:$0x3FA2]  }
0x3d: {  	_ =	shalt  }
0x3e: {  	_ =	shalt  }
0x3f: {  	_ =	shalt  }
0x40: {  	_ =	shalt  }
0x41: {  	_ =	shalt  }
0x42: {  	_ =	shalt  }
0x43: {  	_ =	shalt  }
0x44: {  	_ =	shalt  }
0x45: {  	_ =	shalt  }
0x46: {  	_ =	shalt  }
0x47: {  	_ =	shalt  }
0x48: {  	_ =	shalt  }
0x49: {  	_ =	shalt  }
0x4a: {  	_ =	shalt  }
0x4b: {  	_ =	shalt  }
0x4c: {  	_ =	shalt  }
0x4d: {  	_ =	shalt  }
0x4e: {  	_ =	shalt  }
0x4f: {  	_ =	shalt  }
0x50: {  	_ =	shalt  }
0x51: {  	_ =	shalt  }
0x52: {  	_ =	shalt  }
0x53: {  	_ =	shalt  }
0x54: {  	_ =	shalt  }
0x55: {  	_ =	shalt  }
0x56: {  	_ =	shalt  }
0x57: {  	_ =	shalt  }
0x58: {  	_ =	shalt  }
0x59: {  	_ =	shalt  }
0x5a: {  	_ =	shalt  }
0x5b: {  	_ =	shalt  }
0x5c: {  	_ =	shalt  }
0x5d: {  	_ =	shalt  }
0x5e: {  	_ =	shalt  }
0x5f: {  	_ =	shalt  }
0x60: {  	_ =	shalt  }
0x61: {  	_ =	shalt  }
0x62: {  	_ =	shalt  }
0x63: {  	_ =	shalt  }
0x64: {  	_ =	shalt  }
0x65: {  	_ =	shalt  }
0x66: {  	_ =	shalt  }
0x67: {  	_ =	shalt  }
0x68: {  	_ =	shalt  }
0x69: {  	_ =	shalt  }
0x6a: {  	_ =	shalt  }
0x6b: {  	_ =	shalt  }
0x6c: {  	_ =	shalt  }
0x6d: {  	_ =	shalt  }
0x6e: {  	_ =	shalt  }
0x6f: {  	_ =	shalt  }
0x70: {  	_ =	shalt  }
0x71: {  	_ =	shalt  }
0x72: {  	_ =	shalt  }
0x73: {  	_ =	shalt  }
0x74: {  	_ =	shalt  }
0x75: {  	_ =	shalt  }
0x76: {  	_ =	shalt  }
0x77: {  	_ =	shalt  }
0x78: {  	_ =	shalt  }
0x79: {  	_ =	shalt  }
0x7a: {  	_ =	shalt  }
0x7b: {  	_ =	shalt  }
0x7c: {  	_ =	shalt  }
0x7d: {  	_ =	shalt  }
0x7e: {  	_ =	shalt  }
0x7f: {  	_ =	shalt  }
0x80: {  	_ =	shalt  }
0x81: {  	_ =	shalt  }
0x82: {  	_ =	shalt  }
0x83: {  	_ =	shalt  }
0x84: {  	_ =	shalt  }
0x85: {  	_ =	shalt  }
0x86: {  	_ =	shalt  }
0x87: {  	_ =	shalt  }
.Lfunc_end0:
.L_simem_size_0:
called_computation.3_lowered:
.L_overlay_start_0:
0x88: {  	s2 =	sld [smem:$0x3FD9]  }
0x89: {  	s3 =	sld [smem:$0x3FFE];
	_ =	sdelay $0x1  }
0x8a: {  	s1 =	srdreg.scid  }
0x8b: {  	s0 =	sand.u32 $0x1, s1  }
0x8c: {  	s17 =	sshll.u32 s0, $0xA;
	s2 =	sadd.s32 s3, s2  }
0x8d: {  	s2 =	sadd.s32 s2, s17  }
0x8e: {  	[smem:$0x3FAE] =	sst s2  }
0x8f: {  	_ = 	snop  }
0x90: {  	s2 =	sld [smem:$0x3FD0];
	(tm) =	ssettm $0x1  }
0x91: {  	s18 =	sld [smem:$0x3FFB];
	_ =	sdelay $0x3  }
0x92: {  	_ =	strace s18  }
0x93: {  	s3 =	sld [smem:$0x3FFC];
	_ =	sdelay $0x3  }
0x94: {  	_ =	strace s3  }
0x95: {  	s3 =	sld [smem:$0x3FFD];
	_ =	sdelay $0x3  }
0x96: {  	_ =	strace s3  }
0x97: {  	_ =	strace $0x8FFFFFFF  }
0x98: {  	s19 =	sld [smem:$0x3FDB];
	_ =	sdelay $0x1  }
0x99: {  	s4 =	simm.s32 $_scs_section_size  }
0x9a: {  	s5 =	simm.s32 $_size__tile_overlayer_lowered;
	s6 =	simm.s32 $_tile_overlayer_lowered  }
0x9b: {  	s22 =	simm.s32 $0x1BFF;
	s21 =	sshll.u32 s6, $0x1;
	s3 =	sadd.s32 s4, s19  }
0x9c: {  	s7 =	simm.s32 $0x0;
	s20 =	sshll.u32 s5, $0x1;
	s5 =	sadd.s32 s21, s3  }
0x9d: {  	[timem:s7], [sflag:s22] =	dma.local [hbm:s5], s20  }
0x9e: {  	_ =	swait.ge [sflag:s22], s20  }
0x9f: {  	s4 =	ssub.s32 $0x0, s20;
	[sflag:s22] =	ssyncset.done $0x0  }
0xa0: {  	[sflag:s22] =	ssyncadd.s32 s4;
	_ =	sdelay $0x1  }
0xa1: {  	s23 =	simm.s32 $0x1B8B  }
0xa2: {  	_ =	swait.ge [sflag:s23], $0x1  }
0xa3: {  	[sflag:s23] =	ssyncset.done $0x0  }
0xa4: {  	s25 =	simm.s32 $0x1B8E;
	s24 =	sld [smem:$0x3FFE];
	[sflag:s23] =	ssyncadd.s32 $0xFFFFFFFF  }
0xa5: {  	s26 =	simm.s32 $execute0_lowered;
	[smem:$0x3FD2] =	sst s25  }
0xa6: {  	s5 =	sshll.u32 s26, $0x1;
	_ =	strace $0x8000004F;
	[dreg:$0x1] =	wrdreg $0xFFFFFFFF  }
0xa7: {  	s28 =	simm.s32 $_size_execute0_lowered;
	s3 =	sadd.s32 s3, s5;
	[dreg:$0x0] =	wrdreg $0x0  }
0xa8: {  	s5 =	sshll.u32 s28, $0x1;
	[dreg:$0x2] =	wrdreg s3  }
0xa9: {  	[dreg:$0x3] =	wrdreg s5  }
0xaa: {  	[dreg:$0x4] =	wrdreg $0xC0  }
0xab: {  	_ =	task [dreg:s7], $0x5FFFF  }
0xac: {  	[dreg:$0x1] =	wrdreg $0xFFFFFFFF  }
0xad: {  	[dreg:$0x0] =	wrdreg $0x60  }
0xae: {  	[dreg:$0x2] =	wrdreg s24  }
0xaf: {  	[dreg:$0x3] =	wrdreg s2  }
0xb0: {  	[dreg:$0x4] =	wrdreg $0x81000  }
0xb1: {  	[dreg:$0x5] =	wrdreg $0x11D400  }
0xb2: {  	[dreg:$0x6] =	wrdreg $0x9  }
0xb3: {  	_ =	task.clear_ibuf [dreg:s7], $0x7FFFF;
	_ =	strace $0x9000004F  }
0xb4: {  	s29 =	simm.s32 $0x9;
	_ =	strace $0x80000051  }
0xb5: {  	_ =	swait.ge [sflag:s29], $0x1  }
0xb6: {  	[sflag:s29] =	ssyncadd.s32 $0xFFFFFFFF  }
0xb7: {  	_ =	strace $0x90000051  }
0xb8: {  	_ =	sfence  }
0xb9: {  	s30 =	sld [smem:$0x0];
	_ =	sdelay $0x2  }
0xba: {  	s31 =	sshll.u32 s1, $0xD;
	s1 =	sshrl.u32 s1, $0x2  }
0xbb: {  	s3 =	sand.u32 $0x4000, s31;
	s1 =	sadd.s32 s1, s30  }
0xbc: {  	s0 =	sor.u32 s3, s0;
	s1 =	sshll.u32 s1, $0x11  }
0xbd: {  	s0 =	sor.u32 s1, s0  }
0xbe: {  	s0 =	sadd.s32 $0x8F2B, s0  }
0xbf: {  	[sflag:s0] =	ssyncadd.remote.s32 $0x1  }
0xc0: {  	_ =	sfence.sel $0xFFFF  }
0xc1: {  	[dreg:$0x0] =	wrdreg $0xFFFFFFFF;
	(pc) =	sbr.abs _section_cstart, $3  }
0xc2: {  	[dreg:$0x1] =	wrdreg $0xFFFFFFFF  }
0xc3: {  	_ =	task.clear_ibuf [dreg:s7], $0x2FFFF;
	_ =	strace $0x9FFFFFFF  }
0xc4: {  	(tm) =	ssettm $0x7FFFFFFF  }
0xc5: {  	_ =	shalt  }
tec
execute0_lowered:
.L_overlay_start_1:
0x0: {  	(tag) =	ssettag $0x1  }
0x1: {  	s0 =	rddreg [dreg:$0x0]  }
0x2: {  	s2 =	rddreg [dreg:$0x1]  }
0x3: {  	s1 =	rddreg [dreg:$0x2]  }
0x4: {  	s3 =	rddreg [dreg:$0x3];
	s4 =	simm.s32 $0x0;
	s16 =	stileid.u32  }
0x5: {  	s5 =	srdreg.scid;
	s28 =	simm.s32 $0x4100;
	s29 =	simm.s32 $0x6100  }
0x6: {  	s30 =	simm.s32 $0x1;
	s31 =	simm.s32 $0x2;
	s10 =	smul.u32 $0x13880, s16  }
0x7: {  	s9 =	sand.u32 $0x1, s5;
	s5 =	sadd.s32 $0x52D800, s0;
	s12 =	smul.u32 $0x9C40, s16  }
0x8: {  	[smem:$0x7FF] =	sst s4;
	s7 =	sadd.s32 $0x1485E00, s0;
	s14 =	smul.u32 $0x288000, s16  }
0x9: {  	s8 =	sadd.s32 $0x4400, s0;
	s21 =	sshll.u32 s16, $0x6;
	s15 =	smul.u32 $0xA20, s16  }
0xa: {  	s16 =	smul.u32 $0xA2, s16;
	_ =	strace $0x80000050;
	s6 =	sshll.u32 s9, $0x6  }
0xb: {  	s9 =	ssub.s32 $0x2, s9;
	s10 =	sor.u32 s6, s10;
	s11 =	sshrl.u32 s12, $0x3  }
0xc: {  	s19 =	sshrl.u32 s9, $0x1;
	s20 =	sadd.s32 s12, s1;
	s14 =	sor.u32 s6, s14  }
0xd: {  	s12 =	sadd.s32 s12, s3;
	s15 =	sadd.s32 s8, s15;
	s23 =	sadd.s32 $0x2, s16  }
0xe: {  	s13 =	sshrl.u32 s10, $0x3;
	s18 =	sadd.s32 s11, s0;
	[dreg:$0x6] =	wrdreg s20  }
0xf: {  	s9 =	ssub.s32 s9, s19;
	s11 =	sor.u32 $0x1C03, s21;
	[dreg:$0x7] =	wrdreg s12  }
0x10: {  	s22 =	sshrl.u32 s14, $0x3;
	[dreg:$0x5] =	wrdreg s23;
	s24 =	sor.u32 $0x4000, s14  }
0x11: {  	[dreg:$0x8] =	wrdreg s15;
	s23 =	simm.s32 $0x40;
	s0 =	sadd.s32 s13, s0  }
0x12: {  	s10 =	sadd.s32 $0xE600, s18;
	s17 =	sadd.s32 s5, s22;
	s12 =	sadd.s32 s7, s22  }
0x13: {  	s2 =	sadd.s32 s2, s13;
	s25 =	smax.u32 s9, $0x1;
	[dreg:$0x9] =	wrdreg s17  }
0x14: {  	s26 =	sshrl.u32 s24, $0x3;
	s13 =	sadd.s32 $0x10, s15;
	[dreg:$0xa] =	wrdreg s12  }
0x15: {  	s22 =	simm.s32 $0x3;
	s24 =	simm.s32 $0x80;
	[dreg:$0xb] =	wrdreg s2  }
0x16: {  	s9 =	simm.s32 $0x0;
	s0 =	sadd.s32 $0x22000, s0;
	[dreg:$0xd] =	wrdreg s25  }
0x17: {  	s17 =	sadd.s32 s26, s7;
	s21 =	sadd.s32 s26, s5;
	s25 =	simm.s32 $0x2080  }
0x18: {  	s26 =	simm.s32 $0x4080;
	s2 =	simm.s32 $0x8;
	[dreg:$0xc] =	wrdreg s0  }
.LBB2_1:
0x19: {  	s0 =	rddreg [dreg:$0x6]  }
0x1a: {  	s12 =	sshrl.u32 s0, $0x3  }
0x1b: {  	[spmem:s12], [sflag:s11] =	dma.local [hbm:s10], $0x1388  }
0x1c: {  	_ =	swait.ge [sflag:s22], $0x1388  }
0x1d: {  	[sflag:s22] =	ssyncset.done $0x0;
	s15 =	rddreg [dreg:$0x7]  }
0x1e: {  	[sflag:s22] =	ssyncadd.s32 $0xFFFFEC78;
	s14 =	sshrl.u32 s15, $0x3  }
0x1f: {  	[spmem:s14], [sflag:s11] =	dma.local [hbm:s10], $0x1388  }
0x20: {  	_ =	swait.ge [sflag:s22], $0x1388  }
0x21: {  	[sflag:s22] =	ssyncset.done $0x0  }
0x22: {  	[sflag:s22] =	ssyncadd.s32 $0xFFFFEC78  }
0x23: {  	[bflag:$0x0] =	sbarrier.arrive $0xFFFF  }
0x24: {  	s16 =	rddreg [dreg:$0x8]  }
0x25: {  	[tilespmem:s4], [sflag:$0x1] =	stream.linear.gather [hbm4b:s16+s4], $0x80, $0x38;
	[tilespmem:$0x1B980] =	vst v63  }
0x26: {  	s18 =	rddreg [dreg:$0x9]  }
0x27: {  	[tilespmem:s24], [sflag:$0x1] =	stream.strided.gather [hbm4b:s18+s23], $0x2000, s24, s23, $0x38;
	[tilespmem:$0x1B980] =	vst v63  }
0x28: {  	s19 =	rddreg [dreg:$0xa]  }
0x29: {  	[tilespmem:s25], [sflag:$0x1] =	stream.strided.gather [hbm4b:s19+s23], $0x2000, s24, s23, $0x38;
	[tilespmem:$0x1B980] =	vst v63  }
0x2a: {  	_ = 	snop  }
0x2b: {  	[tilespmem:s26], [sflag:$0x2] =	stream.linear.gather [hbm4b:s13+s4], $0x80, $0x38;
	[tilespmem:$0x1B980] =	vst v63  }
0x2c: {  	_ = 	snop  }
0x2d: {  	[tilespmem:s28], [sflag:$0x2] =	stream.strided.gather [hbm4b:s21+s23], $0x2000, s24, s23, $0x38;
	[tilespmem:$0x1B980] =	vst v63  }
0x2e: {  	_ = 	snop  }
0x2f: {  	[tilespmem:s29], [sflag:$0x2] =	stream.strided.gather [hbm4b:s17+s23], $0x2000, s24, s23, $0x38;
	[tilespmem:$0x1B980] =	vst v63  }
0x30: {  	_ =	swait.ge [sflag:s30], $0x80  }
0x31: {  	[sflag:s30] =	ssyncset.done $0x0  }
0x32: {  	[sflag:s30] =	ssyncadd.s32 $0xFFFFFF80  }
0x33: {  	_ =	swait.ge [sflag:s30], $0x2000  }
0x34: {  	[sflag:s30] =	ssyncset.done $0x0  }
0x35: {  	[sflag:s30] =	ssyncadd.s32 $0xFFFFE000  }
0x36: {  	_ =	swait.ge [sflag:s30], $0x2000  }
0x37: {  	[sflag:s30] =	ssyncset.done $0x0  }
0x38: {  	[sflag:s30] =	ssyncadd.s32 $0xFFFFE000  }
0x39: {  	[spmem:s1] =	stream.indirect.scatter.add.f32 [tilespmem:s24], [sflag:$0x3], $0x40, s4, s24, $0xb8;
	[tilespmem:$0x1B980] =	vst v63  }
0x3a: {  	_ =	swait.ge [sflag:s22], $0x2000  }
0x3b: {  	[sflag:s22] =	ssyncset.done $0x0  }
0x3c: {  	[sflag:s22] =	ssyncadd.s32 $0xFFFFE000  }
0x3d: {  	[spmem:s3] =	stream.indirect.scatter.add.f32 [tilespmem:s25], [sflag:$0x3], $0x40, s4, s24, $0xb8;
	[tilespmem:$0x1B980] =	vst v63  }
0x3e: {  	_ =	swait.ge [sflag:s22], $0x2000  }
0x3f: {  	s16 =	smin.u32 s4, $0x9F;
	s15 =	rddreg [dreg:$0x5]  }
0x40: {  	s15 =	sadd.s32 s16, s15  }
0x41: {  	[sflag:s22] =	ssyncset.done $0x0;
	s16 =	sshll.u32 s15, $0x4;
	s15 =	sshll.u32 s15, $0xE  }
0x42: {  	[sflag:s22] =	ssyncadd.s32 $0xFFFFE000;
	s16 =	sadd.s32 s8, s16;
	s15 =	sor.u32 s6, s15  }
0x43: {  	[tilespmem:s4], [sflag:$0x1] =	stream.linear.gather [hbm4b:s16+s4], $0x80, $0x38;
	[tilespmem:$0x1B980] =	vst v63  }
0x44: {  	s15 =	sshrl.u32 s15, $0x3  }
0x45: {  	s20 =	sadd.s32 s5, s15  }
0x46: {  	[tilespmem:s24], [sflag:$0x1] =	stream.strided.gather [hbm4b:s20+s23], $0x2000, s24, s23, $0x38;
	[tilespmem:$0x1B980] =	vst v63  }
0x47: {  	s15 =	sadd.s32 s7, s15  }
0x48: {  	[tilespmem:s25], [sflag:$0x1] =	stream.strided.gather [hbm4b:s15+s23], $0x2000, s24, s23, $0x38;
	[tilespmem:$0x1B980] =	vst v63  }
0x49: {  	_ =	swait.ge [sflag:s31], $0x80  }
0x4a: {  	[sflag:s31] =	ssyncset.done $0x0  }
0x4b: {  	[sflag:s31] =	ssyncadd.s32 $0xFFFFFF80  }
0x4c: {  	_ =	swait.ge [sflag:s31], $0x2000  }
0x4d: {  	[sflag:s31] =	ssyncset.done $0x0  }
0x4e: {  	[sflag:s31] =	ssyncadd.s32 $0xFFFFE000  }
0x4f: {  	_ =	swait.ge [sflag:s31], $0x2000  }
0x50: {  	[sflag:s31] =	ssyncset.done $0x0  }
0x51: {  	[sflag:s31] =	ssyncadd.s32 $0xFFFFE000  }
0x52: {  	[spmem:s1] =	stream.indirect.scatter.add.f32 [tilespmem:s28], [sflag:$0x3], $0x40, s26, s24, $0xb8;
	[tilespmem:$0x1B980] =	vst v63  }
0x53: {  	_ =	swait.ge [sflag:s22], $0x2000  }
0x54: {  	[sflag:s22] =	ssyncset.done $0x0  }
0x55: {  	s19 =	smov.u32 s13;
	s16 =	sadd.s32 $0x1000, s21;
	[sflag:s22] =	ssyncadd.s32 $0xFFFFE000  }
0x56: {  	[spmem:s3] =	stream.indirect.scatter.add.f32 [tilespmem:s29], [sflag:$0x3], $0x40, s26, s24, $0xb8;
	[tilespmem:$0x1B980] =	vst v63  }
0x57: {  	s20 =	smov.u32 s17;
	s15 =	simm.s32 $0x2;
	_ =	swait.ge [sflag:s22], $0x2000  }
.LBB2_2:
0x58: {  	[sflag:s22] =	ssyncset.done $0x0  }
0x59: {  	s19 =	sadd.s32 $0x20, s19;
	[sflag:s22] =	ssyncadd.s32 $0xFFFFE000  }
0x5a: {  	[tilespmem:s26], [sflag:$0x2] =	stream.linear.gather [hbm4b:s19+s4], $0x80, $0x38;
	[tilespmem:$0x1B980] =	vst v63  }
0x5b: {  	_ = 	snop  }
0x5c: {  	[tilespmem:s28], [sflag:$0x2] =	stream.strided.gather [hbm4b:s16+s23], $0x2000, s24, s23, $0x38;
	[tilespmem:$0x1B980] =	vst v63  }
0x5d: {  	s20 =	sadd.s32 $0x1000, s20  }
0x5e: {  	[tilespmem:s29], [sflag:$0x2] =	stream.strided.gather [hbm4b:s20+s23], $0x2000, s24, s23, $0x38;
	[tilespmem:$0x1B980] =	vst v63  }
0x5f: {  	_ =	swait.ge [sflag:s30], $0x80  }
0x60: {  	[sflag:s30] =	ssyncset.done $0x0  }
0x61: {  	[sflag:s30] =	ssyncadd.s32 $0xFFFFFF80  }
0x62: {  	_ =	swait.ge [sflag:s30], $0x2000  }
0x63: {  	[sflag:s30] =	ssyncset.done $0x0  }
0x64: {  	[sflag:s30] =	ssyncadd.s32 $0xFFFFE000  }
0x65: {  	_ =	swait.ge [sflag:s30], $0x2000  }
0x66: {  	[sflag:s30] =	ssyncset.done $0x0  }
0x67: {  	[sflag:s30] =	ssyncadd.s32 $0xFFFFE000  }
0x68: {  	[spmem:s1] =	stream.indirect.scatter.add.f32 [tilespmem:s24], [sflag:$0x3], $0x40, s4, s24, $0xb8;
	[tilespmem:$0x1B980] =	vst v63  }
0x69: {  	_ =	swait.ge [sflag:s22], $0x2000  }
0x6a: {  	[sflag:s22] =	ssyncset.done $0x0  }
0x6b: {  	[sflag:s22] =	ssyncadd.s32 $0xFFFFE000  }
0x6c: {  	[spmem:s3] =	stream.indirect.scatter.add.f32 [tilespmem:s25], [sflag:$0x3], $0x40, s4, s24, $0xb8;
	[tilespmem:$0x1B980] =	vst v63  }
0x6d: {  	s18 =	smov.u32 s15;
	_ =	swait.ge [sflag:s22], $0x2000  }
0x6e: {  	s18 =	smin.u32 s18, $0x9F;
	s0 =	rddreg [dreg:$0x5]  }
0x6f: {  	s0 =	sadd.s32 s18, s0  }
0x70: {  	[sflag:s22] =	ssyncset.done $0x0;
	s18 =	sshll.u32 s0, $0x4;
	s0 =	sshll.u32 s0, $0xE  }
0x71: {  	[sflag:s22] =	ssyncadd.s32 $0xFFFFE000;
	s18 =	sadd.s32 s8, s18;
	s0 =	sor.u32 s6, s0  }
0x72: {  	[tilespmem:s4], [sflag:$0x1] =	stream.linear.gather [hbm4b:s18+s4], $0x80, $0x38;
	[tilespmem:$0x1B980] =	vst v63  }
0x73: {  	s0 =	sshrl.u32 s0, $0x3  }
0x74: {  	s18 =	sadd.s32 s5, s0  }
0x75: {  	[tilespmem:s24], [sflag:$0x1] =	stream.strided.gather [hbm4b:s18+s23], $0x2000, s24, s23, $0x38;
	[tilespmem:$0x1B980] =	vst v63  }
0x76: {  	s0 =	sadd.s32 s7, s0  }
0x77: {  	[tilespmem:s25], [sflag:$0x1] =	stream.strided.gather [hbm4b:s0+s23], $0x2000, s24, s23, $0x38;
	[tilespmem:$0x1B980] =	vst v63  }
0x78: {  	_ =	swait.ge [sflag:s31], $0x80  }
0x79: {  	[sflag:s31] =	ssyncset.done $0x0  }
0x7a: {  	[sflag:s31] =	ssyncadd.s32 $0xFFFFFF80  }
0x7b: {  	_ =	swait.ge [sflag:s31], $0x2000  }
0x7c: {  	[sflag:s31] =	ssyncset.done $0x0  }
0x7d: {  	[sflag:s31] =	ssyncadd.s32 $0xFFFFE000  }
0x7e: {  	_ =	swait.ge [sflag:s31], $0x2000  }
0x7f: {  	[sflag:s31] =	ssyncset.done $0x0  }
0x80: {  	p0 =	sne.s32 s15, $0xA0;
	[sflag:s31] =	ssyncadd.s32 $0xFFFFE000  }
0x81: {  	[spmem:s1] =	stream.indirect.scatter.add.f32 [tilespmem:s28], [sflag:$0x3], $0x40, s26, s24, $0xb8;
	[tilespmem:$0x1B980] =	vst v63  }
.Ltmp0:
0x82: {  	_ =	swait.ge [sflag:s22], $0x2000;
	(pc) =	sbr.rel @p0 .LBB2_2-.Ltmp0, $4  }
0x83: {  	[sflag:s22] =	ssyncset.done $0x0  }
0x84: {  	[sflag:s22] =	ssyncadd.s32 $0xFFFFE000  }
0x85: {  	[spmem:s3] =	stream.indirect.scatter.add.f32 [tilespmem:s29], [sflag:$0x3], $0x40, s26, s24, $0xb8;
	[tilespmem:$0x1B980] =	vst v63  }
0x86: {  	s15 =	sadd.s32 $0x2, s15;
	s16 =	sadd.s32 $0x1000, s16;
	_ =	swait.ge [sflag:s22], $0x2000  }
0x87: {  	[sflag:s22] =	ssyncset.done $0x0  }
0x88: {  	[sflag:s22] =	ssyncadd.s32 $0xFFFFE000  }
0x89: {  	_ =	swait.ge [sflag:s30], $0x80  }
0x8a: {  	[sflag:s30] =	ssyncset.done $0x0  }
0x8b: {  	[sflag:s30] =	ssyncadd.s32 $0xFFFFFF80  }
0x8c: {  	_ =	swait.ge [sflag:s30], $0x2000  }
0x8d: {  	[sflag:s30] =	ssyncset.done $0x0  }
0x8e: {  	[sflag:s30] =	ssyncadd.s32 $0xFFFFE000  }
0x8f: {  	_ =	swait.ge [sflag:s30], $0x2000  }
0x90: {  	[sflag:s30] =	ssyncset.done $0x0  }
0x91: {  	[sflag:s30] =	ssyncadd.s32 $0xFFFFE000  }
0x92: {  	[bflag:$0x0] =	sbarrier.arrive $0xFFFF  }
0x93: {  	s15 =	simm.s32 $0x10;
	s0 =	rddreg [dreg:$0xb]  }
0x94: {  	[hbm:s0@s15], [sflag:s11] =	dma.strided [spmem:s12@s2], $0x1388, s30, $0x8   }
0x95: {  	_ =	swait.ge [sflag:s22], $0x1388  }
0x96: {  	[sflag:s22] =	ssyncset.done $0x0  }
0x97: {  	s19 =	rddreg [dreg:$0xc];
	[sflag:s22] =	ssyncadd.s32 $0xFFFFEC78  }
0x98: {  	[hbm:s19@s15], [sflag:s11] =	dma.strided [spmem:s14@s2], $0x1388, s30, $0x8   }
0x99: {  	_ =	swait.ge [sflag:s22], $0x1388  }
0x9a: {  	s9 =	sadd.s32 $0x1, s9;
	s20 =	rddreg [dreg:$0xd]  }
0x9b: {  	p0 =	sne.s32 s9, s20  }
.Ltmp1:
0x9c: {  	_ = 	snop;
	(pc) =	sbr.rel @p0 .LBB2_1-.Ltmp1, $3  }
0x9d: {  	_ =	sdelay $0x1  }
0x9e: {  	[sflag:s22] =	ssyncset.done $0x0  }
0x9f: {  	[sflag:s22] =	ssyncadd.s32 $0xFFFFEC78  }
0xa0: {  	_ =	sfence.sel $0x180000  }
0xa1: {  	[bflag:$0x0] =	sbarrier.arrive $0xFFFF  }
0xa2: {  	_ =	strace $0x90000050  }
0xa3: {  	s0 =	stileid.u32;
	[bflag:$0x2] =	sbarrier.arrive $0xFFFF  }
0xa4: {  	p0 =	sne.s32 s0, $0x0;
	s0 =	rddreg [dreg:$0x4]  }
0xa5: {  	s0 =	sadd.s32 @!p0 $0x100000, s0  }
0xa6: {  	[sflag:s0] =	ssyncadd.tile.s32 @!p0 $0x1;
	_ =	shalt  }
.Lfunc_end2:
_tile_overlayer_lowered:
.L_overlay_start_2:
0xa7: {  	(tag) =	ssettag $0x2  }
0xa8: {  	s0 =	rddreg [dreg:$0x0];
	s2 =	stileid.u32  }
0xa9: {  	s1 =	rddreg [dreg:$0x1];
	p0 =	sne.s32 s2, $0x0  }
0xaa: {  	s3 =	rddreg [dreg:$0x2];
	[bflag:$0x3] =	sbarrier.arrive $0xFFFF;
	s2 =	simm.s32 @!p0 $0x1C03  }
0xab: {  	[timem:s3], [sflag:s2] =	dma.local @!p0 [hbm:s0], s1  }
0xac: {  	s0 =	simm.s32 @!p0 $0x3  }
0xad: {  	_ =	swait.ge @!p0 [sflag:s0], s1  }
0xae: {  	s1 =	ssub.s32 @!p0 $0x0, s1;
	[sflag:s0] =	ssyncset.done @!p0 $0x0  }
0xaf: {  	[sflag:s0] =	ssyncadd.s32 @!p0 s1  }
0xb0: {  	[bflag:$0x3] =	sbarrier.arrive $0xFFFF  }
0xb1: {  	_ =	shalt  }

</sc_bundles>
